<compile_context>
chip_gen: v7x
topology: tpu7x:2x2x1
jax: 0.10.2.dev20260603
libtpu: 0.0.44.dev20260713+nightly
codegen_flags: <defaults>
</compile_context>

<pallas_src>
import jax
import jax.numpy as jnp
from jax import lax
from jax.experimental import pallas as pl
from jax.experimental.pallas import tpu as pltpu
from jax.experimental.pallas import tpu_sc as plsc

P, S, H, D, T = 512, 16, 8, 128, 2048
NK = S * 2 * H
ROWS = P * NK
NKEY = P * S
NC, NS = 2, 16
NW = NC * NS
KEYS_PER_W = NKEY // NW
ROWS_PER_W = ROWS // NW
NSCAN = T // 16
CROWS = 128
NBODY = ROWS_PER_W // (4 * CROWS)
SCANS_PER_IT = NSCAN // NBODY


def _gather16(x, idx):
    dn = lax.GatherDimensionNumbers(
        offset_dims=(), collapsed_slice_dims=(0,), start_index_map=(0,))
    return lax.gather(x, idx.reshape(16, 1), dn, (1,),
                      mode=lax.GatherScatterMode.PROMISE_IN_BOUNDS)


def _body(kv_hbm, tp_hbm, ts_hbm, nk_hbm, nv_hbm, out_hbm,
          tp_v, ts_v, last_v, tokl_v, keyl_v,
          idxsa_v, idxdka_v, idxdva_v, idxsb_v, idxdkb_v, idxdvb_v,
          sa0_v, sa1_v, sb0_v, sb1_v, spm_v,
          ra0, ra1, rb0, rb1, wa0, wa1, wb0, wb1):
    wid = lax.axis_index("s") * NC + lax.axis_index("c")
    sid = lax.axis_index("s")
    row0 = wid * ROWS_PER_W

    a0_v = spm_v.at[0]
    a1_v = spm_v.at[1]
    b0_v = spm_v.at[2]
    b1_v = spm_v.at[3]

    def crow(c):
        return row0 + c * CROWS

    pltpu.async_copy(kv_hbm.at[pl.ds(crow(0), CROWS)], a0_v, ra0)
    pltpu.async_copy(kv_hbm.at[pl.ds(crow(1), CROWS)], a1_v, ra1)
    pltpu.async_copy(kv_hbm.at[pl.ds(crow(2), CROWS)], b0_v, rb0)
    pltpu.async_copy(kv_hbm.at[pl.ds(crow(3), CROWS)], b1_v, rb1)

    pltpu.sync_copy(tp_hbm, tp_v)
    pltpu.sync_copy(ts_hbm, ts_v)

    iota = lax.iota(jnp.int32, 16)

    def init_body(i, _):
        last_v[pl.ds(i * 16, 16)] = jnp.full((16,), -1, jnp.int32)
        return 0
    lax.fori_loop(0, NKEY // 16, init_body, 0)

    def scan_step(i):
        base = i * 16
        p = tp_v[pl.ds(base, 16)]
        s = ts_v[pl.ds(base, 16)]
        key = p * S + s
        loser = iota < 0
        for d in range(1, 16):
            shifted = _gather16(key, jnp.minimum(iota + d, 15))
            loser = loser | ((key == shifted) & (iota + d <= 15))
        plsc.store_scatter(last_v, [key], base + iota, mask=~loser)

    def drain(buf, sem):
        pltpu.make_async_copy(kv_hbm.at[pl.ds(row0, CROWS)], buf, sem).wait()

    def drain_w(buf, sem):
        pltpu.make_async_copy(buf, out_hbm.at[pl.ds(row0, CROWS)], sem).wait()

    def copy_body(i, _):
        c = i * 4

        @pl.when(i > 0)
        def _refire_b():
            drain_w(b0_v, wb0)
            pltpu.async_copy(kv_hbm.at[pl.ds(crow(c + 2), CROWS)], b0_v, rb0)
            drain_w(b1_v, wb1)
            pltpu.async_copy(kv_hbm.at[pl.ds(crow(c + 3), CROWS)], b1_v, rb1)

        drain(a0_v, ra0)
        pltpu.async_copy(a0_v, out_hbm.at[pl.ds(crow(c), CROWS)], wa0)
        drain(a1_v, ra1)
        pltpu.async_copy(a1_v, out_hbm.at[pl.ds(crow(c + 1), CROWS)], wa1)

        def scan_body(j, _):
            scan_step(i * SCANS_PER_IT + j)
            return 0
        lax.fori_loop(0, SCANS_PER_IT, scan_body, 0)

        drain(b0_v, rb0)
        pltpu.async_copy(b0_v, out_hbm.at[pl.ds(crow(c + 2), CROWS)], wb0)
        drain(b1_v, rb1)
        pltpu.async_copy(b1_v, out_hbm.at[pl.ds(crow(c + 3), CROWS)], wb1)

        @pl.when(i < NBODY - 1)
        def _refire_a():
            drain_w(a0_v, wa0)
            pltpu.async_copy(kv_hbm.at[pl.ds(crow(c + 4), CROWS)], a0_v, ra0)
            drain_w(a1_v, wa1)
            pltpu.async_copy(kv_hbm.at[pl.ds(crow(c + 5), CROWS)], a1_v, ra1)
        return 0
    lax.fori_loop(0, NBODY, copy_body, 0)

    key0 = wid * KEYS_PER_W

    def sel_body(c, carry):
        off, best = carry
        kvec = key0 + c * 16 + iota
        wtok = plsc.load_gather(last_v, [kvec])
        m = wtok >= 0
        cnt = jnp.max(plsc.all_reduce_population_count(m))
        plsc.store_compressed(tokl_v.at[pl.ds(off, 16)], wtok, mask=m)
        plsc.store_compressed(keyl_v.at[pl.ds(off, 16)], kvec, mask=m)
        vbest = jnp.max(jnp.where(m, kvec * T + wtok, -1))
        return off + cnt, jnp.maximum(best, vbest)

    w_cnt, best = lax.fori_loop(0, KEYS_PER_W // 16, sel_body,
                                (jnp.int32(0), jnp.int32(-1)))

    @pl.when(w_cnt > 0)
    def _pad():
        ptok = jnp.full((16,), 1, jnp.int32) * (best & (T - 1))
        pkey = jnp.full((16,), 1, jnp.int32) * (best >> 11)
        tokl_v[pl.ds(w_cnt, 16)] = ptok
        keyl_v[pl.ds(w_cnt, 16)] = pkey
        tokl_v[pl.ds(w_cnt + 16, 16)] = ptok
        keyl_v[pl.ds(w_cnt + 16, 16)] = pkey

    drain_w(a0_v, wa0)
    drain_w(a1_v, wa1)
    drain_w(b0_v, wb0)
    drain_w(b1_v, wb1)

    def build_idx(ent, idxs, idxdk, idxdv):
        tok16 = tokl_v[pl.ds(ent, 16)]
        key16 = keyl_v[pl.ds(ent, 16)]
        for j in range(8):
            idxs[pl.ds(j * 16, 16)] = tok16 * H + j
            idxdk[pl.ds(j * 16, 16)] = key16 * (2 * H) + 2 * j
            idxdv[pl.ds(j * 16, 16)] = key16 * (2 * H) + 2 * j + 1

    npairs = (w_cnt + 31) // 32

    def dma_body(c, _):
        @pl.when(c > 0)
        def _drain_prev():
            drain_w(sa0_v, wa0)
            drain_w(sa1_v, wa1)
            drain_w(sb0_v, wb0)
            drain_w(sb1_v, wb1)

        build_idx(c * 32, idxsa_v, idxdka_v, idxdva_v)
        gk0 = pltpu.async_copy(nk_hbm.at[idxsa_v], sa0_v, ra0)
        gv0 = pltpu.async_copy(nv_hbm.at[idxsa_v], sa1_v, ra1)
        build_idx(c * 32 + 16, idxsb_v, idxdkb_v, idxdvb_v)
        gk1 = pltpu.async_copy(nk_hbm.at[idxsb_v], sb0_v, rb0)
        gv1 = pltpu.async_copy(nv_hbm.at[idxsb_v], sb1_v, rb1)
        gk0.wait()
        gv0.wait()
        pltpu.async_copy(sa0_v, out_hbm.at[idxdka_v], wa0)
        pltpu.async_copy(sa1_v, out_hbm.at[idxdva_v], wa1)
        gk1.wait()
        gv1.wait()
        pltpu.async_copy(sb0_v, out_hbm.at[idxdkb_v], wb0)
        pltpu.async_copy(sb1_v, out_hbm.at[idxdvb_v], wb1)
        return 0
    lax.fori_loop(0, npairs, dma_body, 0)

    @pl.when(w_cnt > 0)
    def _drain_last():
        drain_w(sa0_v, wa0)
        drain_w(sa1_v, wa1)
        drain_w(sb0_v, wb0)
        drain_w(sb1_v, wb1)


@jax.jit
def _kv_scatter(kv_flat, t_pages, t_slots, nk_flat, nv_flat):
    mesh = plsc.VectorSubcoreMesh(core_axis_name="c", subcore_axis_name="s")
    return pl.kernel(
        _body,
        out_type=jax.ShapeDtypeStruct((ROWS, D), jnp.float32),
        mesh=mesh,
        compiler_params=pltpu.CompilerParams(needs_layout_passes=False),
        scratch_types=[
            pltpu.VMEM((T,), jnp.int32),
            pltpu.VMEM((T,), jnp.int32),
            pltpu.VMEM((NKEY,), jnp.int32),
            pltpu.VMEM((KEYS_PER_W + 32,), jnp.int32),
            pltpu.VMEM((KEYS_PER_W + 32,), jnp.int32),
            pltpu.VMEM((128,), jnp.int32),
            pltpu.VMEM((128,), jnp.int32),
            pltpu.VMEM((128,), jnp.int32),
            pltpu.VMEM((128,), jnp.int32),
            pltpu.VMEM((128,), jnp.int32),
            pltpu.VMEM((128,), jnp.int32),
            pltpu.VMEM((128, D), jnp.float32),
            pltpu.VMEM((128, D), jnp.float32),
            pltpu.VMEM((128, D), jnp.float32),
            pltpu.VMEM((128, D), jnp.float32),
            pltpu.MemorySpace.VMEM_SHARED((4, CROWS, D), jnp.float32),
        ] + [pltpu.SemaphoreType.DMA] * 8,
    )(kv_flat, t_pages, t_slots, nk_flat, nv_flat)


def kernel(kv_pages, t_pages, t_slots, new_k, new_v, K):
    del K
    kv_flat = kv_pages.reshape(ROWS, D)
    nk_flat = new_k.astype(jnp.float32).reshape(T * H, D)
    nv_flat = new_v.astype(jnp.float32).reshape(T * H, D)
    out = _kv_scatter(kv_flat, t_pages.astype(jnp.int32),
                      t_slots.astype(jnp.int32), nk_flat, nv_flat)
    return out.reshape(P, S, 2 * H, D)

# --- scband reference (transcript-rebuilt; emitter-appended) ---
"""Pipeline reference for scband-kv-page-cache-60567628808533 (READ-ONLY COPY).

The authoritative reference and input builder live on the scoring server;
editing this copy changes nothing except your own understanding.
"""

import jax, jax.numpy as jnp
import numpy as np
from jax import lax

P, S, H, D, T = 512, 16, 8, 128, 2048


def setup_inputs(seed: int = 0) -> dict:
    key = jax.random.key(seed)
    k1, k2, k3, k4 = jax.random.split(key, 4)
    kv_pages = jnp.zeros((P, S, 2 * H, D), dtype=jnp.float32)
    t_pages = jax.random.randint(k1, (T,), 0, P, dtype=jnp.int32)
    t_slots = jax.random.randint(k2, (T,), 0, S, dtype=jnp.int32)
    new_k = jax.random.normal(k3, (T, H, D), dtype=jnp.float32)
    new_v = jax.random.normal(k4, (T, H, D), dtype=jnp.float32)
    return {"kv_pages": kv_pages, "t_pages": t_pages, "t_slots": t_slots, "new_k": new_k, "new_v": new_v, "K": T}


def _interleave_kv(new_k, new_v):
    Tn, Hn, Dn = new_k.shape
    return jnp.stack([new_k, new_v], axis=2).reshape(Tn, 2 * Hn, Dn)


def reference(kv_pages, t_pages, t_slots, new_k, new_v, K):
    # Faithful translation of kv_update_unified_prefix: interleave K/V along the
    # head axis, then scatter each token's [2H, D] slab into (page, slot).
    kv_ev = _interleave_kv(new_k.astype(kv_pages.dtype), new_v.astype(kv_pages.dtype))

    def body(i, buf):
        p = t_pages[i]
        s = t_slots[i]
        ins = kv_ev[i][None, None, :, :]
        return lax.dynamic_update_slice(buf, ins, (p, s, 0, 0))

    return lax.fori_loop(0, K, body, kv_pages)

if __name__ == "__main__":
    import jax
    _d = setup_inputs()
    print(jax.jit(kernel)(*tuple(_d.values())))

</pallas_src>

<mosaic_0001>
#map = affine_map<(d0, d1) -> (0, 0)>
#map1 = affine_map<(d0, d1) -> (0)>
module attributes {stable_mosaic.version = 14 : i64} {
  func.func @_body(%arg0: i32, %arg1: i32, %arg2: memref<131072x128xf32, #tpu.memory_space<hbm>>, %arg3: memref<2048xi32, #tpu.memory_space<hbm>>, %arg4: memref<2048xi32, #tpu.memory_space<hbm>>, %arg5: memref<16384x128xf32, #tpu.memory_space<hbm>>, %arg6: memref<16384x128xf32, #tpu.memory_space<hbm>>, %arg7: memref<131072x128xf32, #tpu.memory_space<hbm>>, %arg8: memref<2048xi32, #tpu.memory_space<vmem>>, %arg9: memref<2048xi32, #tpu.memory_space<vmem>>, %arg10: memref<8192xi32, #tpu.memory_space<vmem>>, %arg11: memref<288xi32, #tpu.memory_space<vmem>>, %arg12: memref<288xi32, #tpu.memory_space<vmem>>, %arg13: memref<128xi32, #tpu.memory_space<vmem>>, %arg14: memref<128xi32, #tpu.memory_space<vmem>>, %arg15: memref<128xi32, #tpu.memory_space<vmem>>, %arg16: memref<128xi32, #tpu.memory_space<vmem>>, %arg17: memref<128xi32, #tpu.memory_space<vmem>>, %arg18: memref<128xi32, #tpu.memory_space<vmem>>, %arg19: memref<128x128xf32, #tpu.memory_space<vmem>>, %arg20: memref<128x128xf32, #tpu.memory_space<vmem>>, %arg21: memref<128x128xf32, #tpu.memory_space<vmem>>, %arg22: memref<128x128xf32, #tpu.memory_space<vmem>>, %arg23: memref<4x128x128xf32, #tpu.memory_space<vmem_shared>>, %arg24: memref<!tpu.dma_semaphore, #tpu.memory_space<semaphore_mem>>, %arg25: memref<!tpu.dma_semaphore, #tpu.memory_space<semaphore_mem>>, %arg26: memref<!tpu.dma_semaphore, #tpu.memory_space<semaphore_mem>>, %arg27: memref<!tpu.dma_semaphore, #tpu.memory_space<semaphore_mem>>, %arg28: memref<!tpu.dma_semaphore, #tpu.memory_space<semaphore_mem>>, %arg29: memref<!tpu.dma_semaphore, #tpu.memory_space<semaphore_mem>>, %arg30: memref<!tpu.dma_semaphore, #tpu.memory_space<semaphore_mem>>, %arg31: memref<!tpu.dma_semaphore, #tpu.memory_space<semaphore_mem>>) attributes {dimension_semantics = [#tpu.dimension_semantics<core_parallel>, #tpu.dimension_semantics<subcore_parallel>], iteration_bounds = array<i64: 2, 16>, scalar_prefetch = 0 : i64, scratch_operands = 24 : i64, tpu.core_type = #tpu.core_type<sc_vector_subcore>, window_params = [{transform_indices = #map}, {transform_indices = #map1}, {transform_indices = #map1}, {transform_indices = #map}, {transform_indices = #map}, {transform_indices = #map}]} {
    %mul3A = arith.constant 2 : i32
    %mul3A_0 = arith.muli %arg1, %mul3A : i32
    %add3A = arith.addi %mul3A_0, %arg0 : i32
    %mul3A_1 = arith.constant 4096 : i32
    %mul3A_2 = arith.muli %add3A, %mul3A_1 : i32
    %add3A_3 = arith.constant 0 : i32
    %add3A_4 = arith.addi %mul3A_2, %add3A_3 : i32
    %dma_start3A = arith.constant 0 : i32
    %dma_start3A_5 = arith.constant 0 : i32
    %dma_start3A_6 = arith.constant 0 : i32
    %dma_start3A_7 = tpu.memref_slice %arg23[%dma_start3A, %dma_start3A_5, %dma_start3A_6] : memref<4x128x128xf32, #tpu.memory_space<vmem_shared>> -> memref<1x128x128xf32, #tpu.memory_space<vmem_shared>>
    %dma_start3A_8 = tpu.memref_squeeze %dma_start3A_7 : memref<1x128x128xf32, #tpu.memory_space<vmem_shared>> -> memref<128x128xf32, #tpu.memory_space<vmem_shared>>
    %dma_start3A_9 = arith.constant 0 : i32
    %dma_start3A_10 = tpu.memref_slice %arg2[%add3A_4, %dma_start3A_9] : memref<131072x128xf32, #tpu.memory_space<hbm>> -> memref<128x128xf32, #tpu.memory_space<hbm>>
    tpu.enqueue_dma source(%dma_start3A_10 : memref<128x128xf32, #tpu.memory_space<hbm>>) target(%dma_start3A_8 : memref<128x128xf32, #tpu.memory_space<vmem_shared>>) target_semaphore(%arg24 : memref<!tpu.dma_semaphore, #tpu.memory_space<semaphore_mem>>)
    %add3A_11 = arith.constant 128 : i32
    %add3A_12 = arith.addi %mul3A_2, %add3A_11 : i32
    %dma_start3A_13 = arith.constant 1 : i32
    %dma_start3A_14 = arith.constant 0 : i32
    %dma_start3A_15 = arith.constant 0 : i32
    %dma_start3A_16 = tpu.memref_slice %arg23[%dma_start3A_13, %dma_start3A_14, %dma_start3A_15] : memref<4x128x128xf32, #tpu.memory_space<vmem_shared>> -> memref<1x128x128xf32, #tpu.memory_space<vmem_shared>>
    %dma_start3A_17 = tpu.memref_squeeze %dma_start3A_16 : memref<1x128x128xf32, #tpu.memory_space<vmem_shared>> -> memref<128x128xf32, #tpu.memory_space<vmem_shared>>
    %dma_start3A_18 = arith.constant 0 : i32
    %dma_start3A_19 = tpu.memref_slice %arg2[%add3A_12, %dma_start3A_18] : memref<131072x128xf32, #tpu.memory_space<hbm>> -> memref<128x128xf32, #tpu.memory_space<hbm>>
    tpu.enqueue_dma source(%dma_start3A_19 : memref<128x128xf32, #tpu.memory_space<hbm>>) target(%dma_start3A_17 : memref<128x128xf32, #tpu.memory_space<vmem_shared>>) target_semaphore(%arg25 : memref<!tpu.dma_semaphore, #tpu.memory_space<semaphore_mem>>)
    %add3A_20 = arith.constant 256 : i32
    %add3A_21 = arith.addi %mul3A_2, %add3A_20 : i32
    %dma_start3A_22 = arith.constant 2 : i32
    %dma_start3A_23 = arith.constant 0 : i32
    %dma_start3A_24 = arith.constant 0 : i32
    %dma_start3A_25 = tpu.memref_slice %arg23[%dma_start3A_22, %dma_start3A_23, %dma_start3A_24] : memref<4x128x128xf32, #tpu.memory_space<vmem_shared>> -> memref<1x128x128xf32, #tpu.memory_space<vmem_shared>>
    %dma_start3A_26 = tpu.memref_squeeze %dma_start3A_25 : memref<1x128x128xf32, #tpu.memory_space<vmem_shared>> -> memref<128x128xf32, #tpu.memory_space<vmem_shared>>
    %dma_start3A_27 = arith.constant 0 : i32
    %dma_start3A_28 = tpu.memref_slice %arg2[%add3A_21, %dma_start3A_27] : memref<131072x128xf32, #tpu.memory_space<hbm>> -> memref<128x128xf32, #tpu.memory_space<hbm>>
    tpu.enqueue_dma source(%dma_start3A_28 : memref<128x128xf32, #tpu.memory_space<hbm>>) target(%dma_start3A_26 : memref<128x128xf32, #tpu.memory_space<vmem_shared>>) target_semaphore(%arg26 : memref<!tpu.dma_semaphore, #tpu.memory_space<semaphore_mem>>)
    %add3A_29 = arith.constant 384 : i32
    %add3A_30 = arith.addi %mul3A_2, %add3A_29 : i32
    %dma_start3A_31 = arith.constant 3 : i32
    %dma_start3A_32 = arith.constant 0 : i32
    %dma_start3A_33 = arith.constant 0 : i32
    %dma_start3A_34 = tpu.memref_slice %arg23[%dma_start3A_31, %dma_start3A_32, %dma_start3A_33] : memref<4x128x128xf32, #tpu.memory_space<vmem_shared>> -> memref<1x128x128xf32, #tpu.memory_space<vmem_shared>>
    %dma_start3A_35 = tpu.memref_squeeze %dma_start3A_34 : memref<1x128x128xf32, #tpu.memory_space<vmem_shared>> -> memref<128x128xf32, #tpu.memory_space<vmem_shared>>
    %dma_start3A_36 = arith.constant 0 : i32
    %dma_start3A_37 = tpu.memref_slice %arg2[%add3A_30, %dma_start3A_36] : memref<131072x128xf32, #tpu.memory_space<hbm>> -> memref<128x128xf32, #tpu.memory_space<hbm>>
    tpu.enqueue_dma source(%dma_start3A_37 : memref<128x128xf32, #tpu.memory_space<hbm>>) target(%dma_start3A_35 : memref<128x128xf32, #tpu.memory_space<vmem_shared>>) target_semaphore(%arg27 : memref<!tpu.dma_semaphore, #tpu.memory_space<semaphore_mem>>)
    "tpu.region"() ({
      %run_scoped3A = tpu.sem_alloc : memref<!tpu.dma_semaphore, #tpu.memory_space<semaphore_mem>>
      tpu.enqueue_dma source(%arg3 : memref<2048xi32, #tpu.memory_space<hbm>>) target(%arg8 : memref<2048xi32, #tpu.memory_space<vmem>>) target_semaphore(%run_scoped3A : memref<!tpu.dma_semaphore, #tpu.memory_space<semaphore_mem>>)
      tpu.wait_dma2 semaphore(%run_scoped3A : memref<!tpu.dma_semaphore, #tpu.memory_space<semaphore_mem>>) src(%arg3 : memref<2048xi32, #tpu.memory_space<hbm>>) dst(%arg8 : memref<2048xi32, #tpu.memory_space<vmem>>)
      tpu.yield
    }) : () -> ()
    "tpu.region"() ({
      %run_scoped3A = tpu.sem_alloc : memref<!tpu.dma_semaphore, #tpu.memory_space<semaphore_mem>>
      tpu.enqueue_dma source(%arg4 : memref<2048xi32, #tpu.memory_space<hbm>>) target(%arg9 : memref<2048xi32, #tpu.memory_space<vmem>>) target_semaphore(%run_scoped3A : memref<!tpu.dma_semaphore, #tpu.memory_space<semaphore_mem>>)
      tpu.wait_dma2 semaphore(%run_scoped3A : memref<!tpu.dma_semaphore, #tpu.memory_space<semaphore_mem>>) src(%arg4 : memref<2048xi32, #tpu.memory_space<hbm>>) dst(%arg9 : memref<2048xi32, #tpu.memory_space<vmem>>)
      tpu.yield
    }) : () -> ()
    %iota3A = tpu.iota {dimensions = array<i32: 0>} : vector<16xi32>
    %scan3A = arith.constant 0 : i32
    %scan3A_38 = arith.constant 0 : i32
    %scan3A_39 = arith.constant 512 : i32
    %scan3A_40 = arith.addi %scan3A_38, %scan3A_39 : i32
    %scan3A_41 = arith.constant 1 : i32
    %scan3A_42 = scf.for %scan3A_128 = %scan3A_38 to %scan3A_40 step %scan3A_41 iter_args(%scan3A_129 = %scan3A) -> (i32)  : i32 {
      %broadcast_in_dim3A = arith.constant -1 : i32
      %broadcast_in_dim3A_130 = vector.broadcast %broadcast_in_dim3A : i32 to vector<16xi32>
      %mul3A_131 = arith.constant 16 : i32
      %mul3A_132 = arith.muli %scan3A_128, %mul3A_131 : i32
      %swap3A = arith.index_cast %mul3A_132 : i32 to index
      %swap3A_133 = tpu.vector_load %arg10[%swap3A] {strides = array<i32>} : memref<8192xi32, #tpu.memory_space<vmem>>, vector<16xi32>,
      tpu.vector_store %arg10[%swap3A], %broadcast_in_dim3A_130 {strides = array<i32>} : memref<8192xi32, #tpu.memory_space<vmem>>, vector<16xi32>,
      %scan3A_134 = arith.constant 0 : i32
      scf.yield %scan3A_134 : i32
    }
    %scan3A_43 = arith.constant 512 : i32
    %scan3A_44 = arith.constant 2 : i32
    %scan3A_45 = arith.constant 3 : i32
    %scan3A_46 = arith.constant 0 : i32
    %scan3A_47 = arith.constant 1 : i32
    %scan3A_48 = arith.constant 0 : i32
    %scan3A_49 = arith.constant 0 : i32
    %scan3A_50 = arith.constant 8 : i32
    %scan3A_51 = arith.addi %scan3A_49, %scan3A_50 : i32
    %scan3A_52 = arith.constant 1 : i32
    %scan3A_53 = scf.for %scan3A_128 = %scan3A_49 to %scan3A_51 step %scan3A_52 iter_args(%scan3A_129 = %scan3A_48) -> (i32)  : i32 {
      %mul3A_130 = arith.constant 4 : i32
      %mul3A_131 = arith.muli %scan3A_128, %mul3A_130 : i32
      %gt3A_132 = arith.constant 0 : i32
      %gt3A_133 = arith.cmpi sgt, %scan3A_128, %gt3A_132 : i32
      %convert_element_type3A_134 = arith.extui %gt3A_133 : i1 to i32
      %cond3A_135 = arith.constant 0 : i32
      %cond3A_136 = arith.cmpi ne, %convert_element_type3A_134, %cond3A_135 : i32
      scf.if %cond3A_136 {
        %dma_wait3A_215 = arith.constant 0 : i32
        %dma_wait3A_216 = tpu.memref_slice %arg7[%mul3A_2, %dma_wait3A_215] : memref<131072x128xf32, #tpu.memory_space<hbm>> -> memref<128x128xf32, #tpu.memory_space<hbm>>
        %dma_wait3A_217 = arith.constant 0 : i32
        %dma_wait3A_218 = arith.constant 0 : i32
        %dma_wait3A_219 = tpu.memref_slice %arg23[%scan3A_44, %dma_wait3A_217, %dma_wait3A_218] : memref<4x128x128xf32, #tpu.memory_space<vmem_shared>> -> memref<1x128x128xf32, #tpu.memory_space<vmem_shared>>
        %dma_wait3A_220 = tpu.memref_squeeze %dma_wait3A_219 : memref<1x128x128xf32, #tpu.memory_space<vmem_shared>> -> memref<128x128xf32, #tpu.memory_space<vmem_shared>>
        tpu.wait_dma2 semaphore(%arg30 : memref<!tpu.dma_semaphore, #tpu.memory_space<semaphore_mem>>) src(%dma_wait3A_220 : memref<128x128xf32, #tpu.memory_space<vmem_shared>>) dst(%dma_wait3A_216 : memref<128x128xf32, #tpu.memory_space<hbm>>)
        %add3A_221 = arith.constant 2 : i32
        %add3A_222 = arith.addi %mul3A_131, %add3A_221 : i32
        %mul3A_223 = arith.constant 128 : i32
        %mul3A_224 = arith.muli %add3A_222, %mul3A_223 : i32
        %add3A_225 = arith.addi %mul3A_2, %mul3A_224 : i32
        %dma_start3A_226 = arith.constant 0 : i32
        %dma_start3A_227 = arith.constant 0 : i32
        %dma_start3A_228 = tpu.memref_slice %arg23[%scan3A_44, %dma_start3A_226, %dma_start3A_227] : memref<4x128x128xf32, #tpu.memory_space<vmem_shared>> -> memref<1x128x128xf32, #tpu.memory_space<vmem_shared>>
        %dma_start3A_229 = tpu.memref_squeeze %dma_start3A_228 : memref<1x128x128xf32, #tpu.memory_space<vmem_shared>> -> memref<128x128xf32, #tpu.memory_space<vmem_shared>>
        %dma_start3A_230 = arith.constant 0 : i32
        %dma_start3A_231 = tpu.memref_slice %arg2[%add3A_225, %dma_start3A_230] : memref<131072x128xf32, #tpu.memory_space<hbm>> -> memref<128x128xf32, #tpu.memory_space<hbm>>
        tpu.enqueue_dma source(%dma_start3A_231 : memref<128x128xf32, #tpu.memory_space<hbm>>) target(%dma_start3A_229 : memref<128x128xf32, #tpu.memory_space<vmem_shared>>) target_semaphore(%arg26 : memref<!tpu.dma_semaphore, #tpu.memory_space<semaphore_mem>>)
        %dma_wait3A_232 = arith.constant 0 : i32
        %dma_wait3A_233 = tpu.memref_slice %arg7[%mul3A_2, %dma_wait3A_232] : memref<131072x128xf32, #tpu.memory_space<hbm>> -> memref<128x128xf32, #tpu.memory_space<hbm>>
        %dma_wait3A_234 = arith.constant 0 : i32
        %dma_wait3A_235 = arith.constant 0 : i32
        %dma_wait3A_236 = tpu.memref_slice %arg23[%scan3A_45, %dma_wait3A_234, %dma_wait3A_235] : memref<4x128x128xf32, #tpu.memory_space<vmem_shared>> -> memref<1x128x128xf32, #tpu.memory_space<vmem_shared>>
        %dma_wait3A_237 = tpu.memref_squeeze %dma_wait3A_236 : memref<1x128x128xf32, #tpu.memory_space<vmem_shared>> -> memref<128x128xf32, #tpu.memory_space<vmem_shared>>
        tpu.wait_dma2 semaphore(%arg31 : memref<!tpu.dma_semaphore, #tpu.memory_space<semaphore_mem>>) src(%dma_wait3A_237 : memref<128x128xf32, #tpu.memory_space<vmem_shared>>) dst(%dma_wait3A_233 : memref<128x128xf32, #tpu.memory_space<hbm>>)
        %add3A_238 = arith.constant 3 : i32
        %add3A_239 = arith.addi %mul3A_131, %add3A_238 : i32
        %mul3A_240 = arith.constant 128 : i32
        %mul3A_241 = arith.muli %add3A_239, %mul3A_240 : i32
        %add3A_242 = arith.addi %mul3A_2, %mul3A_241 : i32
        %dma_start3A_243 = arith.constant 0 : i32
        %dma_start3A_244 = arith.constant 0 : i32
        %dma_start3A_245 = tpu.memref_slice %arg23[%scan3A_45, %dma_start3A_243, %dma_start3A_244] : memref<4x128x128xf32, #tpu.memory_space<vmem_shared>> -> memref<1x128x128xf32, #tpu.memory_space<vmem_shared>>
        %dma_start3A_246 = tpu.memref_squeeze %dma_start3A_245 : memref<1x128x128xf32, #tpu.memory_space<vmem_shared>> -> memref<128x128xf32, #tpu.memory_space<vmem_shared>>
        %dma_start3A_247 = arith.constant 0 : i32
        %dma_start3A_248 = tpu.memref_slice %arg2[%add3A_242, %dma_start3A_247] : memref<131072x128xf32, #tpu.memory_space<hbm>> -> memref<128x128xf32, #tpu.memory_space<hbm>>
        tpu.enqueue_dma source(%dma_start3A_248 : memref<128x128xf32, #tpu.memory_space<hbm>>) target(%dma_start3A_246 : memref<128x128xf32, #tpu.memory_space<vmem_shared>>) target_semaphore(%arg27 : memref<!tpu.dma_semaphore, #tpu.memory_space<semaphore_mem>>)
      } else {
      }
      %dma_wait3A_137 = arith.constant 0 : i32
      %dma_wait3A_138 = arith.constant 0 : i32
      %dma_wait3A_139 = tpu.memref_slice %arg23[%scan3A_46, %dma_wait3A_137, %dma_wait3A_138] : memref<4x128x128xf32, #tpu.memory_space<vmem_shared>> -> memref<1x128x128xf32, #tpu.memory_space<vmem_shared>>
      %dma_wait3A_140 = tpu.memref_squeeze %dma_wait3A_139 : memref<1x128x128xf32, #tpu.memory_space<vmem_shared>> -> memref<128x128xf32, #tpu.memory_space<vmem_shared>>
      %dma_wait3A_141 = arith.constant 0 : i32
      %dma_wait3A_142 = tpu.memref_slice %arg2[%mul3A_2, %dma_wait3A_141] : memref<131072x128xf32, #tpu.memory_space<hbm>> -> memref<128x128xf32, #tpu.memory_space<hbm>>
      tpu.wait_dma2 semaphore(%arg24 : memref<!tpu.dma_semaphore, #tpu.memory_space<semaphore_mem>>) src(%dma_wait3A_142 : memref<128x128xf32, #tpu.memory_space<hbm>>) dst(%dma_wait3A_140 : memref<128x128xf32, #tpu.memory_space<vmem_shared>>)
      %mul3A_143 = arith.constant 128 : i32
      %mul3A_144 = arith.muli %mul3A_131, %mul3A_143 : i32
      %add3A_145 = arith.addi %mul3A_2, %mul3A_144 : i32
      %dma_start3A_146 = arith.constant 0 : i32
      %dma_start3A_147 = tpu.memref_slice %arg7[%add3A_145, %dma_start3A_146] : memref<131072x128xf32, #tpu.memory_space<hbm>> -> memref<128x128xf32, #tpu.memory_space<hbm>>
      %dma_start3A_148 = arith.constant 0 : i32
      %dma_start3A_149 = arith.constant 0 : i32
      %dma_start3A_150 = tpu.memref_slice %arg23[%scan3A_46, %dma_start3A_148, %dma_start3A_149] : memref<4x128x128xf32, #tpu.memory_space<vmem_shared>> -> memref<1x128x128xf32, #tpu.memory_space<vmem_shared>>
      %dma_start3A_151 = tpu.memref_squeeze %dma_start3A_150 : memref<1x128x128xf32, #tpu.memory_space<vmem_shared>> -> memref<128x128xf32, #tpu.memory_space<vmem_shared>>
      tpu.enqueue_dma source(%dma_start3A_151 : memref<128x128xf32, #tpu.memory_space<vmem_shared>>) target(%dma_start3A_147 : memref<128x128xf32, #tpu.memory_space<hbm>>) target_semaphore(%arg28 : memref<!tpu.dma_semaphore, #tpu.memory_space<semaphore_mem>>)
      %dma_wait3A_152 = arith.constant 0 : i32
      %dma_wait3A_153 = arith.constant 0 : i32
      %dma_wait3A_154 = tpu.memref_slice %arg23[%scan3A_47, %dma_wait3A_152, %dma_wait3A_153] : memref<4x128x128xf32, #tpu.memory_space<vmem_shared>> -> memref<1x128x128xf32, #tpu.memory_space<vmem_shared>>
      %dma_wait3A_155 = tpu.memref_squeeze %dma_wait3A_154 : memref<1x128x128xf32, #tpu.memory_space<vmem_shared>> -> memref<128x128xf32, #tpu.memory_space<vmem_shared>>
      %dma_wait3A_156 = arith.constant 0 : i32
      %dma_wait3A_157 = tpu.memref_slice %arg2[%mul3A_2, %dma_wait3A_156] : memref<131072x128xf32, #tpu.memory_space<hbm>> -> memref<128x128xf32, #tpu.memory_space<hbm>>
      tpu.wait_dma2 semaphore(%arg25 : memref<!tpu.dma_semaphore, #tpu.memory_space<semaphore_mem>>) src(%dma_wait3A_157 : memref<128x128xf32, #tpu.memory_space<hbm>>) dst(%dma_wait3A_155 : memref<128x128xf32, #tpu.memory_space<vmem_shared>>)
      %add3A_158 = arith.constant 1 : i32
      %add3A_159 = arith.addi %mul3A_131, %add3A_158 : i32
      %mul3A_160 = arith.constant 128 : i32
      %mul3A_161 = arith.muli %add3A_159, %mul3A_160 : i32
      %add3A_162 = arith.addi %mul3A_2, %mul3A_161 : i32
      %dma_start3A_163 = arith.constant 0 : i32
      %dma_start3A_164 = tpu.memref_slice %arg7[%add3A_162, %dma_start3A_163] : memref<131072x128xf32, #tpu.memory_space<hbm>> -> memref<128x128xf32, #tpu.memory_space<hbm>>
      %dma_start3A_165 = arith.constant 0 : i32
      %dma_start3A_166 = arith.constant 0 : i32
      %dma_start3A_167 = tpu.memref_slice %arg23[%scan3A_47, %dma_start3A_165, %dma_start3A_166] : memref<4x128x128xf32, #tpu.memory_space<vmem_shared>> -> memref<1x128x128xf32, #tpu.memory_space<vmem_shared>>
      %dma_start3A_168 = tpu.memref_squeeze %dma_start3A_167 : memref<1x128x128xf32, #tpu.memory_space<vmem_shared>> -> memref<128x128xf32, #tpu.memory_space<vmem_shared>>
      tpu.enqueue_dma source(%dma_start3A_168 : memref<128x128xf32, #tpu.memory_space<vmem_shared>>) target(%dma_start3A_164 : memref<128x128xf32, #tpu.memory_space<hbm>>) target_semaphore(%arg29 : memref<!tpu.dma_semaphore, #tpu.memory_space<semaphore_mem>>)
      %scan3A_169 = arith.constant 0 : i32
      %scan3A_170 = arith.constant 0 : i32
      %scan3A_171 = arith.constant 16 : i32
      %scan3A_172 = arith.addi %scan3A_170, %scan3A_171 : i32
      %scan3A_173 = arith.constant 1 : i32
      %scan3A_174 = scf.for %scan3A_215 = %scan3A_170 to %scan3A_172 step %scan3A_173 iter_args(%scan3A_216 = %scan3A_169) -> (i32)  : i32 {
        %mul3A_217 = arith.constant 16 : i32
        %mul3A_218 = arith.muli %scan3A_128, %mul3A_217 : i32
        %add3A_219 = arith.addi %mul3A_218, %scan3A_215 : i32
        %mul3A_220 = arith.constant 16 : i32
        %mul3A_221 = arith.muli %add3A_219, %mul3A_220 : i32
        %get3A = arith.index_cast %mul3A_221 : i32 to index
        %get3A_222 = tpu.vector_load %arg8[%get3A] {strides = array<i32>} : memref<2048xi32, #tpu.memory_space<vmem>>, vector<16xi32>,
        %get3A_223 = arith.index_cast %mul3A_221 : i32 to index
        %get3A_224 = tpu.vector_load %arg9[%get3A_223] {strides = array<i32>} : memref<2048xi32, #tpu.memory_space<vmem>>, vector<16xi32>,
        %mul3A_225 = arith.constant 16 : i32
        %mul3A_226 = vector.broadcast %mul3A_225 : i32 to vector<16xi32>
        %mul3A_227 = arith.muli %get3A_222, %mul3A_226 : vector<16xi32>
        %add3A_228 = arith.addi %mul3A_227, %get3A_224 : vector<16xi32>
        %lt3A_229 = arith.constant 0 : i32
        %lt3A_230 = vector.broadcast %lt3A_229 : i32 to vector<16xi32>
        %lt3A_231 = arith.cmpi slt, %iota3A, %lt3A_230 : vector<16xi32>
        %add3A_232 = arith.constant 1 : i32
        %add3A_233 = vector.broadcast %add3A_232 : i32 to vector<16xi32>
        %add3A_234 = arith.addi %iota3A, %add3A_233 : vector<16xi32>
        %min3A = arith.constant 15 : i32
        %min3A_235 = vector.broadcast %min3A : i32 to vector<16xi32>
        %min3A_236 = arith.minsi %add3A_234, %min3A_235 : vector<16xi32>
        %reshape3A = vector.shape_cast %min3A_236 : vector<16xi32> to vector<16x1xi32>
        %gather3A = vector.shape_cast %reshape3A : vector<16x1xi32> to vector<16xi32>
        %gather3A_237 = tpu.dynamic_gather %add3A_228[%gather3A] in [0] : vector<16xi32>, vector<16xi32> -> vector<16xi32>
        %eq3A = arith.cmpi eq, %add3A_228, %gather3A_237 : vector<16xi32>
        %add3A_238 = arith.constant 1 : i32
        %add3A_239 = vector.broadcast %add3A_238 : i32 to vector<16xi32>
        %add3A_240 = arith.addi %iota3A, %add3A_239 : vector<16xi32>
        %le3A = arith.constant 15 : i32
        %le3A_241 = vector.broadcast %le3A : i32 to vector<16xi32>
        %le3A_242 = arith.cmpi sle, %add3A_240, %le3A_241 : vector<16xi32>
        %and3A_243 = arith.andi %eq3A, %le3A_242 : vector<16xi1>
        %or3A = arith.ori %lt3A_231, %and3A_243 : vector<16xi1>
        %add3A_244 = arith.constant 2 : i32
        %add3A_245 = vector.broadcast %add3A_244 : i32 to vector<16xi32>
        %add3A_246 = arith.addi %iota3A, %add3A_245 : vector<16xi32>
        %min3A_247 = arith.constant 15 : i32
        %min3A_248 = vector.broadcast %min3A_247 : i32 to vector<16xi32>
        %min3A_249 = arith.minsi %add3A_246, %min3A_248 : vector<16xi32>
        %reshape3A_250 = vector.shape_cast %min3A_249 : vector<16xi32> to vector<16x1xi32>
        %gather3A_251 = vector.shape_cast %reshape3A_250 : vector<16x1xi32> to vector<16xi32>
        %gather3A_252 = tpu.dynamic_gather %add3A_228[%gather3A_251] in [0] : vector<16xi32>, vector<16xi32> -> vector<16xi32>
        %eq3A_253 = arith.cmpi eq, %add3A_228, %gather3A_252 : vector<16xi32>
        %add3A_254 = arith.constant 2 : i32
        %add3A_255 = vector.broadcast %add3A_254 : i32 to vector<16xi32>
        %add3A_256 = arith.addi %iota3A, %add3A_255 : vector<16xi32>
        %le3A_257 = arith.constant 15 : i32
        %le3A_258 = vector.broadcast %le3A_257 : i32 to vector<16xi32>
        %le3A_259 = arith.cmpi sle, %add3A_256, %le3A_258 : vector<16xi32>
        %and3A_260 = arith.andi %eq3A_253, %le3A_259 : vector<16xi1>
        %or3A_261 = arith.ori %or3A, %and3A_260 : vector<16xi1>
        %add3A_262 = arith.constant 3 : i32
        %add3A_263 = vector.broadcast %add3A_262 : i32 to vector<16xi32>
        %add3A_264 = arith.addi %iota3A, %add3A_263 : vector<16xi32>
        %min3A_265 = arith.constant 15 : i32
        %min3A_266 = vector.broadcast %min3A_265 : i32 to vector<16xi32>
        %min3A_267 = arith.minsi %add3A_264, %min3A_266 : vector<16xi32>
        %reshape3A_268 = vector.shape_cast %min3A_267 : vector<16xi32> to vector<16x1xi32>
        %gather3A_269 = vector.shape_cast %reshape3A_268 : vector<16x1xi32> to vector<16xi32>
        %gather3A_270 = tpu.dynamic_gather %add3A_228[%gather3A_269] in [0] : vector<16xi32>, vector<16xi32> -> vector<16xi32>
        %eq3A_271 = arith.cmpi eq, %add3A_228, %gather3A_270 : vector<16xi32>
        %add3A_272 = arith.constant 3 : i32
        %add3A_273 = vector.broadcast %add3A_272 : i32 to vector<16xi32>
        %add3A_274 = arith.addi %iota3A, %add3A_273 : vector<16xi32>
        %le3A_275 = arith.constant 15 : i32
        %le3A_276 = vector.broadcast %le3A_275 : i32 to vector<16xi32>
        %le3A_277 = arith.cmpi sle, %add3A_274, %le3A_276 : vector<16xi32>
        %and3A_278 = arith.andi %eq3A_271, %le3A_277 : vector<16xi1>
        %or3A_279 = arith.ori %or3A_261, %and3A_278 : vector<16xi1>
        %add3A_280 = arith.constant 4 : i32
        %add3A_281 = vector.broadcast %add3A_280 : i32 to vector<16xi32>
        %add3A_282 = arith.addi %iota3A, %add3A_281 : vector<16xi32>
        %min3A_283 = arith.constant 15 : i32
        %min3A_284 = vector.broadcast %min3A_283 : i32 to vector<16xi32>
        %min3A_285 = arith.minsi %add3A_282, %min3A_284 : vector<16xi32>
        %reshape3A_286 = vector.shape_cast %min3A_285 : vector<16xi32> to vector<16x1xi32>
        %gather3A_287 = vector.shape_cast %reshape3A_286 : vector<16x1xi32> to vector<16xi32>
        %gather3A_288 = tpu.dynamic_gather %add3A_228[%gather3A_287] in [0] : vector<16xi32>, vector<16xi32> -> vector<16xi32>
        %eq3A_289 = arith.cmpi eq, %add3A_228, %gather3A_288 : vector<16xi32>
        %add3A_290 = arith.constant 4 : i32
        %add3A_291 = vector.broadcast %add3A_290 : i32 to vector<16xi32>
        %add3A_292 = arith.addi %iota3A, %add3A_291 : vector<16xi32>
        %le3A_293 = arith.constant 15 : i32
        %le3A_294 = vector.broadcast %le3A_293 : i32 to vector<16xi32>
        %le3A_295 = arith.cmpi sle, %add3A_292, %le3A_294 : vector<16xi32>
        %and3A_296 = arith.andi %eq3A_289, %le3A_295 : vector<16xi1>
        %or3A_297 = arith.ori %or3A_279, %and3A_296 : vector<16xi1>
        %add3A_298 = arith.constant 5 : i32
        %add3A_299 = vector.broadcast %add3A_298 : i32 to vector<16xi32>
        %add3A_300 = arith.addi %iota3A, %add3A_299 : vector<16xi32>
        %min3A_301 = arith.constant 15 : i32
        %min3A_302 = vector.broadcast %min3A_301 : i32 to vector<16xi32>
        %min3A_303 = arith.minsi %add3A_300, %min3A_302 : vector<16xi32>
        %reshape3A_304 = vector.shape_cast %min3A_303 : vector<16xi32> to vector<16x1xi32>
        %gather3A_305 = vector.shape_cast %reshape3A_304 : vector<16x1xi32> to vector<16xi32>
        %gather3A_306 = tpu.dynamic_gather %add3A_228[%gather3A_305] in [0] : vector<16xi32>, vector<16xi32> -> vector<16xi32>
        %eq3A_307 = arith.cmpi eq, %add3A_228, %gather3A_306 : vector<16xi32>
        %add3A_308 = arith.constant 5 : i32
        %add3A_309 = vector.broadcast %add3A_308 : i32 to vector<16xi32>
        %add3A_310 = arith.addi %iota3A, %add3A_309 : vector<16xi32>
        %le3A_311 = arith.constant 15 : i32
        %le3A_312 = vector.broadcast %le3A_311 : i32 to vector<16xi32>
        %le3A_313 = arith.cmpi sle, %add3A_310, %le3A_312 : vector<16xi32>
        %and3A_314 = arith.andi %eq3A_307, %le3A_313 : vector<16xi1>
        %or3A_315 = arith.ori %or3A_297, %and3A_314 : vector<16xi1>
        %add3A_316 = arith.constant 6 : i32
        %add3A_317 = vector.broadcast %add3A_316 : i32 to vector<16xi32>
        %add3A_318 = arith.addi %iota3A, %add3A_317 : vector<16xi32>
        %min3A_319 = arith.constant 15 : i32
        %min3A_320 = vector.broadcast %min3A_319 : i32 to vector<16xi32>
        %min3A_321 = arith.minsi %add3A_318, %min3A_320 : vector<16xi32>
        %reshape3A_322 = vector.shape_cast %min3A_321 : vector<16xi32> to vector<16x1xi32>
        %gather3A_323 = vector.shape_cast %reshape3A_322 : vector<16x1xi32> to vector<16xi32>
        %gather3A_324 = tpu.dynamic_gather %add3A_228[%gather3A_323] in [0] : vector<16xi32>, vector<16xi32> -> vector<16xi32>
        %eq3A_325 = arith.cmpi eq, %add3A_228, %gather3A_324 : vector<16xi32>
        %add3A_326 = arith.constant 6 : i32
        %add3A_327 = vector.broadcast %add3A_326 : i32 to vector<16xi32>
        %add3A_328 = arith.addi %iota3A, %add3A_327 : vector<16xi32>
        %le3A_329 = arith.constant 15 : i32
        %le3A_330 = vector.broadcast %le3A_329 : i32 to vector<16xi32>
        %le3A_331 = arith.cmpi sle, %add3A_328, %le3A_330 : vector<16xi32>
        %and3A_332 = arith.andi %eq3A_325, %le3A_331 : vector<16xi1>
        %or3A_333 = arith.ori %or3A_315, %and3A_332 : vector<16xi1>
        %add3A_334 = arith.constant 7 : i32
        %add3A_335 = vector.broadcast %add3A_334 : i32 to vector<16xi32>
        %add3A_336 = arith.addi %iota3A, %add3A_335 : vector<16xi32>
        %min3A_337 = arith.constant 15 : i32
        %min3A_338 = vector.broadcast %min3A_337 : i32 to vector<16xi32>
        %min3A_339 = arith.minsi %add3A_336, %min3A_338 : vector<16xi32>
        %reshape3A_340 = vector.shape_cast %min3A_339 : vector<16xi32> to vector<16x1xi32>
        %gather3A_341 = vector.shape_cast %reshape3A_340 : vector<16x1xi32> to vector<16xi32>
        %gather3A_342 = tpu.dynamic_gather %add3A_228[%gather3A_341] in [0] : vector<16xi32>, vector<16xi32> -> vector<16xi32>
        %eq3A_343 = arith.cmpi eq, %add3A_228, %gather3A_342 : vector<16xi32>
        %add3A_344 = arith.constant 7 : i32
        %add3A_345 = vector.broadcast %add3A_344 : i32 to vector<16xi32>
        %add3A_346 = arith.addi %iota3A, %add3A_345 : vector<16xi32>
        %le3A_347 = arith.constant 15 : i32
        %le3A_348 = vector.broadcast %le3A_347 : i32 to vector<16xi32>
        %le3A_349 = arith.cmpi sle, %add3A_346, %le3A_348 : vector<16xi32>
        %and3A_350 = arith.andi %eq3A_343, %le3A_349 : vector<16xi1>
        %or3A_351 = arith.ori %or3A_333, %and3A_350 : vector<16xi1>
        %add3A_352 = arith.constant 8 : i32
        %add3A_353 = vector.broadcast %add3A_352 : i32 to vector<16xi32>
        %add3A_354 = arith.addi %iota3A, %add3A_353 : vector<16xi32>
        %min3A_355 = arith.constant 15 : i32
        %min3A_356 = vector.broadcast %min3A_355 : i32 to vector<16xi32>
        %min3A_357 = arith.minsi %add3A_354, %min3A_356 : vector<16xi32>
        %reshape3A_358 = vector.shape_cast %min3A_357 : vector<16xi32> to vector<16x1xi32>
        %gather3A_359 = vector.shape_cast %reshape3A_358 : vector<16x1xi32> to vector<16xi32>
        %gather3A_360 = tpu.dynamic_gather %add3A_228[%gather3A_359] in [0] : vector<16xi32>, vector<16xi32> -> vector<16xi32>
        %eq3A_361 = arith.cmpi eq, %add3A_228, %gather3A_360 : vector<16xi32>
        %add3A_362 = arith.constant 8 : i32
        %add3A_363 = vector.broadcast %add3A_362 : i32 to vector<16xi32>
        %add3A_364 = arith.addi %iota3A, %add3A_363 : vector<16xi32>
        %le3A_365 = arith.constant 15 : i32
        %le3A_366 = vector.broadcast %le3A_365 : i32 to vector<16xi32>
        %le3A_367 = arith.cmpi sle, %add3A_364, %le3A_366 : vector<16xi32>
        %and3A_368 = arith.andi %eq3A_361, %le3A_367 : vector<16xi1>
        %or3A_369 = arith.ori %or3A_351, %and3A_368 : vector<16xi1>
        %add3A_370 = arith.constant 9 : i32
        %add3A_371 = vector.broadcast %add3A_370 : i32 to vector<16xi32>
        %add3A_372 = arith.addi %iota3A, %add3A_371 : vector<16xi32>
        %min3A_373 = arith.constant 15 : i32
        %min3A_374 = vector.broadcast %min3A_373 : i32 to vector<16xi32>
        %min3A_375 = arith.minsi %add3A_372, %min3A_374 : vector<16xi32>
        %reshape3A_376 = vector.shape_cast %min3A_375 : vector<16xi32> to vector<16x1xi32>
        %gather3A_377 = vector.shape_cast %reshape3A_376 : vector<16x1xi32> to vector<16xi32>
        %gather3A_378 = tpu.dynamic_gather %add3A_228[%gather3A_377] in [0] : vector<16xi32>, vector<16xi32> -> vector<16xi32>
        %eq3A_379 = arith.cmpi eq, %add3A_228, %gather3A_378 : vector<16xi32>
        %add3A_380 = arith.constant 9 : i32
        %add3A_381 = vector.broadcast %add3A_380 : i32 to vector<16xi32>
        %add3A_382 = arith.addi %iota3A, %add3A_381 : vector<16xi32>
        %le3A_383 = arith.constant 15 : i32
        %le3A_384 = vector.broadcast %le3A_383 : i32 to vector<16xi32>
        %le3A_385 = arith.cmpi sle, %add3A_382, %le3A_384 : vector<16xi32>
        %and3A_386 = arith.andi %eq3A_379, %le3A_385 : vector<16xi1>
        %or3A_387 = arith.ori %or3A_369, %and3A_386 : vector<16xi1>
        %add3A_388 = arith.constant 10 : i32
        %add3A_389 = vector.broadcast %add3A_388 : i32 to vector<16xi32>
        %add3A_390 = arith.addi %iota3A, %add3A_389 : vector<16xi32>
        %min3A_391 = arith.constant 15 : i32
        %min3A_392 = vector.broadcast %min3A_391 : i32 to vector<16xi32>
        %min3A_393 = arith.minsi %add3A_390, %min3A_392 : vector<16xi32>
        %reshape3A_394 = vector.shape_cast %min3A_393 : vector<16xi32> to vector<16x1xi32>
        %gather3A_395 = vector.shape_cast %reshape3A_394 : vector<16x1xi32> to vector<16xi32>
        %gather3A_396 = tpu.dynamic_gather %add3A_228[%gather3A_395] in [0] : vector<16xi32>, vector<16xi32> -> vector<16xi32>
        %eq3A_397 = arith.cmpi eq, %add3A_228, %gather3A_396 : vector<16xi32>
        %add3A_398 = arith.constant 10 : i32
        %add3A_399 = vector.broadcast %add3A_398 : i32 to vector<16xi32>
        %add3A_400 = arith.addi %iota3A, %add3A_399 : vector<16xi32>
        %le3A_401 = arith.constant 15 : i32
        %le3A_402 = vector.broadcast %le3A_401 : i32 to vector<16xi32>
        %le3A_403 = arith.cmpi sle, %add3A_400, %le3A_402 : vector<16xi32>
        %and3A_404 = arith.andi %eq3A_397, %le3A_403 : vector<16xi1>
        %or3A_405 = arith.ori %or3A_387, %and3A_404 : vector<16xi1>
        %add3A_406 = arith.constant 11 : i32
        %add3A_407 = vector.broadcast %add3A_406 : i32 to vector<16xi32>
        %add3A_408 = arith.addi %iota3A, %add3A_407 : vector<16xi32>
        %min3A_409 = arith.constant 15 : i32
        %min3A_410 = vector.broadcast %min3A_409 : i32 to vector<16xi32>
        %min3A_411 = arith.minsi %add3A_408, %min3A_410 : vector<16xi32>
        %reshape3A_412 = vector.shape_cast %min3A_411 : vector<16xi32> to vector<16x1xi32>
        %gather3A_413 = vector.shape_cast %reshape3A_412 : vector<16x1xi32> to vector<16xi32>
        %gather3A_414 = tpu.dynamic_gather %add3A_228[%gather3A_413] in [0] : vector<16xi32>, vector<16xi32> -> vector<16xi32>
        %eq3A_415 = arith.cmpi eq, %add3A_228, %gather3A_414 : vector<16xi32>
        %add3A_416 = arith.constant 11 : i32
        %add3A_417 = vector.broadcast %add3A_416 : i32 to vector<16xi32>
        %add3A_418 = arith.addi %iota3A, %add3A_417 : vector<16xi32>
        %le3A_419 = arith.constant 15 : i32
        %le3A_420 = vector.broadcast %le3A_419 : i32 to vector<16xi32>
        %le3A_421 = arith.cmpi sle, %add3A_418, %le3A_420 : vector<16xi32>
        %and3A_422 = arith.andi %eq3A_415, %le3A_421 : vector<16xi1>
        %or3A_423 = arith.ori %or3A_405, %and3A_422 : vector<16xi1>
        %add3A_424 = arith.constant 12 : i32
        %add3A_425 = vector.broadcast %add3A_424 : i32 to vector<16xi32>
        %add3A_426 = arith.addi %iota3A, %add3A_425 : vector<16xi32>
        %min3A_427 = arith.constant 15 : i32
        %min3A_428 = vector.broadcast %min3A_427 : i32 to vector<16xi32>
        %min3A_429 = arith.minsi %add3A_426, %min3A_428 : vector<16xi32>
        %reshape3A_430 = vector.shape_cast %min3A_429 : vector<16xi32> to vector<16x1xi32>
        %gather3A_431 = vector.shape_cast %reshape3A_430 : vector<16x1xi32> to vector<16xi32>
        %gather3A_432 = tpu.dynamic_gather %add3A_228[%gather3A_431] in [0] : vector<16xi32>, vector<16xi32> -> vector<16xi32>
        %eq3A_433 = arith.cmpi eq, %add3A_228, %gather3A_432 : vector<16xi32>
        %add3A_434 = arith.constant 12 : i32
        %add3A_435 = vector.broadcast %add3A_434 : i32 to vector<16xi32>
        %add3A_436 = arith.addi %iota3A, %add3A_435 : vector<16xi32>
        %le3A_437 = arith.constant 15 : i32
        %le3A_438 = vector.broadcast %le3A_437 : i32 to vector<16xi32>
        %le3A_439 = arith.cmpi sle, %add3A_436, %le3A_438 : vector<16xi32>
        %and3A_440 = arith.andi %eq3A_433, %le3A_439 : vector<16xi1>
        %or3A_441 = arith.ori %or3A_423, %and3A_440 : vector<16xi1>
        %add3A_442 = arith.constant 13 : i32
        %add3A_443 = vector.broadcast %add3A_442 : i32 to vector<16xi32>
        %add3A_444 = arith.addi %iota3A, %add3A_443 : vector<16xi32>
        %min3A_445 = arith.constant 15 : i32
        %min3A_446 = vector.broadcast %min3A_445 : i32 to vector<16xi32>
        %min3A_447 = arith.minsi %add3A_444, %min3A_446 : vector<16xi32>
        %reshape3A_448 = vector.shape_cast %min3A_447 : vector<16xi32> to vector<16x1xi32>
        %gather3A_449 = vector.shape_cast %reshape3A_448 : vector<16x1xi32> to vector<16xi32>
        %gather3A_450 = tpu.dynamic_gather %add3A_228[%gather3A_449] in [0] : vector<16xi32>, vector<16xi32> -> vector<16xi32>
        %eq3A_451 = arith.cmpi eq, %add3A_228, %gather3A_450 : vector<16xi32>
        %add3A_452 = arith.constant 13 : i32
        %add3A_453 = vector.broadcast %add3A_452 : i32 to vector<16xi32>
        %add3A_454 = arith.addi %iota3A, %add3A_453 : vector<16xi32>
        %le3A_455 = arith.constant 15 : i32
        %le3A_456 = vector.broadcast %le3A_455 : i32 to vector<16xi32>
        %le3A_457 = arith.cmpi sle, %add3A_454, %le3A_456 : vector<16xi32>
        %and3A_458 = arith.andi %eq3A_451, %le3A_457 : vector<16xi1>
        %or3A_459 = arith.ori %or3A_441, %and3A_458 : vector<16xi1>
        %add3A_460 = arith.constant 14 : i32
        %add3A_461 = vector.broadcast %add3A_460 : i32 to vector<16xi32>
        %add3A_462 = arith.addi %iota3A, %add3A_461 : vector<16xi32>
        %min3A_463 = arith.constant 15 : i32
        %min3A_464 = vector.broadcast %min3A_463 : i32 to vector<16xi32>
        %min3A_465 = arith.minsi %add3A_462, %min3A_464 : vector<16xi32>
        %reshape3A_466 = vector.shape_cast %min3A_465 : vector<16xi32> to vector<16x1xi32>
        %gather3A_467 = vector.shape_cast %reshape3A_466 : vector<16x1xi32> to vector<16xi32>
        %gather3A_468 = tpu.dynamic_gather %add3A_228[%gather3A_467] in [0] : vector<16xi32>, vector<16xi32> -> vector<16xi32>
        %eq3A_469 = arith.cmpi eq, %add3A_228, %gather3A_468 : vector<16xi32>
        %add3A_470 = arith.constant 14 : i32
        %add3A_471 = vector.broadcast %add3A_470 : i32 to vector<16xi32>
        %add3A_472 = arith.addi %iota3A, %add3A_471 : vector<16xi32>
        %le3A_473 = arith.constant 15 : i32
        %le3A_474 = vector.broadcast %le3A_473 : i32 to vector<16xi32>
        %le3A_475 = arith.cmpi sle, %add3A_472, %le3A_474 : vector<16xi32>
        %and3A_476 = arith.andi %eq3A_469, %le3A_475 : vector<16xi1>
        %or3A_477 = arith.ori %or3A_459, %and3A_476 : vector<16xi1>
        %add3A_478 = arith.constant 15 : i32
        %add3A_479 = vector.broadcast %add3A_478 : i32 to vector<16xi32>
        %add3A_480 = arith.addi %iota3A, %add3A_479 : vector<16xi32>
        %min3A_481 = arith.constant 15 : i32
        %min3A_482 = vector.broadcast %min3A_481 : i32 to vector<16xi32>
        %min3A_483 = arith.minsi %add3A_480, %min3A_482 : vector<16xi32>
        %reshape3A_484 = vector.shape_cast %min3A_483 : vector<16xi32> to vector<16x1xi32>
        %gather3A_485 = vector.shape_cast %reshape3A_484 : vector<16x1xi32> to vector<16xi32>
        %gather3A_486 = tpu.dynamic_gather %add3A_228[%gather3A_485] in [0] : vector<16xi32>, vector<16xi32> -> vector<16xi32>
        %eq3A_487 = arith.cmpi eq, %add3A_228, %gather3A_486 : vector<16xi32>
        %add3A_488 = arith.constant 15 : i32
        %add3A_489 = vector.broadcast %add3A_488 : i32 to vector<16xi32>
        %add3A_490 = arith.addi %iota3A, %add3A_489 : vector<16xi32>
        %le3A_491 = arith.constant 15 : i32
        %le3A_492 = vector.broadcast %le3A_491 : i32 to vector<16xi32>
        %le3A_493 = arith.cmpi sle, %add3A_490, %le3A_492 : vector<16xi32>
        %and3A_494 = arith.andi %eq3A_487, %le3A_493 : vector<16xi1>
        %or3A_495 = arith.ori %or3A_477, %and3A_494 : vector<16xi1>
        %add3A_496 = vector.broadcast %mul3A_221 : i32 to vector<16xi32>
        %add3A_497 = arith.addi %add3A_496, %iota3A : vector<16xi32>
        %not3A = arith.constant dense<true> : vector<16xi1>
        %not3A_498 = arith.xori %or3A_495, %not3A : vector<16xi1>
        tpu.vector_store_idx %arg10[%add3A_228], %add3A_497 masked %not3A_498 : memref<8192xi32, #tpu.memory_space<vmem>>[vector<16xi32>], vector<16xi32>, vector<16xi1>
        %scan3A_499 = arith.constant 0 : i32
        scf.yield %scan3A_499 : i32
      }
      %scan3A_175 = arith.constant 16 : i32
      %dma_wait3A_176 = arith.constant 0 : i32
      %dma_wait3A_177 = arith.constant 0 : i32
      %dma_wait3A_178 = tpu.memref_slice %arg23[%scan3A_44, %dma_wait3A_176, %dma_wait3A_177] : memref<4x128x128xf32, #tpu.memory_space<vmem_shared>> -> memref<1x128x128xf32, #tpu.memory_space<vmem_shared>>
      %dma_wait3A_179 = tpu.memref_squeeze %dma_wait3A_178 : memref<1x128x128xf32, #tpu.memory_space<vmem_shared>> -> memref<128x128xf32, #tpu.memory_space<vmem_shared>>
      %dma_wait3A_180 = arith.constant 0 : i32
      %dma_wait3A_181 = tpu.memref_slice %arg2[%mul3A_2, %dma_wait3A_180] : memref<131072x128xf32, #tpu.memory_space<hbm>> -> memref<128x128xf32, #tpu.memory_space<hbm>>
      tpu.wait_dma2 semaphore(%arg26 : memref<!tpu.dma_semaphore, #tpu.memory_space<semaphore_mem>>) src(%dma_wait3A_181 : memref<128x128xf32, #tpu.memory_space<hbm>>) dst(%dma_wait3A_179 : memref<128x128xf32, #tpu.memory_space<vmem_shared>>)
      %add3A_182 = arith.constant 2 : i32
      %add3A_183 = arith.addi %mul3A_131, %add3A_182 : i32
      %mul3A_184 = arith.constant 128 : i32
      %mul3A_185 = arith.muli %add3A_183, %mul3A_184 : i32
      %add3A_186 = arith.addi %mul3A_2, %mul3A_185 : i32
      %dma_start3A_187 = arith.constant 0 : i32
      %dma_start3A_188 = tpu.memref_slice %arg7[%add3A_186, %dma_start3A_187] : memref<131072x128xf32, #tpu.memory_space<hbm>> -> memref<128x128xf32, #tpu.memory_space<hbm>>
      %dma_start3A_189 = arith.constant 0 : i32
      %dma_start3A_190 = arith.constant 0 : i32
      %dma_start3A_191 = tpu.memref_slice %arg23[%scan3A_44, %dma_start3A_189, %dma_start3A_190] : memref<4x128x128xf32, #tpu.memory_space<vmem_shared>> -> memref<1x128x128xf32, #tpu.memory_space<vmem_shared>>
      %dma_start3A_192 = tpu.memref_squeeze %dma_start3A_191 : memref<1x128x128xf32, #tpu.memory_space<vmem_shared>> -> memref<128x128xf32, #tpu.memory_space<vmem_shared>>
      tpu.enqueue_dma source(%dma_start3A_192 : memref<128x128xf32, #tpu.memory_space<vmem_shared>>) target(%dma_start3A_188 : memref<128x128xf32, #tpu.memory_space<hbm>>) target_semaphore(%arg30 : memref<!tpu.dma_semaphore, #tpu.memory_space<semaphore_mem>>)
      %dma_wait3A_193 = arith.constant 0 : i32
      %dma_wait3A_194 = arith.constant 0 : i32
      %dma_wait3A_195 = tpu.memref_slice %arg23[%scan3A_45, %dma_wait3A_193, %dma_wait3A_194] : memref<4x128x128xf32, #tpu.memory_space<vmem_shared>> -> memref<1x128x128xf32, #tpu.memory_space<vmem_shared>>
      %dma_wait3A_196 = tpu.memref_squeeze %dma_wait3A_195 : memref<1x128x128xf32, #tpu.memory_space<vmem_shared>> -> memref<128x128xf32, #tpu.memory_space<vmem_shared>>
      %dma_wait3A_197 = arith.constant 0 : i32
      %dma_wait3A_198 = tpu.memref_slice %arg2[%mul3A_2, %dma_wait3A_197] : memref<131072x128xf32, #tpu.memory_space<hbm>> -> memref<128x128xf32, #tpu.memory_space<hbm>>
      tpu.wait_dma2 semaphore(%arg27 : memref<!tpu.dma_semaphore, #tpu.memory_space<semaphore_mem>>) src(%dma_wait3A_198 : memref<128x128xf32, #tpu.memory_space<hbm>>) dst(%dma_wait3A_196 : memref<128x128xf32, #tpu.memory_space<vmem_shared>>)
      %add3A_199 = arith.constant 3 : i32
      %add3A_200 = arith.addi %mul3A_131, %add3A_199 : i32
      %mul3A_201 = arith.constant 128 : i32
      %mul3A_202 = arith.muli %add3A_200, %mul3A_201 : i32
      %add3A_203 = arith.addi %mul3A_2, %mul3A_202 : i32
      %dma_start3A_204 = arith.constant 0 : i32
      %dma_start3A_205 = tpu.memref_slice %arg7[%add3A_203, %dma_start3A_204] : memref<131072x128xf32, #tpu.memory_space<hbm>> -> memref<128x128xf32, #tpu.memory_space<hbm>>
      %dma_start3A_206 = arith.constant 0 : i32
      %dma_start3A_207 = arith.constant 0 : i32
      %dma_start3A_208 = tpu.memref_slice %arg23[%scan3A_45, %dma_start3A_206, %dma_start3A_207] : memref<4x128x128xf32, #tpu.memory_space<vmem_shared>> -> memref<1x128x128xf32, #tpu.memory_space<vmem_shared>>
      %dma_start3A_209 = tpu.memref_squeeze %dma_start3A_208 : memref<1x128x128xf32, #tpu.memory_space<vmem_shared>> -> memref<128x128xf32, #tpu.memory_space<vmem_shared>>
      tpu.enqueue_dma source(%dma_start3A_209 : memref<128x128xf32, #tpu.memory_space<vmem_shared>>) target(%dma_start3A_205 : memref<128x128xf32, #tpu.memory_space<hbm>>) target_semaphore(%arg31 : memref<!tpu.dma_semaphore, #tpu.memory_space<semaphore_mem>>)
      %lt3A = arith.constant 7 : i32
      %lt3A_210 = arith.cmpi slt, %scan3A_128, %lt3A : i32
      %convert_element_type3A_211 = arith.extui %lt3A_210 : i1 to i32
      %cond3A_212 = arith.constant 0 : i32
      %cond3A_213 = arith.cmpi ne, %convert_element_type3A_211, %cond3A_212 : i32
      scf.if %cond3A_213 {
        %dma_wait3A_215 = arith.constant 0 : i32
        %dma_wait3A_216 = tpu.memref_slice %arg7[%mul3A_2, %dma_wait3A_215] : memref<131072x128xf32, #tpu.memory_space<hbm>> -> memref<128x128xf32, #tpu.memory_space<hbm>>
        %dma_wait3A_217 = arith.constant 0 : i32
        %dma_wait3A_218 = arith.constant 0 : i32
        %dma_wait3A_219 = tpu.memref_slice %arg23[%scan3A_46, %dma_wait3A_217, %dma_wait3A_218] : memref<4x128x128xf32, #tpu.memory_space<vmem_shared>> -> memref<1x128x128xf32, #tpu.memory_space<vmem_shared>>
        %dma_wait3A_220 = tpu.memref_squeeze %dma_wait3A_219 : memref<1x128x128xf32, #tpu.memory_space<vmem_shared>> -> memref<128x128xf32, #tpu.memory_space<vmem_shared>>
        tpu.wait_dma2 semaphore(%arg28 : memref<!tpu.dma_semaphore, #tpu.memory_space<semaphore_mem>>) src(%dma_wait3A_220 : memref<128x128xf32, #tpu.memory_space<vmem_shared>>) dst(%dma_wait3A_216 : memref<128x128xf32, #tpu.memory_space<hbm>>)
        %add3A_221 = arith.constant 4 : i32
        %add3A_222 = arith.addi %mul3A_131, %add3A_221 : i32
        %mul3A_223 = arith.constant 128 : i32
        %mul3A_224 = arith.muli %add3A_222, %mul3A_223 : i32
        %add3A_225 = arith.addi %mul3A_2, %mul3A_224 : i32
        %dma_start3A_226 = arith.constant 0 : i32
        %dma_start3A_227 = arith.constant 0 : i32
        %dma_start3A_228 = tpu.memref_slice %arg23[%scan3A_46, %dma_start3A_226, %dma_start3A_227] : memref<4x128x128xf32, #tpu.memory_space<vmem_shared>> -> memref<1x128x128xf32, #tpu.memory_space<vmem_shared>>
        %dma_start3A_229 = tpu.memref_squeeze %dma_start3A_228 : memref<1x128x128xf32, #tpu.memory_space<vmem_shared>> -> memref<128x128xf32, #tpu.memory_space<vmem_shared>>
        %dma_start3A_230 = arith.constant 0 : i32
        %dma_start3A_231 = tpu.memref_slice %arg2[%add3A_225, %dma_start3A_230] : memref<131072x128xf32, #tpu.memory_space<hbm>> -> memref<128x128xf32, #tpu.memory_space<hbm>>
        tpu.enqueue_dma source(%dma_start3A_231 : memref<128x128xf32, #tpu.memory_space<hbm>>) target(%dma_start3A_229 : memref<128x128xf32, #tpu.memory_space<vmem_shared>>) target_semaphore(%arg24 : memref<!tpu.dma_semaphore, #tpu.memory_space<semaphore_mem>>)
        %dma_wait3A_232 = arith.constant 0 : i32
        %dma_wait3A_233 = tpu.memref_slice %arg7[%mul3A_2, %dma_wait3A_232] : memref<131072x128xf32, #tpu.memory_space<hbm>> -> memref<128x128xf32, #tpu.memory_space<hbm>>
        %dma_wait3A_234 = arith.constant 0 : i32
        %dma_wait3A_235 = arith.constant 0 : i32
        %dma_wait3A_236 = tpu.memref_slice %arg23[%scan3A_47, %dma_wait3A_234, %dma_wait3A_235] : memref<4x128x128xf32, #tpu.memory_space<vmem_shared>> -> memref<1x128x128xf32, #tpu.memory_space<vmem_shared>>
        %dma_wait3A_237 = tpu.memref_squeeze %dma_wait3A_236 : memref<1x128x128xf32, #tpu.memory_space<vmem_shared>> -> memref<128x128xf32, #tpu.memory_space<vmem_shared>>
        tpu.wait_dma2 semaphore(%arg29 : memref<!tpu.dma_semaphore, #tpu.memory_space<semaphore_mem>>) src(%dma_wait3A_237 : memref<128x128xf32, #tpu.memory_space<vmem_shared>>) dst(%dma_wait3A_233 : memref<128x128xf32, #tpu.memory_space<hbm>>)
        %add3A_238 = arith.constant 5 : i32
        %add3A_239 = arith.addi %mul3A_131, %add3A_238 : i32
        %mul3A_240 = arith.constant 128 : i32
        %mul3A_241 = arith.muli %add3A_239, %mul3A_240 : i32
        %add3A_242 = arith.addi %mul3A_2, %mul3A_241 : i32
        %dma_start3A_243 = arith.constant 0 : i32
        %dma_start3A_244 = arith.constant 0 : i32
        %dma_start3A_245 = tpu.memref_slice %arg23[%scan3A_47, %dma_start3A_243, %dma_start3A_244] : memref<4x128x128xf32, #tpu.memory_space<vmem_shared>> -> memref<1x128x128xf32, #tpu.memory_space<vmem_shared>>
        %dma_start3A_246 = tpu.memref_squeeze %dma_start3A_245 : memref<1x128x128xf32, #tpu.memory_space<vmem_shared>> -> memref<128x128xf32, #tpu.memory_space<vmem_shared>>
        %dma_start3A_247 = arith.constant 0 : i32
        %dma_start3A_248 = tpu.memref_slice %arg2[%add3A_242, %dma_start3A_247] : memref<131072x128xf32, #tpu.memory_space<hbm>> -> memref<128x128xf32, #tpu.memory_space<hbm>>
        tpu.enqueue_dma source(%dma_start3A_248 : memref<128x128xf32, #tpu.memory_space<hbm>>) target(%dma_start3A_246 : memref<128x128xf32, #tpu.memory_space<vmem_shared>>) target_semaphore(%arg25 : memref<!tpu.dma_semaphore, #tpu.memory_space<semaphore_mem>>)
      } else {
      }
      %scan3A_214 = arith.constant 0 : i32
      scf.yield %scan3A_214 : i32
    }
    %scan3A_54 = arith.constant 8 : i32
    %mul3A_55 = arith.constant 256 : i32
    %mul3A_56 = arith.muli %add3A, %mul3A_55 : i32
    %scan3A_57 = arith.constant 0 : i32
    %scan3A_58 = arith.constant -1 : i32
    %scan3A_59 = arith.constant 0 : i32
    %scan3A_60 = arith.constant 16 : i32
    %scan3A_61 = arith.addi %scan3A_59, %scan3A_60 : i32
    %scan3A_62 = arith.constant 1 : i32
    %scan3A_63:2 = scf.for %scan3A_128 = %scan3A_59 to %scan3A_61 step %scan3A_62 iter_args(%scan3A_129 = %scan3A_57, %scan3A_130 = %scan3A_58) -> (i32, i32)  : i32 {
      %mul3A_131 = arith.constant 16 : i32
      %mul3A_132 = arith.muli %scan3A_128, %mul3A_131 : i32
      %add3A_133 = arith.addi %mul3A_56, %mul3A_132 : i32
      %add3A_134 = vector.broadcast %add3A_133 : i32 to vector<16xi32>
      %add3A_135 = arith.addi %add3A_134, %iota3A : vector<16xi32>
      %gather3A = tpu.vector_load_idx %arg10[%add3A_135] : memref<8192xi32, #tpu.memory_space<vmem>>[vector<16xi32>], vector<16xi32>,
      %ge3A = arith.constant 0 : i32
      %ge3A_136 = vector.broadcast %ge3A : i32 to vector<16xi32>
      %ge3A_137 = arith.cmpi sge, %gather3A, %ge3A_136 : vector<16xi32>
      %all_reduce_population_count3A = tpu.all_reduce %ge3A_137 {dim = 0 : i64, kind = #tpu.reduction_kind<sum>} : vector<16xi1> -> vector<16xi32>
      %reduce_max3A = arith.constant true
      %reduce_max3A_138 = vector.broadcast %reduce_max3A : i1 to vector<16xi1>
      %reduce_max3A_139 = arith.constant -2147483648 : i32
      %reduce_max3A_140 = vector.broadcast %reduce_max3A_139 : i32 to vector<16xi32>
      %reduce_max3A_141 = arith.xori %all_reduce_population_count3A, %reduce_max3A_140 : vector<16xi32>
      %reduce_max3A_142 = tpu.scan <max>, %reduce_max3A_141 masked %reduce_max3A_138 : vector<16xi32>, vector<16xi1> -> vector<16xi32>
      %reduce_max3A_143 = arith.xori %reduce_max3A_142, %reduce_max3A_140 : vector<16xi32>
      %reduce_max3A_144 = vector.extract %reduce_max3A_143[15] : i32 from vector<16xi32>
      %swap3A = arith.index_cast %scan3A_129 : i32 to index
      %swap3A_145 = tpu.vector_load %arg11[%swap3A] masked %ge3A_137 {strides = array<i32>} : memref<288xi32, #tpu.memory_space<vmem>>, vector<16xi32>, vector<16xi1>
      tpu.vector_store %arg11[%swap3A], %gather3A masked %ge3A_137 {strides = array<i32>} : memref<288xi32, #tpu.memory_space<vmem>>, vector<16xi32>, vector<16xi1>
      %swap3A_146 = arith.index_cast %scan3A_129 : i32 to index
      %swap3A_147 = tpu.vector_load %arg12[%swap3A_146] masked %ge3A_137 {strides = array<i32>} : memref<288xi32, #tpu.memory_space<vmem>>, vector<16xi32>, vector<16xi1>
      tpu.vector_store %arg12[%swap3A_146], %add3A_135 masked %ge3A_137 {strides = array<i32>} : memref<288xi32, #tpu.memory_space<vmem>>, vector<16xi32>, vector<16xi1>
      %mul3A_148 = arith.constant 2048 : i32
      %mul3A_149 = vector.broadcast %mul3A_148 : i32 to vector<16xi32>
      %mul3A_150 = arith.muli %add3A_135, %mul3A_149 : vector<16xi32>
      %add3A_151 = arith.addi %mul3A_150, %gather3A : vector<16xi32>
      %jit3A_152 = arith.constant -1 : i32
      %broadcast_in_dim3A = vector.broadcast %jit3A_152 : i32 to vector<16xi32>
      %select_n3A_153 = arith.select %ge3A_137, %add3A_151, %broadcast_in_dim3A : vector<16xi1>, vector<16xi32>
      %reduce_max3A_154 = arith.constant true
      %reduce_max3A_155 = vector.broadcast %reduce_max3A_154 : i1 to vector<16xi1>
      %reduce_max3A_156 = arith.constant -2147483648 : i32
      %reduce_max3A_157 = vector.broadcast %reduce_max3A_156 : i32 to vector<16xi32>
      %reduce_max3A_158 = arith.xori %select_n3A_153, %reduce_max3A_157 : vector<16xi32>
      %reduce_max3A_159 = tpu.scan <max>, %reduce_max3A_158 masked %reduce_max3A_155 : vector<16xi32>, vector<16xi1> -> vector<16xi32>
      %reduce_max3A_160 = arith.xori %reduce_max3A_159, %reduce_max3A_157 : vector<16xi32>
      %reduce_max3A_161 = vector.extract %reduce_max3A_160[15] : i32 from vector<16xi32>
      %add3A_162 = arith.addi %scan3A_129, %reduce_max3A_144 : i32
      %max3A = arith.maxsi %scan3A_130, %reduce_max3A_161 : i32
      scf.yield %add3A_162, %max3A : i32, i32
    }
    %scan3A_64 = arith.constant 16 : i32
    %gt3A = arith.constant 0 : i32
    %gt3A_65 = arith.cmpi sgt, %scan3A_63#0, %gt3A : i32
    %convert_element_type3A = arith.extui %gt3A_65 : i1 to i32
    %cond3A = arith.constant 0 : i32
    %cond3A_66 = arith.cmpi ne, %convert_element_type3A, %cond3A : i32
    scf.if %cond3A_66 {
      %broadcast_in_dim3A = arith.constant 1 : i32
      %broadcast_in_dim3A_128 = vector.broadcast %broadcast_in_dim3A : i32 to vector<16xi32>
      %and3A_129 = arith.constant 2047 : i32
      %and3A_130 = arith.andi %scan3A_63#1, %and3A_129 : i32
      %mul3A_131 = vector.broadcast %and3A_130 : i32 to vector<16xi32>
      %mul3A_132 = arith.muli %broadcast_in_dim3A_128, %mul3A_131 : vector<16xi32>
      %broadcast_in_dim3A_133 = arith.constant 1 : i32
      %broadcast_in_dim3A_134 = vector.broadcast %broadcast_in_dim3A_133 : i32 to vector<16xi32>
      %shift_right_arithmetic3A = arith.constant 11 : i32
      %shift_right_arithmetic3A_135 = arith.shrsi %scan3A_63#1, %shift_right_arithmetic3A : i32
      %mul3A_136 = vector.broadcast %shift_right_arithmetic3A_135 : i32 to vector<16xi32>
      %mul3A_137 = arith.muli %broadcast_in_dim3A_134, %mul3A_136 : vector<16xi32>
      %swap3A = arith.index_cast %scan3A_63#0 : i32 to index
      %swap3A_138 = tpu.vector_load %arg11[%swap3A] {strides = array<i32>} : memref<288xi32, #tpu.memory_space<vmem>>, vector<16xi32>,
      tpu.vector_store %arg11[%swap3A], %mul3A_132 {strides = array<i32>} : memref<288xi32, #tpu.memory_space<vmem>>, vector<16xi32>,
      %swap3A_139 = arith.index_cast %scan3A_63#0 : i32 to index
      %swap3A_140 = tpu.vector_load %arg12[%swap3A_139] {strides = array<i32>} : memref<288xi32, #tpu.memory_space<vmem>>, vector<16xi32>,
      tpu.vector_store %arg12[%swap3A_139], %mul3A_137 {strides = array<i32>} : memref<288xi32, #tpu.memory_space<vmem>>, vector<16xi32>,
      %add3A_141 = arith.constant 16 : i32
      %add3A_142 = arith.addi %scan3A_63#0, %add3A_141 : i32
      %swap3A_143 = arith.index_cast %add3A_142 : i32 to index
      %swap3A_144 = tpu.vector_load %arg11[%swap3A_143] {strides = array<i32>} : memref<288xi32, #tpu.memory_space<vmem>>, vector<16xi32>,
      tpu.vector_store %arg11[%swap3A_143], %mul3A_132 {strides = array<i32>} : memref<288xi32, #tpu.memory_space<vmem>>, vector<16xi32>,
      %add3A_145 = arith.constant 16 : i32
      %add3A_146 = arith.addi %scan3A_63#0, %add3A_145 : i32
      %swap3A_147 = arith.index_cast %add3A_146 : i32 to index
      %swap3A_148 = tpu.vector_load %arg12[%swap3A_147] {strides = array<i32>} : memref<288xi32, #tpu.memory_space<vmem>>, vector<16xi32>,
      tpu.vector_store %arg12[%swap3A_147], %mul3A_137 {strides = array<i32>} : memref<288xi32, #tpu.memory_space<vmem>>, vector<16xi32>,
    } else {
    }
    %dma_wait3A = arith.constant 0 : i32
    %dma_wait3A_67 = arith.constant 0 : i32
    %dma_wait3A_68 = tpu.memref_slice %arg7[%mul3A_2, %dma_wait3A_67] : memref<131072x128xf32, #tpu.memory_space<hbm>> -> memref<128x128xf32, #tpu.memory_space<hbm>>
    %dma_wait3A_69 = arith.constant 0 : i32
    %dma_wait3A_70 = arith.constant 0 : i32
    %dma_wait3A_71 = tpu.memref_slice %arg23[%dma_wait3A, %dma_wait3A_69, %dma_wait3A_70] : memref<4x128x128xf32, #tpu.memory_space<vmem_shared>> -> memref<1x128x128xf32, #tpu.memory_space<vmem_shared>>
    %dma_wait3A_72 = tpu.memref_squeeze %dma_wait3A_71 : memref<1x128x128xf32, #tpu.memory_space<vmem_shared>> -> memref<128x128xf32, #tpu.memory_space<vmem_shared>>
    tpu.wait_dma2 semaphore(%arg28 : memref<!tpu.dma_semaphore, #tpu.memory_space<semaphore_mem>>) src(%dma_wait3A_72 : memref<128x128xf32, #tpu.memory_space<vmem_shared>>) dst(%dma_wait3A_68 : memref<128x128xf32, #tpu.memory_space<hbm>>)
    %dma_wait3A_73 = arith.constant 1 : i32
    %dma_wait3A_74 = arith.constant 0 : i32
    %dma_wait3A_75 = tpu.memref_slice %arg7[%mul3A_2, %dma_wait3A_74] : memref<131072x128xf32, #tpu.memory_space<hbm>> -> memref<128x128xf32, #tpu.memory_space<hbm>>
    %dma_wait3A_76 = arith.constant 0 : i32
    %dma_wait3A_77 = arith.constant 0 : i32
    %dma_wait3A_78 = tpu.memref_slice %arg23[%dma_wait3A_73, %dma_wait3A_76, %dma_wait3A_77] : memref<4x128x128xf32, #tpu.memory_space<vmem_shared>> -> memref<1x128x128xf32, #tpu.memory_space<vmem_shared>>
    %dma_wait3A_79 = tpu.memref_squeeze %dma_wait3A_78 : memref<1x128x128xf32, #tpu.memory_space<vmem_shared>> -> memref<128x128xf32, #tpu.memory_space<vmem_shared>>
    tpu.wait_dma2 semaphore(%arg29 : memref<!tpu.dma_semaphore, #tpu.memory_space<semaphore_mem>>) src(%dma_wait3A_79 : memref<128x128xf32, #tpu.memory_space<vmem_shared>>) dst(%dma_wait3A_75 : memref<128x128xf32, #tpu.memory_space<hbm>>)
    %dma_wait3A_80 = arith.constant 2 : i32
    %dma_wait3A_81 = arith.constant 0 : i32
    %dma_wait3A_82 = tpu.memref_slice %arg7[%mul3A_2, %dma_wait3A_81] : memref<131072x128xf32, #tpu.memory_space<hbm>> -> memref<128x128xf32, #tpu.memory_space<hbm>>
    %dma_wait3A_83 = arith.constant 0 : i32
    %dma_wait3A_84 = arith.constant 0 : i32
    %dma_wait3A_85 = tpu.memref_slice %arg23[%dma_wait3A_80, %dma_wait3A_83, %dma_wait3A_84] : memref<4x128x128xf32, #tpu.memory_space<vmem_shared>> -> memref<1x128x128xf32, #tpu.memory_space<vmem_shared>>
    %dma_wait3A_86 = tpu.memref_squeeze %dma_wait3A_85 : memref<1x128x128xf32, #tpu.memory_space<vmem_shared>> -> memref<128x128xf32, #tpu.memory_space<vmem_shared>>
    tpu.wait_dma2 semaphore(%arg30 : memref<!tpu.dma_semaphore, #tpu.memory_space<semaphore_mem>>) src(%dma_wait3A_86 : memref<128x128xf32, #tpu.memory_space<vmem_shared>>) dst(%dma_wait3A_82 : memref<128x128xf32, #tpu.memory_space<hbm>>)
    %dma_wait3A_87 = arith.constant 3 : i32
    %dma_wait3A_88 = arith.constant 0 : i32
    %dma_wait3A_89 = tpu.memref_slice %arg7[%mul3A_2, %dma_wait3A_88] : memref<131072x128xf32, #tpu.memory_space<hbm>> -> memref<128x128xf32, #tpu.memory_space<hbm>>
    %dma_wait3A_90 = arith.constant 0 : i32
    %dma_wait3A_91 = arith.constant 0 : i32
    %dma_wait3A_92 = tpu.memref_slice %arg23[%dma_wait3A_87, %dma_wait3A_90, %dma_wait3A_91] : memref<4x128x128xf32, #tpu.memory_space<vmem_shared>> -> memref<1x128x128xf32, #tpu.memory_space<vmem_shared>>
    %dma_wait3A_93 = tpu.memref_squeeze %dma_wait3A_92 : memref<1x128x128xf32, #tpu.memory_space<vmem_shared>> -> memref<128x128xf32, #tpu.memory_space<vmem_shared>>
    tpu.wait_dma2 semaphore(%arg31 : memref<!tpu.dma_semaphore, #tpu.memory_space<semaphore_mem>>) src(%dma_wait3A_93 : memref<128x128xf32, #tpu.memory_space<vmem_shared>>) dst(%dma_wait3A_89 : memref<128x128xf32, #tpu.memory_space<hbm>>)
    %add3A_94 = arith.constant 31 : i32
    %add3A_95 = arith.addi %scan3A_63#0, %add3A_94 : i32
    %jit3A = arith.constant 32 : i32
    %div3A = arith.divsi %add3A_95, %jit3A : i32
    %sign3A = arith.constant 0 : i32
    %sign3A_96 = arith.cmpi sgt, %add3A_95, %sign3A : i32
    %sign3A_97 = arith.extui %sign3A_96 : i1 to i32
    %sign3A_98 = arith.constant 0 : i32
    %sign3A_99 = arith.cmpi slt, %add3A_95, %sign3A_98 : i32
    %sign3A_100 = arith.extui %sign3A_99 : i1 to i32
    %sign3A_101 = arith.subi %sign3A_97, %sign3A_100 : i32
    %sign3A_102 = arith.constant 0 : i32
    %sign3A_103 = arith.cmpi sgt, %jit3A, %sign3A_102 : i32
    %sign3A_104 = arith.extui %sign3A_103 : i1 to i32
    %sign3A_105 = arith.constant 0 : i32
    %sign3A_106 = arith.cmpi slt, %jit3A, %sign3A_105 : i32
    %sign3A_107 = arith.extui %sign3A_106 : i1 to i32
    %sign3A_108 = arith.subi %sign3A_104, %sign3A_107 : i32
    %ne3A = arith.cmpi ne, %sign3A_101, %sign3A_108 : i32
    %rem3A = arith.remsi %add3A_95, %jit3A : i32
    %ne3A_109 = arith.constant 0 : i32
    %ne3A_110 = arith.cmpi ne, %rem3A, %ne3A_109 : i32
    %and3A = arith.andi %ne3A, %ne3A_110 : i1
    %sub3A = arith.constant 1 : i32
    %sub3A_111 = arith.subi %div3A, %sub3A : i32
    %select_n3A = arith.select %and3A, %sub3A_111, %div3A : i32
    %while3A = arith.constant 0 : i32
    %while3A_112 = arith.constant 0 : i32
    %while3A_113 = arith.subi %select_n3A, %while3A : i32
    %while3A_114 = arith.addi %while3A, %while3A_113 : i32
    %while3A_115 = arith.constant 1 : i32
    %while3A_116 = arith.divsi %while3A_113, %while3A_115 : i32
    %while3A_117 = arith.muli %while3A_116, %while3A_115 : i32
    %while3A_118 = arith.addi %while3A, %while3A_117 : i32
    %while3A_119 = arith.constant 1 : i32
    %while3A_120 = scf.for %while3A_128 = %while3A to %while3A_118 step %while3A_119 iter_args(%while3A_129 = %while3A_112) -> (i32)  : i32 {
      %gt3A_130 = arith.constant 0 : i32
      %gt3A_131 = arith.cmpi sgt, %while3A_128, %gt3A_130 : i32
      %convert_element_type3A_132 = arith.extui %gt3A_131 : i1 to i32
      %cond3A_133 = arith.constant 0 : i32
      %cond3A_134 = arith.cmpi ne, %convert_element_type3A_132, %cond3A_133 : i32
      scf.if %cond3A_134 {
        %dma_wait3A_616 = arith.constant 0 : i32
        %dma_wait3A_617 = tpu.memref_slice %arg7[%mul3A_2, %dma_wait3A_616] : memref<131072x128xf32, #tpu.memory_space<hbm>> -> memref<128x128xf32, #tpu.memory_space<hbm>>
        %dma_wait3A_618 = arith.constant 0 : i32
        %dma_wait3A_619 = tpu.memref_slice %arg7[%mul3A_2, %dma_wait3A_618] : memref<131072x128xf32, #tpu.memory_space<hbm>> -> memref<128x128xf32, #tpu.memory_space<hbm>>
        tpu.wait_dma2 semaphore(%arg28 : memref<!tpu.dma_semaphore, #tpu.memory_space<semaphore_mem>>) src(%arg19 : memref<128x128xf32, #tpu.memory_space<vmem>>) dst(%dma_wait3A_619 : memref<128x128xf32, #tpu.memory_space<hbm>>)
        %dma_wait3A_620 = arith.constant 0 : i32
        %dma_wait3A_621 = tpu.memref_slice %arg7[%mul3A_2, %dma_wait3A_620] : memref<131072x128xf32, #tpu.memory_space<hbm>> -> memref<128x128xf32, #tpu.memory_space<hbm>>
        %dma_wait3A_622 = arith.constant 0 : i32
        %dma_wait3A_623 = tpu.memref_slice %arg7[%mul3A_2, %dma_wait3A_622] : memref<131072x128xf32, #tpu.memory_space<hbm>> -> memref<128x128xf32, #tpu.memory_space<hbm>>
        tpu.wait_dma2 semaphore(%arg29 : memref<!tpu.dma_semaphore, #tpu.memory_space<semaphore_mem>>) src(%arg20 : memref<128x128xf32, #tpu.memory_space<vmem>>) dst(%dma_wait3A_623 : memref<128x128xf32, #tpu.memory_space<hbm>>)
        %dma_wait3A_624 = arith.constant 0 : i32
        %dma_wait3A_625 = tpu.memref_slice %arg7[%mul3A_2, %dma_wait3A_624] : memref<131072x128xf32, #tpu.memory_space<hbm>> -> memref<128x128xf32, #tpu.memory_space<hbm>>
        %dma_wait3A_626 = arith.constant 0 : i32
        %dma_wait3A_627 = tpu.memref_slice %arg7[%mul3A_2, %dma_wait3A_626] : memref<131072x128xf32, #tpu.memory_space<hbm>> -> memref<128x128xf32, #tpu.memory_space<hbm>>
        tpu.wait_dma2 semaphore(%arg30 : memref<!tpu.dma_semaphore, #tpu.memory_space<semaphore_mem>>) src(%arg21 : memref<128x128xf32, #tpu.memory_space<vmem>>) dst(%dma_wait3A_627 : memref<128x128xf32, #tpu.memory_space<hbm>>)
        %dma_wait3A_628 = arith.constant 0 : i32
        %dma_wait3A_629 = tpu.memref_slice %arg7[%mul3A_2, %dma_wait3A_628] : memref<131072x128xf32, #tpu.memory_space<hbm>> -> memref<128x128xf32, #tpu.memory_space<hbm>>
        %dma_wait3A_630 = arith.constant 0 : i32
        %dma_wait3A_631 = tpu.memref_slice %arg7[%mul3A_2, %dma_wait3A_630] : memref<131072x128xf32, #tpu.memory_space<hbm>> -> memref<128x128xf32, #tpu.memory_space<hbm>>
        tpu.wait_dma2 semaphore(%arg31 : memref<!tpu.dma_semaphore, #tpu.memory_space<semaphore_mem>>) src(%arg22 : memref<128x128xf32, #tpu.memory_space<vmem>>) dst(%dma_wait3A_631 : memref<128x128xf32, #tpu.memory_space<hbm>>)
      } else {
      }
      %mul3A_135 = arith.constant 32 : i32
      %mul3A_136 = arith.muli %while3A_128, %mul3A_135 : i32
      %get3A = arith.index_cast %mul3A_136 : i32 to index
      %get3A_137 = tpu.vector_load %arg11[%get3A] {strides = array<i32>} : memref<288xi32, #tpu.memory_space<vmem>>, vector<16xi32>,
      %get3A_138 = arith.index_cast %mul3A_136 : i32 to index
      %get3A_139 = tpu.vector_load %arg12[%get3A_138] {strides = array<i32>} : memref<288xi32, #tpu.memory_space<vmem>>, vector<16xi32>,
      %mul3A_140 = arith.constant 8 : i32
      %mul3A_141 = vector.broadcast %mul3A_140 : i32 to vector<16xi32>
      %mul3A_142 = arith.muli %get3A_137, %mul3A_141 : vector<16xi32>
      %add3A_143 = arith.constant 0 : i32
      %add3A_144 = vector.broadcast %add3A_143 : i32 to vector<16xi32>
      %add3A_145 = arith.addi %mul3A_142, %add3A_144 : vector<16xi32>
      %swap3A = arith.constant 0 : index
      %swap3A_146 = tpu.vector_load %arg13[%swap3A] {strides = array<i32>} : memref<128xi32, #tpu.memory_space<vmem>>, vector<16xi32>,
      tpu.vector_store %arg13[%swap3A], %add3A_145 {strides = array<i32>} : memref<128xi32, #tpu.memory_space<vmem>>, vector<16xi32>,
      %mul3A_147 = arith.constant 16 : i32
      %mul3A_148 = vector.broadcast %mul3A_147 : i32 to vector<16xi32>
      %mul3A_149 = arith.muli %get3A_139, %mul3A_148 : vector<16xi32>
      %add3A_150 = arith.constant 0 : i32
      %add3A_151 = vector.broadcast %add3A_150 : i32 to vector<16xi32>
      %add3A_152 = arith.addi %mul3A_149, %add3A_151 : vector<16xi32>
      %swap3A_153 = arith.constant 0 : index
      %swap3A_154 = tpu.vector_load %arg14[%swap3A_153] {strides = array<i32>} : memref<128xi32, #tpu.memory_space<vmem>>, vector<16xi32>,
      tpu.vector_store %arg14[%swap3A_153], %add3A_152 {strides = array<i32>} : memref<128xi32, #tpu.memory_space<vmem>>, vector<16xi32>,
      %mul3A_155 = arith.constant 16 : i32
      %mul3A_156 = vector.broadcast %mul3A_155 : i32 to vector<16xi32>
      %mul3A_157 = arith.muli %get3A_139, %mul3A_156 : vector<16xi32>
      %add3A_158 = arith.constant 0 : i32
      %add3A_159 = vector.broadcast %add3A_158 : i32 to vector<16xi32>
      %add3A_160 = arith.addi %mul3A_157, %add3A_159 : vector<16xi32>
      %add3A_161 = arith.constant 1 : i32
      %add3A_162 = vector.broadcast %add3A_161 : i32 to vector<16xi32>
      %add3A_163 = arith.addi %add3A_160, %add3A_162 : vector<16xi32>
      %swap3A_164 = arith.constant 0 : index
      %swap3A_165 = tpu.vector_load %arg15[%swap3A_164] {strides = array<i32>} : memref<128xi32, #tpu.memory_space<vmem>>, vector<16xi32>,
      tpu.vector_store %arg15[%swap3A_164], %add3A_163 {strides = array<i32>} : memref<128xi32, #tpu.memory_space<vmem>>, vector<16xi32>,
      %mul3A_166 = arith.constant 8 : i32
      %mul3A_167 = vector.broadcast %mul3A_166 : i32 to vector<16xi32>
      %mul3A_168 = arith.muli %get3A_137, %mul3A_167 : vector<16xi32>
      %add3A_169 = arith.constant 1 : i32
      %add3A_170 = vector.broadcast %add3A_169 : i32 to vector<16xi32>
      %add3A_171 = arith.addi %mul3A_168, %add3A_170 : vector<16xi32>
      %swap3A_172 = arith.constant 16 : index
      %swap3A_173 = tpu.vector_load %arg13[%swap3A_172] {strides = array<i32>} : memref<128xi32, #tpu.memory_space<vmem>>, vector<16xi32>,
      tpu.vector_store %arg13[%swap3A_172], %add3A_171 {strides = array<i32>} : memref<128xi32, #tpu.memory_space<vmem>>, vector<16xi32>,
      %mul3A_174 = arith.constant 16 : i32
      %mul3A_175 = vector.broadcast %mul3A_174 : i32 to vector<16xi32>
      %mul3A_176 = arith.muli %get3A_139, %mul3A_175 : vector<16xi32>
      %add3A_177 = arith.constant 2 : i32
      %add3A_178 = vector.broadcast %add3A_177 : i32 to vector<16xi32>
      %add3A_179 = arith.addi %mul3A_176, %add3A_178 : vector<16xi32>
      %swap3A_180 = arith.constant 16 : index
      %swap3A_181 = tpu.vector_load %arg14[%swap3A_180] {strides = array<i32>} : memref<128xi32, #tpu.memory_space<vmem>>, vector<16xi32>,
      tpu.vector_store %arg14[%swap3A_180], %add3A_179 {strides = array<i32>} : memref<128xi32, #tpu.memory_space<vmem>>, vector<16xi32>,
      %mul3A_182 = arith.constant 16 : i32
      %mul3A_183 = vector.broadcast %mul3A_182 : i32 to vector<16xi32>
      %mul3A_184 = arith.muli %get3A_139, %mul3A_183 : vector<16xi32>
      %add3A_185 = arith.constant 2 : i32
      %add3A_186 = vector.broadcast %add3A_185 : i32 to vector<16xi32>
      %add3A_187 = arith.addi %mul3A_184, %add3A_186 : vector<16xi32>
      %add3A_188 = arith.constant 1 : i32
      %add3A_189 = vector.broadcast %add3A_188 : i32 to vector<16xi32>
      %add3A_190 = arith.addi %add3A_187, %add3A_189 : vector<16xi32>
      %swap3A_191 = arith.constant 16 : index
      %swap3A_192 = tpu.vector_load %arg15[%swap3A_191] {strides = array<i32>} : memref<128xi32, #tpu.memory_space<vmem>>, vector<16xi32>,
      tpu.vector_store %arg15[%swap3A_191], %add3A_190 {strides = array<i32>} : memref<128xi32, #tpu.memory_space<vmem>>, vector<16xi32>,
      %mul3A_193 = arith.constant 8 : i32
      %mul3A_194 = vector.broadcast %mul3A_193 : i32 to vector<16xi32>
      %mul3A_195 = arith.muli %get3A_137, %mul3A_194 : vector<16xi32>
      %add3A_196 = arith.constant 2 : i32
      %add3A_197 = vector.broadcast %add3A_196 : i32 to vector<16xi32>
      %add3A_198 = arith.addi %mul3A_195, %add3A_197 : vector<16xi32>
      %swap3A_199 = arith.constant 32 : index
      %swap3A_200 = tpu.vector_load %arg13[%swap3A_199] {strides = array<i32>} : memref<128xi32, #tpu.memory_space<vmem>>, vector<16xi32>,
      tpu.vector_store %arg13[%swap3A_199], %add3A_198 {strides = array<i32>} : memref<128xi32, #tpu.memory_space<vmem>>, vector<16xi32>,
      %mul3A_201 = arith.constant 16 : i32
      %mul3A_202 = vector.broadcast %mul3A_201 : i32 to vector<16xi32>
      %mul3A_203 = arith.muli %get3A_139, %mul3A_202 : vector<16xi32>
      %add3A_204 = arith.constant 4 : i32
      %add3A_205 = vector.broadcast %add3A_204 : i32 to vector<16xi32>
      %add3A_206 = arith.addi %mul3A_203, %add3A_205 : vector<16xi32>
      %swap3A_207 = arith.constant 32 : index
      %swap3A_208 = tpu.vector_load %arg14[%swap3A_207] {strides = array<i32>} : memref<128xi32, #tpu.memory_space<vmem>>, vector<16xi32>,
      tpu.vector_store %arg14[%swap3A_207], %add3A_206 {strides = array<i32>} : memref<128xi32, #tpu.memory_space<vmem>>, vector<16xi32>,
      %mul3A_209 = arith.constant 16 : i32
      %mul3A_210 = vector.broadcast %mul3A_209 : i32 to vector<16xi32>
      %mul3A_211 = arith.muli %get3A_139, %mul3A_210 : vector<16xi32>
      %add3A_212 = arith.constant 4 : i32
      %add3A_213 = vector.broadcast %add3A_212 : i32 to vector<16xi32>
      %add3A_214 = arith.addi %mul3A_211, %add3A_213 : vector<16xi32>
      %add3A_215 = arith.constant 1 : i32
      %add3A_216 = vector.broadcast %add3A_215 : i32 to vector<16xi32>
      %add3A_217 = arith.addi %add3A_214, %add3A_216 : vector<16xi32>
      %swap3A_218 = arith.constant 32 : index
      %swap3A_219 = tpu.vector_load %arg15[%swap3A_218] {strides = array<i32>} : memref<128xi32, #tpu.memory_space<vmem>>, vector<16xi32>,
      tpu.vector_store %arg15[%swap3A_218], %add3A_217 {strides = array<i32>} : memref<128xi32, #tpu.memory_space<vmem>>, vector<16xi32>,
      %mul3A_220 = arith.constant 8 : i32
      %mul3A_221 = vector.broadcast %mul3A_220 : i32 to vector<16xi32>
      %mul3A_222 = arith.muli %get3A_137, %mul3A_221 : vector<16xi32>
      %add3A_223 = arith.constant 3 : i32
      %add3A_224 = vector.broadcast %add3A_223 : i32 to vector<16xi32>
      %add3A_225 = arith.addi %mul3A_222, %add3A_224 : vector<16xi32>
      %swap3A_226 = arith.constant 48 : index
      %swap3A_227 = tpu.vector_load %arg13[%swap3A_226] {strides = array<i32>} : memref<128xi32, #tpu.memory_space<vmem>>, vector<16xi32>,
      tpu.vector_store %arg13[%swap3A_226], %add3A_225 {strides = array<i32>} : memref<128xi32, #tpu.memory_space<vmem>>, vector<16xi32>,
      %mul3A_228 = arith.constant 16 : i32
      %mul3A_229 = vector.broadcast %mul3A_228 : i32 to vector<16xi32>
      %mul3A_230 = arith.muli %get3A_139, %mul3A_229 : vector<16xi32>
      %add3A_231 = arith.constant 6 : i32
      %add3A_232 = vector.broadcast %add3A_231 : i32 to vector<16xi32>
      %add3A_233 = arith.addi %mul3A_230, %add3A_232 : vector<16xi32>
      %swap3A_234 = arith.constant 48 : index
      %swap3A_235 = tpu.vector_load %arg14[%swap3A_234] {strides = array<i32>} : memref<128xi32, #tpu.memory_space<vmem>>, vector<16xi32>,
      tpu.vector_store %arg14[%swap3A_234], %add3A_233 {strides = array<i32>} : memref<128xi32, #tpu.memory_space<vmem>>, vector<16xi32>,
      %mul3A_236 = arith.constant 16 : i32
      %mul3A_237 = vector.broadcast %mul3A_236 : i32 to vector<16xi32>
      %mul3A_238 = arith.muli %get3A_139, %mul3A_237 : vector<16xi32>
      %add3A_239 = arith.constant 6 : i32
      %add3A_240 = vector.broadcast %add3A_239 : i32 to vector<16xi32>
      %add3A_241 = arith.addi %mul3A_238, %add3A_240 : vector<16xi32>
      %add3A_242 = arith.constant 1 : i32
      %add3A_243 = vector.broadcast %add3A_242 : i32 to vector<16xi32>
      %add3A_244 = arith.addi %add3A_241, %add3A_243 : vector<16xi32>
      %swap3A_245 = arith.constant 48 : index
      %swap3A_246 = tpu.vector_load %arg15[%swap3A_245] {strides = array<i32>} : memref<128xi32, #tpu.memory_space<vmem>>, vector<16xi32>,
      tpu.vector_store %arg15[%swap3A_245], %add3A_244 {strides = array<i32>} : memref<128xi32, #tpu.memory_space<vmem>>, vector<16xi32>,
      %mul3A_247 = arith.constant 8 : i32
      %mul3A_248 = vector.broadcast %mul3A_247 : i32 to vector<16xi32>
      %mul3A_249 = arith.muli %get3A_137, %mul3A_248 : vector<16xi32>
      %add3A_250 = arith.constant 4 : i32
      %add3A_251 = vector.broadcast %add3A_250 : i32 to vector<16xi32>
      %add3A_252 = arith.addi %mul3A_249, %add3A_251 : vector<16xi32>
      %swap3A_253 = arith.constant 64 : index
      %swap3A_254 = tpu.vector_load %arg13[%swap3A_253] {strides = array<i32>} : memref<128xi32, #tpu.memory_space<vmem>>, vector<16xi32>,
      tpu.vector_store %arg13[%swap3A_253], %add3A_252 {strides = array<i32>} : memref<128xi32, #tpu.memory_space<vmem>>, vector<16xi32>,
      %mul3A_255 = arith.constant 16 : i32
      %mul3A_256 = vector.broadcast %mul3A_255 : i32 to vector<16xi32>
      %mul3A_257 = arith.muli %get3A_139, %mul3A_256 : vector<16xi32>
      %add3A_258 = arith.constant 8 : i32
      %add3A_259 = vector.broadcast %add3A_258 : i32 to vector<16xi32>
      %add3A_260 = arith.addi %mul3A_257, %add3A_259 : vector<16xi32>
      %swap3A_261 = arith.constant 64 : index
      %swap3A_262 = tpu.vector_load %arg14[%swap3A_261] {strides = array<i32>} : memref<128xi32, #tpu.memory_space<vmem>>, vector<16xi32>,
      tpu.vector_store %arg14[%swap3A_261], %add3A_260 {strides = array<i32>} : memref<128xi32, #tpu.memory_space<vmem>>, vector<16xi32>,
      %mul3A_263 = arith.constant 16 : i32
      %mul3A_264 = vector.broadcast %mul3A_263 : i32 to vector<16xi32>
      %mul3A_265 = arith.muli %get3A_139, %mul3A_264 : vector<16xi32>
      %add3A_266 = arith.constant 8 : i32
      %add3A_267 = vector.broadcast %add3A_266 : i32 to vector<16xi32>
      %add3A_268 = arith.addi %mul3A_265, %add3A_267 : vector<16xi32>
      %add3A_269 = arith.constant 1 : i32
      %add3A_270 = vector.broadcast %add3A_269 : i32 to vector<16xi32>
      %add3A_271 = arith.addi %add3A_268, %add3A_270 : vector<16xi32>
      %swap3A_272 = arith.constant 64 : index
      %swap3A_273 = tpu.vector_load %arg15[%swap3A_272] {strides = array<i32>} : memref<128xi32, #tpu.memory_space<vmem>>, vector<16xi32>,
      tpu.vector_store %arg15[%swap3A_272], %add3A_271 {strides = array<i32>} : memref<128xi32, #tpu.memory_space<vmem>>, vector<16xi32>,
      %mul3A_274 = arith.constant 8 : i32
      %mul3A_275 = vector.broadcast %mul3A_274 : i32 to vector<16xi32>
      %mul3A_276 = arith.muli %get3A_137, %mul3A_275 : vector<16xi32>
      %add3A_277 = arith.constant 5 : i32
      %add3A_278 = vector.broadcast %add3A_277 : i32 to vector<16xi32>
      %add3A_279 = arith.addi %mul3A_276, %add3A_278 : vector<16xi32>
      %swap3A_280 = arith.constant 80 : index
      %swap3A_281 = tpu.vector_load %arg13[%swap3A_280] {strides = array<i32>} : memref<128xi32, #tpu.memory_space<vmem>>, vector<16xi32>,
      tpu.vector_store %arg13[%swap3A_280], %add3A_279 {strides = array<i32>} : memref<128xi32, #tpu.memory_space<vmem>>, vector<16xi32>,
      %mul3A_282 = arith.constant 16 : i32
      %mul3A_283 = vector.broadcast %mul3A_282 : i32 to vector<16xi32>
      %mul3A_284 = arith.muli %get3A_139, %mul3A_283 : vector<16xi32>
      %add3A_285 = arith.constant 10 : i32
      %add3A_286 = vector.broadcast %add3A_285 : i32 to vector<16xi32>
      %add3A_287 = arith.addi %mul3A_284, %add3A_286 : vector<16xi32>
      %swap3A_288 = arith.constant 80 : index
      %swap3A_289 = tpu.vector_load %arg14[%swap3A_288] {strides = array<i32>} : memref<128xi32, #tpu.memory_space<vmem>>, vector<16xi32>,
      tpu.vector_store %arg14[%swap3A_288], %add3A_287 {strides = array<i32>} : memref<128xi32, #tpu.memory_space<vmem>>, vector<16xi32>,
      %mul3A_290 = arith.constant 16 : i32
      %mul3A_291 = vector.broadcast %mul3A_290 : i32 to vector<16xi32>
      %mul3A_292 = arith.muli %get3A_139, %mul3A_291 : vector<16xi32>
      %add3A_293 = arith.constant 10 : i32
      %add3A_294 = vector.broadcast %add3A_293 : i32 to vector<16xi32>
      %add3A_295 = arith.addi %mul3A_292, %add3A_294 : vector<16xi32>
      %add3A_296 = arith.constant 1 : i32
      %add3A_297 = vector.broadcast %add3A_296 : i32 to vector<16xi32>
      %add3A_298 = arith.addi %add3A_295, %add3A_297 : vector<16xi32>
      %swap3A_299 = arith.constant 80 : index
      %swap3A_300 = tpu.vector_load %arg15[%swap3A_299] {strides = array<i32>} : memref<128xi32, #tpu.memory_space<vmem>>, vector<16xi32>,
      tpu.vector_store %arg15[%swap3A_299], %add3A_298 {strides = array<i32>} : memref<128xi32, #tpu.memory_space<vmem>>, vector<16xi32>,
      %mul3A_301 = arith.constant 8 : i32
      %mul3A_302 = vector.broadcast %mul3A_301 : i32 to vector<16xi32>
      %mul3A_303 = arith.muli %get3A_137, %mul3A_302 : vector<16xi32>
      %add3A_304 = arith.constant 6 : i32
      %add3A_305 = vector.broadcast %add3A_304 : i32 to vector<16xi32>
      %add3A_306 = arith.addi %mul3A_303, %add3A_305 : vector<16xi32>
      %swap3A_307 = arith.constant 96 : index
      %swap3A_308 = tpu.vector_load %arg13[%swap3A_307] {strides = array<i32>} : memref<128xi32, #tpu.memory_space<vmem>>, vector<16xi32>,
      tpu.vector_store %arg13[%swap3A_307], %add3A_306 {strides = array<i32>} : memref<128xi32, #tpu.memory_space<vmem>>, vector<16xi32>,
      %mul3A_309 = arith.constant 16 : i32
      %mul3A_310 = vector.broadcast %mul3A_309 : i32 to vector<16xi32>
      %mul3A_311 = arith.muli %get3A_139, %mul3A_310 : vector<16xi32>
      %add3A_312 = arith.constant 12 : i32
      %add3A_313 = vector.broadcast %add3A_312 : i32 to vector<16xi32>
      %add3A_314 = arith.addi %mul3A_311, %add3A_313 : vector<16xi32>
      %swap3A_315 = arith.constant 96 : index
      %swap3A_316 = tpu.vector_load %arg14[%swap3A_315] {strides = array<i32>} : memref<128xi32, #tpu.memory_space<vmem>>, vector<16xi32>,
      tpu.vector_store %arg14[%swap3A_315], %add3A_314 {strides = array<i32>} : memref<128xi32, #tpu.memory_space<vmem>>, vector<16xi32>,
      %mul3A_317 = arith.constant 16 : i32
      %mul3A_318 = vector.broadcast %mul3A_317 : i32 to vector<16xi32>
      %mul3A_319 = arith.muli %get3A_139, %mul3A_318 : vector<16xi32>
      %add3A_320 = arith.constant 12 : i32
      %add3A_321 = vector.broadcast %add3A_320 : i32 to vector<16xi32>
      %add3A_322 = arith.addi %mul3A_319, %add3A_321 : vector<16xi32>
      %add3A_323 = arith.constant 1 : i32
      %add3A_324 = vector.broadcast %add3A_323 : i32 to vector<16xi32>
      %add3A_325 = arith.addi %add3A_322, %add3A_324 : vector<16xi32>
      %swap3A_326 = arith.constant 96 : index
      %swap3A_327 = tpu.vector_load %arg15[%swap3A_326] {strides = array<i32>} : memref<128xi32, #tpu.memory_space<vmem>>, vector<16xi32>,
      tpu.vector_store %arg15[%swap3A_326], %add3A_325 {strides = array<i32>} : memref<128xi32, #tpu.memory_space<vmem>>, vector<16xi32>,
      %mul3A_328 = arith.constant 8 : i32
      %mul3A_329 = vector.broadcast %mul3A_328 : i32 to vector<16xi32>
      %mul3A_330 = arith.muli %get3A_137, %mul3A_329 : vector<16xi32>
      %add3A_331 = arith.constant 7 : i32
      %add3A_332 = vector.broadcast %add3A_331 : i32 to vector<16xi32>
      %add3A_333 = arith.addi %mul3A_330, %add3A_332 : vector<16xi32>
      %swap3A_334 = arith.constant 112 : index
      %swap3A_335 = tpu.vector_load %arg13[%swap3A_334] {strides = array<i32>} : memref<128xi32, #tpu.memory_space<vmem>>, vector<16xi32>,
      tpu.vector_store %arg13[%swap3A_334], %add3A_333 {strides = array<i32>} : memref<128xi32, #tpu.memory_space<vmem>>, vector<16xi32>,
      %mul3A_336 = arith.constant 16 : i32
      %mul3A_337 = vector.broadcast %mul3A_336 : i32 to vector<16xi32>
      %mul3A_338 = arith.muli %get3A_139, %mul3A_337 : vector<16xi32>
      %add3A_339 = arith.constant 14 : i32
      %add3A_340 = vector.broadcast %add3A_339 : i32 to vector<16xi32>
      %add3A_341 = arith.addi %mul3A_338, %add3A_340 : vector<16xi32>
      %swap3A_342 = arith.constant 112 : index
      %swap3A_343 = tpu.vector_load %arg14[%swap3A_342] {strides = array<i32>} : memref<128xi32, #tpu.memory_space<vmem>>, vector<16xi32>,
      tpu.vector_store %arg14[%swap3A_342], %add3A_341 {strides = array<i32>} : memref<128xi32, #tpu.memory_space<vmem>>, vector<16xi32>,
      %mul3A_344 = arith.constant 16 : i32
      %mul3A_345 = vector.broadcast %mul3A_344 : i32 to vector<16xi32>
      %mul3A_346 = arith.muli %get3A_139, %mul3A_345 : vector<16xi32>
      %add3A_347 = arith.constant 14 : i32
      %add3A_348 = vector.broadcast %add3A_347 : i32 to vector<16xi32>
      %add3A_349 = arith.addi %mul3A_346, %add3A_348 : vector<16xi32>
      %add3A_350 = arith.constant 1 : i32
      %add3A_351 = vector.broadcast %add3A_350 : i32 to vector<16xi32>
      %add3A_352 = arith.addi %add3A_349, %add3A_351 : vector<16xi32>
      %swap3A_353 = arith.constant 112 : index
      %swap3A_354 = tpu.vector_load %arg15[%swap3A_353] {strides = array<i32>} : memref<128xi32, #tpu.memory_space<vmem>>, vector<16xi32>,
      tpu.vector_store %arg15[%swap3A_353], %add3A_352 {strides = array<i32>} : memref<128xi32, #tpu.memory_space<vmem>>, vector<16xi32>,
      %dma_start3A_355 = arith.constant 0 : i32
      %dma_start3A_356 = arith.constant 0 : i32
      %dma_start3A_357 = tpu.memref_slice %arg5[%dma_start3A_355, %dma_start3A_356] : memref<16384x128xf32, #tpu.memory_space<hbm>> -> memref<16384x128xf32, #tpu.memory_space<hbm>>
      tpu.enqueue_indirect_dma source(%dma_start3A_357 : memref<16384x128xf32, #tpu.memory_space<hbm>>) target(%arg19 : memref<128x128xf32, #tpu.memory_space<vmem>>) offsets(%arg13 : memref<128xi32, #tpu.memory_space<vmem>>) semaphore(%arg24 : memref<!tpu.dma_semaphore, #tpu.memory_space<semaphore_mem>>)
      %dma_start3A_358 = arith.constant 0 : i32
      %dma_start3A_359 = arith.constant 0 : i32
      %dma_start3A_360 = tpu.memref_slice %arg6[%dma_start3A_358, %dma_start3A_359] : memref<16384x128xf32, #tpu.memory_space<hbm>> -> memref<16384x128xf32, #tpu.memory_space<hbm>>
      tpu.enqueue_indirect_dma source(%dma_start3A_360 : memref<16384x128xf32, #tpu.memory_space<hbm>>) target(%arg20 : memref<128x128xf32, #tpu.memory_space<vmem>>) offsets(%arg13 : memref<128xi32, #tpu.memory_space<vmem>>) semaphore(%arg25 : memref<!tpu.dma_semaphore, #tpu.memory_space<semaphore_mem>>)
      %mul3A_361 = arith.constant 32 : i32
      %mul3A_362 = arith.muli %while3A_128, %mul3A_361 : i32
      %add3A_363 = arith.constant 16 : i32
      %add3A_364 = arith.addi %mul3A_362, %add3A_363 : i32
      %get3A_365 = arith.index_cast %add3A_364 : i32 to index
      %get3A_366 = tpu.vector_load %arg11[%get3A_365] {strides = array<i32>} : memref<288xi32, #tpu.memory_space<vmem>>, vector<16xi32>,
      %get3A_367 = arith.index_cast %add3A_364 : i32 to index
      %get3A_368 = tpu.vector_load %arg12[%get3A_367] {strides = array<i32>} : memref<288xi32, #tpu.memory_space<vmem>>, vector<16xi32>,
      %mul3A_369 = arith.constant 8 : i32
      %mul3A_370 = vector.broadcast %mul3A_369 : i32 to vector<16xi32>
      %mul3A_371 = arith.muli %get3A_366, %mul3A_370 : vector<16xi32>
      %add3A_372 = arith.constant 0 : i32
      %add3A_373 = vector.broadcast %add3A_372 : i32 to vector<16xi32>
      %add3A_374 = arith.addi %mul3A_371, %add3A_373 : vector<16xi32>
      %swap3A_375 = arith.constant 0 : index
      %swap3A_376 = tpu.vector_load %arg16[%swap3A_375] {strides = array<i32>} : memref<128xi32, #tpu.memory_space<vmem>>, vector<16xi32>,
      tpu.vector_store %arg16[%swap3A_375], %add3A_374 {strides = array<i32>} : memref<128xi32, #tpu.memory_space<vmem>>, vector<16xi32>,
      %mul3A_377 = arith.constant 16 : i32
      %mul3A_378 = vector.broadcast %mul3A_377 : i32 to vector<16xi32>
      %mul3A_379 = arith.muli %get3A_368, %mul3A_378 : vector<16xi32>
      %add3A_380 = arith.constant 0 : i32
      %add3A_381 = vector.broadcast %add3A_380 : i32 to vector<16xi32>
      %add3A_382 = arith.addi %mul3A_379, %add3A_381 : vector<16xi32>
      %swap3A_383 = arith.constant 0 : index
      %swap3A_384 = tpu.vector_load %arg17[%swap3A_383] {strides = array<i32>} : memref<128xi32, #tpu.memory_space<vmem>>, vector<16xi32>,
      tpu.vector_store %arg17[%swap3A_383], %add3A_382 {strides = array<i32>} : memref<128xi32, #tpu.memory_space<vmem>>, vector<16xi32>,
      %mul3A_385 = arith.constant 16 : i32
      %mul3A_386 = vector.broadcast %mul3A_385 : i32 to vector<16xi32>
      %mul3A_387 = arith.muli %get3A_368, %mul3A_386 : vector<16xi32>
      %add3A_388 = arith.constant 0 : i32
      %add3A_389 = vector.broadcast %add3A_388 : i32 to vector<16xi32>
      %add3A_390 = arith.addi %mul3A_387, %add3A_389 : vector<16xi32>
      %add3A_391 = arith.constant 1 : i32
      %add3A_392 = vector.broadcast %add3A_391 : i32 to vector<16xi32>
      %add3A_393 = arith.addi %add3A_390, %add3A_392 : vector<16xi32>
      %swap3A_394 = arith.constant 0 : index
      %swap3A_395 = tpu.vector_load %arg18[%swap3A_394] {strides = array<i32>} : memref<128xi32, #tpu.memory_space<vmem>>, vector<16xi32>,
      tpu.vector_store %arg18[%swap3A_394], %add3A_393 {strides = array<i32>} : memref<128xi32, #tpu.memory_space<vmem>>, vector<16xi32>,
      %mul3A_396 = arith.constant 8 : i32
      %mul3A_397 = vector.broadcast %mul3A_396 : i32 to vector<16xi32>
      %mul3A_398 = arith.muli %get3A_366, %mul3A_397 : vector<16xi32>
      %add3A_399 = arith.constant 1 : i32
      %add3A_400 = vector.broadcast %add3A_399 : i32 to vector<16xi32>
      %add3A_401 = arith.addi %mul3A_398, %add3A_400 : vector<16xi32>
      %swap3A_402 = arith.constant 16 : index
      %swap3A_403 = tpu.vector_load %arg16[%swap3A_402] {strides = array<i32>} : memref<128xi32, #tpu.memory_space<vmem>>, vector<16xi32>,
      tpu.vector_store %arg16[%swap3A_402], %add3A_401 {strides = array<i32>} : memref<128xi32, #tpu.memory_space<vmem>>, vector<16xi32>,
      %mul3A_404 = arith.constant 16 : i32
      %mul3A_405 = vector.broadcast %mul3A_404 : i32 to vector<16xi32>
      %mul3A_406 = arith.muli %get3A_368, %mul3A_405 : vector<16xi32>
      %add3A_407 = arith.constant 2 : i32
      %add3A_408 = vector.broadcast %add3A_407 : i32 to vector<16xi32>
      %add3A_409 = arith.addi %mul3A_406, %add3A_408 : vector<16xi32>
      %swap3A_410 = arith.constant 16 : index
      %swap3A_411 = tpu.vector_load %arg17[%swap3A_410] {strides = array<i32>} : memref<128xi32, #tpu.memory_space<vmem>>, vector<16xi32>,
      tpu.vector_store %arg17[%swap3A_410], %add3A_409 {strides = array<i32>} : memref<128xi32, #tpu.memory_space<vmem>>, vector<16xi32>,
      %mul3A_412 = arith.constant 16 : i32
      %mul3A_413 = vector.broadcast %mul3A_412 : i32 to vector<16xi32>
      %mul3A_414 = arith.muli %get3A_368, %mul3A_413 : vector<16xi32>
      %add3A_415 = arith.constant 2 : i32
      %add3A_416 = vector.broadcast %add3A_415 : i32 to vector<16xi32>
      %add3A_417 = arith.addi %mul3A_414, %add3A_416 : vector<16xi32>
      %add3A_418 = arith.constant 1 : i32
      %add3A_419 = vector.broadcast %add3A_418 : i32 to vector<16xi32>
      %add3A_420 = arith.addi %add3A_417, %add3A_419 : vector<16xi32>
      %swap3A_421 = arith.constant 16 : index
      %swap3A_422 = tpu.vector_load %arg18[%swap3A_421] {strides = array<i32>} : memref<128xi32, #tpu.memory_space<vmem>>, vector<16xi32>,
      tpu.vector_store %arg18[%swap3A_421], %add3A_420 {strides = array<i32>} : memref<128xi32, #tpu.memory_space<vmem>>, vector<16xi32>,
      %mul3A_423 = arith.constant 8 : i32
      %mul3A_424 = vector.broadcast %mul3A_423 : i32 to vector<16xi32>
      %mul3A_425 = arith.muli %get3A_366, %mul3A_424 : vector<16xi32>
      %add3A_426 = arith.constant 2 : i32
      %add3A_427 = vector.broadcast %add3A_426 : i32 to vector<16xi32>
      %add3A_428 = arith.addi %mul3A_425, %add3A_427 : vector<16xi32>
      %swap3A_429 = arith.constant 32 : index
      %swap3A_430 = tpu.vector_load %arg16[%swap3A_429] {strides = array<i32>} : memref<128xi32, #tpu.memory_space<vmem>>, vector<16xi32>,
      tpu.vector_store %arg16[%swap3A_429], %add3A_428 {strides = array<i32>} : memref<128xi32, #tpu.memory_space<vmem>>, vector<16xi32>,
      %mul3A_431 = arith.constant 16 : i32
      %mul3A_432 = vector.broadcast %mul3A_431 : i32 to vector<16xi32>
      %mul3A_433 = arith.muli %get3A_368, %mul3A_432 : vector<16xi32>
      %add3A_434 = arith.constant 4 : i32
      %add3A_435 = vector.broadcast %add3A_434 : i32 to vector<16xi32>
      %add3A_436 = arith.addi %mul3A_433, %add3A_435 : vector<16xi32>
      %swap3A_437 = arith.constant 32 : index
      %swap3A_438 = tpu.vector_load %arg17[%swap3A_437] {strides = array<i32>} : memref<128xi32, #tpu.memory_space<vmem>>, vector<16xi32>,
      tpu.vector_store %arg17[%swap3A_437], %add3A_436 {strides = array<i32>} : memref<128xi32, #tpu.memory_space<vmem>>, vector<16xi32>,
      %mul3A_439 = arith.constant 16 : i32
      %mul3A_440 = vector.broadcast %mul3A_439 : i32 to vector<16xi32>
      %mul3A_441 = arith.muli %get3A_368, %mul3A_440 : vector<16xi32>
      %add3A_442 = arith.constant 4 : i32
      %add3A_443 = vector.broadcast %add3A_442 : i32 to vector<16xi32>
      %add3A_444 = arith.addi %mul3A_441, %add3A_443 : vector<16xi32>
      %add3A_445 = arith.constant 1 : i32
      %add3A_446 = vector.broadcast %add3A_445 : i32 to vector<16xi32>
      %add3A_447 = arith.addi %add3A_444, %add3A_446 : vector<16xi32>
      %swap3A_448 = arith.constant 32 : index
      %swap3A_449 = tpu.vector_load %arg18[%swap3A_448] {strides = array<i32>} : memref<128xi32, #tpu.memory_space<vmem>>, vector<16xi32>,
      tpu.vector_store %arg18[%swap3A_448], %add3A_447 {strides = array<i32>} : memref<128xi32, #tpu.memory_space<vmem>>, vector<16xi32>,
      %mul3A_450 = arith.constant 8 : i32
      %mul3A_451 = vector.broadcast %mul3A_450 : i32 to vector<16xi32>
      %mul3A_452 = arith.muli %get3A_366, %mul3A_451 : vector<16xi32>
      %add3A_453 = arith.constant 3 : i32
      %add3A_454 = vector.broadcast %add3A_453 : i32 to vector<16xi32>
      %add3A_455 = arith.addi %mul3A_452, %add3A_454 : vector<16xi32>
      %swap3A_456 = arith.constant 48 : index
      %swap3A_457 = tpu.vector_load %arg16[%swap3A_456] {strides = array<i32>} : memref<128xi32, #tpu.memory_space<vmem>>, vector<16xi32>,
      tpu.vector_store %arg16[%swap3A_456], %add3A_455 {strides = array<i32>} : memref<128xi32, #tpu.memory_space<vmem>>, vector<16xi32>,
      %mul3A_458 = arith.constant 16 : i32
      %mul3A_459 = vector.broadcast %mul3A_458 : i32 to vector<16xi32>
      %mul3A_460 = arith.muli %get3A_368, %mul3A_459 : vector<16xi32>
      %add3A_461 = arith.constant 6 : i32
      %add3A_462 = vector.broadcast %add3A_461 : i32 to vector<16xi32>
      %add3A_463 = arith.addi %mul3A_460, %add3A_462 : vector<16xi32>
      %swap3A_464 = arith.constant 48 : index
      %swap3A_465 = tpu.vector_load %arg17[%swap3A_464] {strides = array<i32>} : memref<128xi32, #tpu.memory_space<vmem>>, vector<16xi32>,
      tpu.vector_store %arg17[%swap3A_464], %add3A_463 {strides = array<i32>} : memref<128xi32, #tpu.memory_space<vmem>>, vector<16xi32>,
      %mul3A_466 = arith.constant 16 : i32
      %mul3A_467 = vector.broadcast %mul3A_466 : i32 to vector<16xi32>
      %mul3A_468 = arith.muli %get3A_368, %mul3A_467 : vector<16xi32>
      %add3A_469 = arith.constant 6 : i32
      %add3A_470 = vector.broadcast %add3A_469 : i32 to vector<16xi32>
      %add3A_471 = arith.addi %mul3A_468, %add3A_470 : vector<16xi32>
      %add3A_472 = arith.constant 1 : i32
      %add3A_473 = vector.broadcast %add3A_472 : i32 to vector<16xi32>
      %add3A_474 = arith.addi %add3A_471, %add3A_473 : vector<16xi32>
      %swap3A_475 = arith.constant 48 : index
      %swap3A_476 = tpu.vector_load %arg18[%swap3A_475] {strides = array<i32>} : memref<128xi32, #tpu.memory_space<vmem>>, vector<16xi32>,
      tpu.vector_store %arg18[%swap3A_475], %add3A_474 {strides = array<i32>} : memref<128xi32, #tpu.memory_space<vmem>>, vector<16xi32>,
      %mul3A_477 = arith.constant 8 : i32
      %mul3A_478 = vector.broadcast %mul3A_477 : i32 to vector<16xi32>
      %mul3A_479 = arith.muli %get3A_366, %mul3A_478 : vector<16xi32>
      %add3A_480 = arith.constant 4 : i32
      %add3A_481 = vector.broadcast %add3A_480 : i32 to vector<16xi32>
      %add3A_482 = arith.addi %mul3A_479, %add3A_481 : vector<16xi32>
      %swap3A_483 = arith.constant 64 : index
      %swap3A_484 = tpu.vector_load %arg16[%swap3A_483] {strides = array<i32>} : memref<128xi32, #tpu.memory_space<vmem>>, vector<16xi32>,
      tpu.vector_store %arg16[%swap3A_483], %add3A_482 {strides = array<i32>} : memref<128xi32, #tpu.memory_space<vmem>>, vector<16xi32>,
      %mul3A_485 = arith.constant 16 : i32
      %mul3A_486 = vector.broadcast %mul3A_485 : i32 to vector<16xi32>
      %mul3A_487 = arith.muli %get3A_368, %mul3A_486 : vector<16xi32>
      %add3A_488 = arith.constant 8 : i32
      %add3A_489 = vector.broadcast %add3A_488 : i32 to vector<16xi32>
      %add3A_490 = arith.addi %mul3A_487, %add3A_489 : vector<16xi32>
      %swap3A_491 = arith.constant 64 : index
      %swap3A_492 = tpu.vector_load %arg17[%swap3A_491] {strides = array<i32>} : memref<128xi32, #tpu.memory_space<vmem>>, vector<16xi32>,
      tpu.vector_store %arg17[%swap3A_491], %add3A_490 {strides = array<i32>} : memref<128xi32, #tpu.memory_space<vmem>>, vector<16xi32>,
      %mul3A_493 = arith.constant 16 : i32
      %mul3A_494 = vector.broadcast %mul3A_493 : i32 to vector<16xi32>
      %mul3A_495 = arith.muli %get3A_368, %mul3A_494 : vector<16xi32>
      %add3A_496 = arith.constant 8 : i32
      %add3A_497 = vector.broadcast %add3A_496 : i32 to vector<16xi32>
      %add3A_498 = arith.addi %mul3A_495, %add3A_497 : vector<16xi32>
      %add3A_499 = arith.constant 1 : i32
      %add3A_500 = vector.broadcast %add3A_499 : i32 to vector<16xi32>
      %add3A_501 = arith.addi %add3A_498, %add3A_500 : vector<16xi32>
      %swap3A_502 = arith.constant 64 : index
      %swap3A_503 = tpu.vector_load %arg18[%swap3A_502] {strides = array<i32>} : memref<128xi32, #tpu.memory_space<vmem>>, vector<16xi32>,
      tpu.vector_store %arg18[%swap3A_502], %add3A_501 {strides = array<i32>} : memref<128xi32, #tpu.memory_space<vmem>>, vector<16xi32>,
      %mul3A_504 = arith.constant 8 : i32
      %mul3A_505 = vector.broadcast %mul3A_504 : i32 to vector<16xi32>
      %mul3A_506 = arith.muli %get3A_366, %mul3A_505 : vector<16xi32>
      %add3A_507 = arith.constant 5 : i32
      %add3A_508 = vector.broadcast %add3A_507 : i32 to vector<16xi32>
      %add3A_509 = arith.addi %mul3A_506, %add3A_508 : vector<16xi32>
      %swap3A_510 = arith.constant 80 : index
      %swap3A_511 = tpu.vector_load %arg16[%swap3A_510] {strides = array<i32>} : memref<128xi32, #tpu.memory_space<vmem>>, vector<16xi32>,
      tpu.vector_store %arg16[%swap3A_510], %add3A_509 {strides = array<i32>} : memref<128xi32, #tpu.memory_space<vmem>>, vector<16xi32>,
      %mul3A_512 = arith.constant 16 : i32
      %mul3A_513 = vector.broadcast %mul3A_512 : i32 to vector<16xi32>
      %mul3A_514 = arith.muli %get3A_368, %mul3A_513 : vector<16xi32>
      %add3A_515 = arith.constant 10 : i32
      %add3A_516 = vector.broadcast %add3A_515 : i32 to vector<16xi32>
      %add3A_517 = arith.addi %mul3A_514, %add3A_516 : vector<16xi32>
      %swap3A_518 = arith.constant 80 : index
      %swap3A_519 = tpu.vector_load %arg17[%swap3A_518] {strides = array<i32>} : memref<128xi32, #tpu.memory_space<vmem>>, vector<16xi32>,
      tpu.vector_store %arg17[%swap3A_518], %add3A_517 {strides = array<i32>} : memref<128xi32, #tpu.memory_space<vmem>>, vector<16xi32>,
      %mul3A_520 = arith.constant 16 : i32
      %mul3A_521 = vector.broadcast %mul3A_520 : i32 to vector<16xi32>
      %mul3A_522 = arith.muli %get3A_368, %mul3A_521 : vector<16xi32>
      %add3A_523 = arith.constant 10 : i32
      %add3A_524 = vector.broadcast %add3A_523 : i32 to vector<16xi32>
      %add3A_525 = arith.addi %mul3A_522, %add3A_524 : vector<16xi32>
      %add3A_526 = arith.constant 1 : i32
      %add3A_527 = vector.broadcast %add3A_526 : i32 to vector<16xi32>
      %add3A_528 = arith.addi %add3A_525, %add3A_527 : vector<16xi32>
      %swap3A_529 = arith.constant 80 : index
      %swap3A_530 = tpu.vector_load %arg18[%swap3A_529] {strides = array<i32>} : memref<128xi32, #tpu.memory_space<vmem>>, vector<16xi32>,
      tpu.vector_store %arg18[%swap3A_529], %add3A_528 {strides = array<i32>} : memref<128xi32, #tpu.memory_space<vmem>>, vector<16xi32>,
      %mul3A_531 = arith.constant 8 : i32
      %mul3A_532 = vector.broadcast %mul3A_531 : i32 to vector<16xi32>
      %mul3A_533 = arith.muli %get3A_366, %mul3A_532 : vector<16xi32>
      %add3A_534 = arith.constant 6 : i32
      %add3A_535 = vector.broadcast %add3A_534 : i32 to vector<16xi32>
      %add3A_536 = arith.addi %mul3A_533, %add3A_535 : vector<16xi32>
      %swap3A_537 = arith.constant 96 : index
      %swap3A_538 = tpu.vector_load %arg16[%swap3A_537] {strides = array<i32>} : memref<128xi32, #tpu.memory_space<vmem>>, vector<16xi32>,
      tpu.vector_store %arg16[%swap3A_537], %add3A_536 {strides = array<i32>} : memref<128xi32, #tpu.memory_space<vmem>>, vector<16xi32>,
      %mul3A_539 = arith.constant 16 : i32
      %mul3A_540 = vector.broadcast %mul3A_539 : i32 to vector<16xi32>
      %mul3A_541 = arith.muli %get3A_368, %mul3A_540 : vector<16xi32>
      %add3A_542 = arith.constant 12 : i32
      %add3A_543 = vector.broadcast %add3A_542 : i32 to vector<16xi32>
      %add3A_544 = arith.addi %mul3A_541, %add3A_543 : vector<16xi32>
      %swap3A_545 = arith.constant 96 : index
      %swap3A_546 = tpu.vector_load %arg17[%swap3A_545] {strides = array<i32>} : memref<128xi32, #tpu.memory_space<vmem>>, vector<16xi32>,
      tpu.vector_store %arg17[%swap3A_545], %add3A_544 {strides = array<i32>} : memref<128xi32, #tpu.memory_space<vmem>>, vector<16xi32>,
      %mul3A_547 = arith.constant 16 : i32
      %mul3A_548 = vector.broadcast %mul3A_547 : i32 to vector<16xi32>
      %mul3A_549 = arith.muli %get3A_368, %mul3A_548 : vector<16xi32>
      %add3A_550 = arith.constant 12 : i32
      %add3A_551 = vector.broadcast %add3A_550 : i32 to vector<16xi32>
      %add3A_552 = arith.addi %mul3A_549, %add3A_551 : vector<16xi32>
      %add3A_553 = arith.constant 1 : i32
      %add3A_554 = vector.broadcast %add3A_553 : i32 to vector<16xi32>
      %add3A_555 = arith.addi %add3A_552, %add3A_554 : vector<16xi32>
      %swap3A_556 = arith.constant 96 : index
      %swap3A_557 = tpu.vector_load %arg18[%swap3A_556] {strides = array<i32>} : memref<128xi32, #tpu.memory_space<vmem>>, vector<16xi32>,
      tpu.vector_store %arg18[%swap3A_556], %add3A_555 {strides = array<i32>} : memref<128xi32, #tpu.memory_space<vmem>>, vector<16xi32>,
      %mul3A_558 = arith.constant 8 : i32
      %mul3A_559 = vector.broadcast %mul3A_558 : i32 to vector<16xi32>
      %mul3A_560 = arith.muli %get3A_366, %mul3A_559 : vector<16xi32>
      %add3A_561 = arith.constant 7 : i32
      %add3A_562 = vector.broadcast %add3A_561 : i32 to vector<16xi32>
      %add3A_563 = arith.addi %mul3A_560, %add3A_562 : vector<16xi32>
      %swap3A_564 = arith.constant 112 : index
      %swap3A_565 = tpu.vector_load %arg16[%swap3A_564] {strides = array<i32>} : memref<128xi32, #tpu.memory_space<vmem>>, vector<16xi32>,
      tpu.vector_store %arg16[%swap3A_564], %add3A_563 {strides = array<i32>} : memref<128xi32, #tpu.memory_space<vmem>>, vector<16xi32>,
      %mul3A_566 = arith.constant 16 : i32
      %mul3A_567 = vector.broadcast %mul3A_566 : i32 to vector<16xi32>
      %mul3A_568 = arith.muli %get3A_368, %mul3A_567 : vector<16xi32>
      %add3A_569 = arith.constant 14 : i32
      %add3A_570 = vector.broadcast %add3A_569 : i32 to vector<16xi32>
      %add3A_571 = arith.addi %mul3A_568, %add3A_570 : vector<16xi32>
      %swap3A_572 = arith.constant 112 : index
      %swap3A_573 = tpu.vector_load %arg17[%swap3A_572] {strides = array<i32>} : memref<128xi32, #tpu.memory_space<vmem>>, vector<16xi32>,
      tpu.vector_store %arg17[%swap3A_572], %add3A_571 {strides = array<i32>} : memref<128xi32, #tpu.memory_space<vmem>>, vector<16xi32>,
      %mul3A_574 = arith.constant 16 : i32
      %mul3A_575 = vector.broadcast %mul3A_574 : i32 to vector<16xi32>
      %mul3A_576 = arith.muli %get3A_368, %mul3A_575 : vector<16xi32>
      %add3A_577 = arith.constant 14 : i32
      %add3A_578 = vector.broadcast %add3A_577 : i32 to vector<16xi32>
      %add3A_579 = arith.addi %mul3A_576, %add3A_578 : vector<16xi32>
      %add3A_580 = arith.constant 1 : i32
      %add3A_581 = vector.broadcast %add3A_580 : i32 to vector<16xi32>
      %add3A_582 = arith.addi %add3A_579, %add3A_581 : vector<16xi32>
      %swap3A_583 = arith.constant 112 : index
      %swap3A_584 = tpu.vector_load %arg18[%swap3A_583] {strides = array<i32>} : memref<128xi32, #tpu.memory_space<vmem>>, vector<16xi32>,
      tpu.vector_store %arg18[%swap3A_583], %add3A_582 {strides = array<i32>} : memref<128xi32, #tpu.memory_space<vmem>>, vector<16xi32>,
      %dma_start3A_585 = arith.constant 0 : i32
      %dma_start3A_586 = arith.constant 0 : i32
      %dma_start3A_587 = tpu.memref_slice %arg5[%dma_start3A_585, %dma_start3A_586] : memref<16384x128xf32, #tpu.memory_space<hbm>> -> memref<16384x128xf32, #tpu.memory_space<hbm>>
      tpu.enqueue_indirect_dma source(%dma_start3A_587 : memref<16384x128xf32, #tpu.memory_space<hbm>>) target(%arg21 : memref<128x128xf32, #tpu.memory_space<vmem>>) offsets(%arg16 : memref<128xi32, #tpu.memory_space<vmem>>) semaphore(%arg26 : memref<!tpu.dma_semaphore, #tpu.memory_space<semaphore_mem>>)
      %dma_start3A_588 = arith.constant 0 : i32
      %dma_start3A_589 = arith.constant 0 : i32
      %dma_start3A_590 = tpu.memref_slice %arg6[%dma_start3A_588, %dma_start3A_589] : memref<16384x128xf32, #tpu.memory_space<hbm>> -> memref<16384x128xf32, #tpu.memory_space<hbm>>
      tpu.enqueue_indirect_dma source(%dma_start3A_590 : memref<16384x128xf32, #tpu.memory_space<hbm>>) target(%arg22 : memref<128x128xf32, #tpu.memory_space<vmem>>) offsets(%arg16 : memref<128xi32, #tpu.memory_space<vmem>>) semaphore(%arg27 : memref<!tpu.dma_semaphore, #tpu.memory_space<semaphore_mem>>)
      %dma_wait3A_591 = arith.constant 0 : i32
      %dma_wait3A_592 = arith.constant 0 : i32
      %dma_wait3A_593 = tpu.memref_slice %arg5[%dma_wait3A_591, %dma_wait3A_592] : memref<16384x128xf32, #tpu.memory_space<hbm>> -> memref<16384x128xf32, #tpu.memory_space<hbm>>
      tpu.wait_indirect_dma semaphore(%arg24 : memref<!tpu.dma_semaphore, #tpu.memory_space<semaphore_mem>>) src(%dma_wait3A_593 : memref<16384x128xf32, #tpu.memory_space<hbm>>) dst(%arg19 : memref<128x128xf32, #tpu.memory_space<vmem>>)
      %dma_wait3A_594 = arith.constant 0 : i32
      %dma_wait3A_595 = arith.constant 0 : i32
      %dma_wait3A_596 = tpu.memref_slice %arg6[%dma_wait3A_594, %dma_wait3A_595] : memref<16384x128xf32, #tpu.memory_space<hbm>> -> memref<16384x128xf32, #tpu.memory_space<hbm>>
      tpu.wait_indirect_dma semaphore(%arg25 : memref<!tpu.dma_semaphore, #tpu.memory_space<semaphore_mem>>) src(%dma_wait3A_596 : memref<16384x128xf32, #tpu.memory_space<hbm>>) dst(%arg20 : memref<128x128xf32, #tpu.memory_space<vmem>>)
      %dma_start3A_597 = arith.constant 0 : i32
      %dma_start3A_598 = arith.constant 0 : i32
      %dma_start3A_599 = tpu.memref_slice %arg7[%dma_start3A_597, %dma_start3A_598] : memref<131072x128xf32, #tpu.memory_space<hbm>> -> memref<131072x128xf32, #tpu.memory_space<hbm>>
      tpu.enqueue_indirect_dma source(%arg19 : memref<128x128xf32, #tpu.memory_space<vmem>>) target(%dma_start3A_599 : memref<131072x128xf32, #tpu.memory_space<hbm>>) offsets(%arg14 : memref<128xi32, #tpu.memory_space<vmem>>) semaphore(%arg28 : memref<!tpu.dma_semaphore, #tpu.memory_space<semaphore_mem>>)
      %dma_start3A_600 = arith.constant 0 : i32
      %dma_start3A_601 = arith.constant 0 : i32
      %dma_start3A_602 = tpu.memref_slice %arg7[%dma_start3A_600, %dma_start3A_601] : memref<131072x128xf32, #tpu.memory_space<hbm>> -> memref<131072x128xf32, #tpu.memory_space<hbm>>
      tpu.enqueue_indirect_dma source(%arg20 : memref<128x128xf32, #tpu.memory_space<vmem>>) target(%dma_start3A_602 : memref<131072x128xf32, #tpu.memory_space<hbm>>) offsets(%arg15 : memref<128xi32, #tpu.memory_space<vmem>>) semaphore(%arg29 : memref<!tpu.dma_semaphore, #tpu.memory_space<semaphore_mem>>)
      %dma_wait3A_603 = arith.constant 0 : i32
      %dma_wait3A_604 = arith.constant 0 : i32
      %dma_wait3A_605 = tpu.memref_slice %arg5[%dma_wait3A_603, %dma_wait3A_604] : memref<16384x128xf32, #tpu.memory_space<hbm>> -> memref<16384x128xf32, #tpu.memory_space<hbm>>
      tpu.wait_indirect_dma semaphore(%arg26 : memref<!tpu.dma_semaphore, #tpu.memory_space<semaphore_mem>>) src(%dma_wait3A_605 : memref<16384x128xf32, #tpu.memory_space<hbm>>) dst(%arg21 : memref<128x128xf32, #tpu.memory_space<vmem>>)
      %dma_wait3A_606 = arith.constant 0 : i32
      %dma_wait3A_607 = arith.constant 0 : i32
      %dma_wait3A_608 = tpu.memref_slice %arg6[%dma_wait3A_606, %dma_wait3A_607] : memref<16384x128xf32, #tpu.memory_space<hbm>> -> memref<16384x128xf32, #tpu.memory_space<hbm>>
      tpu.wait_indirect_dma semaphore(%arg27 : memref<!tpu.dma_semaphore, #tpu.memory_space<semaphore_mem>>) src(%dma_wait3A_608 : memref<16384x128xf32, #tpu.memory_space<hbm>>) dst(%arg22 : memref<128x128xf32, #tpu.memory_space<vmem>>)
      %dma_start3A_609 = arith.constant 0 : i32
      %dma_start3A_610 = arith.constant 0 : i32
      %dma_start3A_611 = tpu.memref_slice %arg7[%dma_start3A_609, %dma_start3A_610] : memref<131072x128xf32, #tpu.memory_space<hbm>> -> memref<131072x128xf32, #tpu.memory_space<hbm>>
      tpu.enqueue_indirect_dma source(%arg21 : memref<128x128xf32, #tpu.memory_space<vmem>>) target(%dma_start3A_611 : memref<131072x128xf32, #tpu.memory_space<hbm>>) offsets(%arg17 : memref<128xi32, #tpu.memory_space<vmem>>) semaphore(%arg30 : memref<!tpu.dma_semaphore, #tpu.memory_space<semaphore_mem>>)
      %dma_start3A_612 = arith.constant 0 : i32
      %dma_start3A_613 = arith.constant 0 : i32
      %dma_start3A_614 = tpu.memref_slice %arg7[%dma_start3A_612, %dma_start3A_613] : memref<131072x128xf32, #tpu.memory_space<hbm>> -> memref<131072x128xf32, #tpu.memory_space<hbm>>
      tpu.enqueue_indirect_dma source(%arg22 : memref<128x128xf32, #tpu.memory_space<vmem>>) target(%dma_start3A_614 : memref<131072x128xf32, #tpu.memory_space<hbm>>) offsets(%arg18 : memref<128xi32, #tpu.memory_space<vmem>>) semaphore(%arg31 : memref<!tpu.dma_semaphore, #tpu.memory_space<semaphore_mem>>)
      %while3A_615 = arith.constant 0 : i32
      scf.yield %while3A_615 : i32
    }
    %while3A_121 = arith.constant 1 : i32
    %while3A_122 = scf.for %while3A_128 = %while3A_118 to %while3A_114 step %while3A_121 iter_args(%while3A_129 = %while3A_120) -> (i32)  : i32 {
      %gt3A_130 = arith.constant 0 : i32
      %gt3A_131 = arith.cmpi sgt, %while3A_128, %gt3A_130 : i32
      %convert_element_type3A_132 = arith.extui %gt3A_131 : i1 to i32
      %cond3A_133 = arith.constant 0 : i32
      %cond3A_134 = arith.cmpi ne, %convert_element_type3A_132, %cond3A_133 : i32
      scf.if %cond3A_134 {
        %dma_wait3A_616 = arith.constant 0 : i32
        %dma_wait3A_617 = tpu.memref_slice %arg7[%mul3A_2, %dma_wait3A_616] : memref<131072x128xf32, #tpu.memory_space<hbm>> -> memref<128x128xf32, #tpu.memory_space<hbm>>
        %dma_wait3A_618 = arith.constant 0 : i32
        %dma_wait3A_619 = tpu.memref_slice %arg7[%mul3A_2, %dma_wait3A_618] : memref<131072x128xf32, #tpu.memory_space<hbm>> -> memref<128x128xf32, #tpu.memory_space<hbm>>
        tpu.wait_dma2 semaphore(%arg28 : memref<!tpu.dma_semaphore, #tpu.memory_space<semaphore_mem>>) src(%arg19 : memref<128x128xf32, #tpu.memory_space<vmem>>) dst(%dma_wait3A_619 : memref<128x128xf32, #tpu.memory_space<hbm>>)
        %dma_wait3A_620 = arith.constant 0 : i32
        %dma_wait3A_621 = tpu.memref_slice %arg7[%mul3A_2, %dma_wait3A_620] : memref<131072x128xf32, #tpu.memory_space<hbm>> -> memref<128x128xf32, #tpu.memory_space<hbm>>
        %dma_wait3A_622 = arith.constant 0 : i32
        %dma_wait3A_623 = tpu.memref_slice %arg7[%mul3A_2, %dma_wait3A_622] : memref<131072x128xf32, #tpu.memory_space<hbm>> -> memref<128x128xf32, #tpu.memory_space<hbm>>
        tpu.wait_dma2 semaphore(%arg29 : memref<!tpu.dma_semaphore, #tpu.memory_space<semaphore_mem>>) src(%arg20 : memref<128x128xf32, #tpu.memory_space<vmem>>) dst(%dma_wait3A_623 : memref<128x128xf32, #tpu.memory_space<hbm>>)
        %dma_wait3A_624 = arith.constant 0 : i32
        %dma_wait3A_625 = tpu.memref_slice %arg7[%mul3A_2, %dma_wait3A_624] : memref<131072x128xf32, #tpu.memory_space<hbm>> -> memref<128x128xf32, #tpu.memory_space<hbm>>
        %dma_wait3A_626 = arith.constant 0 : i32
        %dma_wait3A_627 = tpu.memref_slice %arg7[%mul3A_2, %dma_wait3A_626] : memref<131072x128xf32, #tpu.memory_space<hbm>> -> memref<128x128xf32, #tpu.memory_space<hbm>>
        tpu.wait_dma2 semaphore(%arg30 : memref<!tpu.dma_semaphore, #tpu.memory_space<semaphore_mem>>) src(%arg21 : memref<128x128xf32, #tpu.memory_space<vmem>>) dst(%dma_wait3A_627 : memref<128x128xf32, #tpu.memory_space<hbm>>)
        %dma_wait3A_628 = arith.constant 0 : i32
        %dma_wait3A_629 = tpu.memref_slice %arg7[%mul3A_2, %dma_wait3A_628] : memref<131072x128xf32, #tpu.memory_space<hbm>> -> memref<128x128xf32, #tpu.memory_space<hbm>>
        %dma_wait3A_630 = arith.constant 0 : i32
        %dma_wait3A_631 = tpu.memref_slice %arg7[%mul3A_2, %dma_wait3A_630] : memref<131072x128xf32, #tpu.memory_space<hbm>> -> memref<128x128xf32, #tpu.memory_space<hbm>>
        tpu.wait_dma2 semaphore(%arg31 : memref<!tpu.dma_semaphore, #tpu.memory_space<semaphore_mem>>) src(%arg22 : memref<128x128xf32, #tpu.memory_space<vmem>>) dst(%dma_wait3A_631 : memref<128x128xf32, #tpu.memory_space<hbm>>)
      } else {
      }
      %mul3A_135 = arith.constant 32 : i32
      %mul3A_136 = arith.muli %while3A_128, %mul3A_135 : i32
      %get3A = arith.index_cast %mul3A_136 : i32 to index
      %get3A_137 = tpu.vector_load %arg11[%get3A] {strides = array<i32>} : memref<288xi32, #tpu.memory_space<vmem>>, vector<16xi32>,
      %get3A_138 = arith.index_cast %mul3A_136 : i32 to index
      %get3A_139 = tpu.vector_load %arg12[%get3A_138] {strides = array<i32>} : memref<288xi32, #tpu.memory_space<vmem>>, vector<16xi32>,
      %mul3A_140 = arith.constant 8 : i32
      %mul3A_141 = vector.broadcast %mul3A_140 : i32 to vector<16xi32>
      %mul3A_142 = arith.muli %get3A_137, %mul3A_141 : vector<16xi32>
      %add3A_143 = arith.constant 0 : i32
      %add3A_144 = vector.broadcast %add3A_143 : i32 to vector<16xi32>
      %add3A_145 = arith.addi %mul3A_142, %add3A_144 : vector<16xi32>
      %swap3A = arith.constant 0 : index
      %swap3A_146 = tpu.vector_load %arg13[%swap3A] {strides = array<i32>} : memref<128xi32, #tpu.memory_space<vmem>>, vector<16xi32>,
      tpu.vector_store %arg13[%swap3A], %add3A_145 {strides = array<i32>} : memref<128xi32, #tpu.memory_space<vmem>>, vector<16xi32>,
      %mul3A_147 = arith.constant 16 : i32
      %mul3A_148 = vector.broadcast %mul3A_147 : i32 to vector<16xi32>
      %mul3A_149 = arith.muli %get3A_139, %mul3A_148 : vector<16xi32>
      %add3A_150 = arith.constant 0 : i32
      %add3A_151 = vector.broadcast %add3A_150 : i32 to vector<16xi32>
      %add3A_152 = arith.addi %mul3A_149, %add3A_151 : vector<16xi32>
      %swap3A_153 = arith.constant 0 : index
      %swap3A_154 = tpu.vector_load %arg14[%swap3A_153] {strides = array<i32>} : memref<128xi32, #tpu.memory_space<vmem>>, vector<16xi32>,
      tpu.vector_store %arg14[%swap3A_153], %add3A_152 {strides = array<i32>} : memref<128xi32, #tpu.memory_space<vmem>>, vector<16xi32>,
      %mul3A_155 = arith.constant 16 : i32
      %mul3A_156 = vector.broadcast %mul3A_155 : i32 to vector<16xi32>
      %mul3A_157 = arith.muli %get3A_139, %mul3A_156 : vector<16xi32>
      %add3A_158 = arith.constant 0 : i32
      %add3A_159 = vector.broadcast %add3A_158 : i32 to vector<16xi32>
      %add3A_160 = arith.addi %mul3A_157, %add3A_159 : vector<16xi32>
      %add3A_161 = arith.constant 1 : i32
      %add3A_162 = vector.broadcast %add3A_161 : i32 to vector<16xi32>
      %add3A_163 = arith.addi %add3A_160, %add3A_162 : vector<16xi32>
      %swap3A_164 = arith.constant 0 : index
      %swap3A_165 = tpu.vector_load %arg15[%swap3A_164] {strides = array<i32>} : memref<128xi32, #tpu.memory_space<vmem>>, vector<16xi32>,
      tpu.vector_store %arg15[%swap3A_164], %add3A_163 {strides = array<i32>} : memref<128xi32, #tpu.memory_space<vmem>>, vector<16xi32>,
      %mul3A_166 = arith.constant 8 : i32
      %mul3A_167 = vector.broadcast %mul3A_166 : i32 to vector<16xi32>
      %mul3A_168 = arith.muli %get3A_137, %mul3A_167 : vector<16xi32>
      %add3A_169 = arith.constant 1 : i32
      %add3A_170 = vector.broadcast %add3A_169 : i32 to vector<16xi32>
      %add3A_171 = arith.addi %mul3A_168, %add3A_170 : vector<16xi32>
      %swap3A_172 = arith.constant 16 : index
      %swap3A_173 = tpu.vector_load %arg13[%swap3A_172] {strides = array<i32>} : memref<128xi32, #tpu.memory_space<vmem>>, vector<16xi32>,
      tpu.vector_store %arg13[%swap3A_172], %add3A_171 {strides = array<i32>} : memref<128xi32, #tpu.memory_space<vmem>>, vector<16xi32>,
      %mul3A_174 = arith.constant 16 : i32
      %mul3A_175 = vector.broadcast %mul3A_174 : i32 to vector<16xi32>
      %mul3A_176 = arith.muli %get3A_139, %mul3A_175 : vector<16xi32>
      %add3A_177 = arith.constant 2 : i32
      %add3A_178 = vector.broadcast %add3A_177 : i32 to vector<16xi32>
      %add3A_179 = arith.addi %mul3A_176, %add3A_178 : vector<16xi32>
      %swap3A_180 = arith.constant 16 : index
      %swap3A_181 = tpu.vector_load %arg14[%swap3A_180] {strides = array<i32>} : memref<128xi32, #tpu.memory_space<vmem>>, vector<16xi32>,
      tpu.vector_store %arg14[%swap3A_180], %add3A_179 {strides = array<i32>} : memref<128xi32, #tpu.memory_space<vmem>>, vector<16xi32>,
      %mul3A_182 = arith.constant 16 : i32
      %mul3A_183 = vector.broadcast %mul3A_182 : i32 to vector<16xi32>
      %mul3A_184 = arith.muli %get3A_139, %mul3A_183 : vector<16xi32>
      %add3A_185 = arith.constant 2 : i32
      %add3A_186 = vector.broadcast %add3A_185 : i32 to vector<16xi32>
      %add3A_187 = arith.addi %mul3A_184, %add3A_186 : vector<16xi32>
      %add3A_188 = arith.constant 1 : i32
      %add3A_189 = vector.broadcast %add3A_188 : i32 to vector<16xi32>
      %add3A_190 = arith.addi %add3A_187, %add3A_189 : vector<16xi32>
      %swap3A_191 = arith.constant 16 : index
      %swap3A_192 = tpu.vector_load %arg15[%swap3A_191] {strides = array<i32>} : memref<128xi32, #tpu.memory_space<vmem>>, vector<16xi32>,
      tpu.vector_store %arg15[%swap3A_191], %add3A_190 {strides = array<i32>} : memref<128xi32, #tpu.memory_space<vmem>>, vector<16xi32>,
      %mul3A_193 = arith.constant 8 : i32
      %mul3A_194 = vector.broadcast %mul3A_193 : i32 to vector<16xi32>
      %mul3A_195 = arith.muli %get3A_137, %mul3A_194 : vector<16xi32>
      %add3A_196 = arith.constant 2 : i32
      %add3A_197 = vector.broadcast %add3A_196 : i32 to vector<16xi32>
      %add3A_198 = arith.addi %mul3A_195, %add3A_197 : vector<16xi32>
      %swap3A_199 = arith.constant 32 : index
      %swap3A_200 = tpu.vector_load %arg13[%swap3A_199] {strides = array<i32>} : memref<128xi32, #tpu.memory_space<vmem>>, vector<16xi32>,
      tpu.vector_store %arg13[%swap3A_199], %add3A_198 {strides = array<i32>} : memref<128xi32, #tpu.memory_space<vmem>>, vector<16xi32>,
      %mul3A_201 = arith.constant 16 : i32
      %mul3A_202 = vector.broadcast %mul3A_201 : i32 to vector<16xi32>
      %mul3A_203 = arith.muli %get3A_139, %mul3A_202 : vector<16xi32>
      %add3A_204 = arith.constant 4 : i32
      %add3A_205 = vector.broadcast %add3A_204 : i32 to vector<16xi32>
      %add3A_206 = arith.addi %mul3A_203, %add3A_205 : vector<16xi32>
      %swap3A_207 = arith.constant 32 : index
      %swap3A_208 = tpu.vector_load %arg14[%swap3A_207] {strides = array<i32>} : memref<128xi32, #tpu.memory_space<vmem>>, vector<16xi32>,
      tpu.vector_store %arg14[%swap3A_207], %add3A_206 {strides = array<i32>} : memref<128xi32, #tpu.memory_space<vmem>>, vector<16xi32>,
      %mul3A_209 = arith.constant 16 : i32
      %mul3A_210 = vector.broadcast %mul3A_209 : i32 to vector<16xi32>
      %mul3A_211 = arith.muli %get3A_139, %mul3A_210 : vector<16xi32>
      %add3A_212 = arith.constant 4 : i32
      %add3A_213 = vector.broadcast %add3A_212 : i32 to vector<16xi32>
      %add3A_214 = arith.addi %mul3A_211, %add3A_213 : vector<16xi32>
      %add3A_215 = arith.constant 1 : i32
      %add3A_216 = vector.broadcast %add3A_215 : i32 to vector<16xi32>
      %add3A_217 = arith.addi %add3A_214, %add3A_216 : vector<16xi32>
      %swap3A_218 = arith.constant 32 : index
      %swap3A_219 = tpu.vector_load %arg15[%swap3A_218] {strides = array<i32>} : memref<128xi32, #tpu.memory_space<vmem>>, vector<16xi32>,
      tpu.vector_store %arg15[%swap3A_218], %add3A_217 {strides = array<i32>} : memref<128xi32, #tpu.memory_space<vmem>>, vector<16xi32>,
      %mul3A_220 = arith.constant 8 : i32
      %mul3A_221 = vector.broadcast %mul3A_220 : i32 to vector<16xi32>
      %mul3A_222 = arith.muli %get3A_137, %mul3A_221 : vector<16xi32>
      %add3A_223 = arith.constant 3 : i32
      %add3A_224 = vector.broadcast %add3A_223 : i32 to vector<16xi32>
      %add3A_225 = arith.addi %mul3A_222, %add3A_224 : vector<16xi32>
      %swap3A_226 = arith.constant 48 : index
      %swap3A_227 = tpu.vector_load %arg13[%swap3A_226] {strides = array<i32>} : memref<128xi32, #tpu.memory_space<vmem>>, vector<16xi32>,
      tpu.vector_store %arg13[%swap3A_226], %add3A_225 {strides = array<i32>} : memref<128xi32, #tpu.memory_space<vmem>>, vector<16xi32>,
      %mul3A_228 = arith.constant 16 : i32
      %mul3A_229 = vector.broadcast %mul3A_228 : i32 to vector<16xi32>
      %mul3A_230 = arith.muli %get3A_139, %mul3A_229 : vector<16xi32>
      %add3A_231 = arith.constant 6 : i32
      %add3A_232 = vector.broadcast %add3A_231 : i32 to vector<16xi32>
      %add3A_233 = arith.addi %mul3A_230, %add3A_232 : vector<16xi32>
      %swap3A_234 = arith.constant 48 : index
      %swap3A_235 = tpu.vector_load %arg14[%swap3A_234] {strides = array<i32>} : memref<128xi32, #tpu.memory_space<vmem>>, vector<16xi32>,
      tpu.vector_store %arg14[%swap3A_234], %add3A_233 {strides = array<i32>} : memref<128xi32, #tpu.memory_space<vmem>>, vector<16xi32>,
      %mul3A_236 = arith.constant 16 : i32
      %mul3A_237 = vector.broadcast %mul3A_236 : i32 to vector<16xi32>
      %mul3A_238 = arith.muli %get3A_139, %mul3A_237 : vector<16xi32>
      %add3A_239 = arith.constant 6 : i32
      %add3A_240 = vector.broadcast %add3A_239 : i32 to vector<16xi32>
      %add3A_241 = arith.addi %mul3A_238, %add3A_240 : vector<16xi32>
      %add3A_242 = arith.constant 1 : i32
      %add3A_243 = vector.broadcast %add3A_242 : i32 to vector<16xi32>
      %add3A_244 = arith.addi %add3A_241, %add3A_243 : vector<16xi32>
      %swap3A_245 = arith.constant 48 : index
      %swap3A_246 = tpu.vector_load %arg15[%swap3A_245] {strides = array<i32>} : memref<128xi32, #tpu.memory_space<vmem>>, vector<16xi32>,
      tpu.vector_store %arg15[%swap3A_245], %add3A_244 {strides = array<i32>} : memref<128xi32, #tpu.memory_space<vmem>>, vector<16xi32>,
      %mul3A_247 = arith.constant 8 : i32
      %mul3A_248 = vector.broadcast %mul3A_247 : i32 to vector<16xi32>
      %mul3A_249 = arith.muli %get3A_137, %mul3A_248 : vector<16xi32>
      %add3A_250 = arith.constant 4 : i32
      %add3A_251 = vector.broadcast %add3A_250 : i32 to vector<16xi32>
      %add3A_252 = arith.addi %mul3A_249, %add3A_251 : vector<16xi32>
      %swap3A_253 = arith.constant 64 : index
      %swap3A_254 = tpu.vector_load %arg13[%swap3A_253] {strides = array<i32>} : memref<128xi32, #tpu.memory_space<vmem>>, vector<16xi32>,
      tpu.vector_store %arg13[%swap3A_253], %add3A_252 {strides = array<i32>} : memref<128xi32, #tpu.memory_space<vmem>>, vector<16xi32>,
      %mul3A_255 = arith.constant 16 : i32
      %mul3A_256 = vector.broadcast %mul3A_255 : i32 to vector<16xi32>
      %mul3A_257 = arith.muli %get3A_139, %mul3A_256 : vector<16xi32>
      %add3A_258 = arith.constant 8 : i32
      %add3A_259 = vector.broadcast %add3A_258 : i32 to vector<16xi32>
      %add3A_260 = arith.addi %mul3A_257, %add3A_259 : vector<16xi32>
      %swap3A_261 = arith.constant 64 : index
      %swap3A_262 = tpu.vector_load %arg14[%swap3A_261] {strides = array<i32>} : memref<128xi32, #tpu.memory_space<vmem>>, vector<16xi32>,
      tpu.vector_store %arg14[%swap3A_261], %add3A_260 {strides = array<i32>} : memref<128xi32, #tpu.memory_space<vmem>>, vector<16xi32>,
      %mul3A_263 = arith.constant 16 : i32
      %mul3A_264 = vector.broadcast %mul3A_263 : i32 to vector<16xi32>
      %mul3A_265 = arith.muli %get3A_139, %mul3A_264 : vector<16xi32>
      %add3A_266 = arith.constant 8 : i32
      %add3A_267 = vector.broadcast %add3A_266 : i32 to vector<16xi32>
      %add3A_268 = arith.addi %mul3A_265, %add3A_267 : vector<16xi32>
      %add3A_269 = arith.constant 1 : i32
      %add3A_270 = vector.broadcast %add3A_269 : i32 to vector<16xi32>
      %add3A_271 = arith.addi %add3A_268, %add3A_270 : vector<16xi32>
      %swap3A_272 = arith.constant 64 : index
      %swap3A_273 = tpu.vector_load %arg15[%swap3A_272] {strides = array<i32>} : memref<128xi32, #tpu.memory_space<vmem>>, vector<16xi32>,
      tpu.vector_store %arg15[%swap3A_272], %add3A_271 {strides = array<i32>} : memref<128xi32, #tpu.memory_space<vmem>>, vector<16xi32>,
      %mul3A_274 = arith.constant 8 : i32
      %mul3A_275 = vector.broadcast %mul3A_274 : i32 to vector<16xi32>
      %mul3A_276 = arith.muli %get3A_137, %mul3A_275 : vector<16xi32>
      %add3A_277 = arith.constant 5 : i32
      %add3A_278 = vector.broadcast %add3A_277 : i32 to vector<16xi32>
      %add3A_279 = arith.addi %mul3A_276, %add3A_278 : vector<16xi32>
      %swap3A_280 = arith.constant 80 : index
      %swap3A_281 = tpu.vector_load %arg13[%swap3A_280] {strides = array<i32>} : memref<128xi32, #tpu.memory_space<vmem>>, vector<16xi32>,
      tpu.vector_store %arg13[%swap3A_280], %add3A_279 {strides = array<i32>} : memref<128xi32, #tpu.memory_space<vmem>>, vector<16xi32>,
      %mul3A_282 = arith.constant 16 : i32
      %mul3A_283 = vector.broadcast %mul3A_282 : i32 to vector<16xi32>
      %mul3A_284 = arith.muli %get3A_139, %mul3A_283 : vector<16xi32>
      %add3A_285 = arith.constant 10 : i32
      %add3A_286 = vector.broadcast %add3A_285 : i32 to vector<16xi32>
      %add3A_287 = arith.addi %mul3A_284, %add3A_286 : vector<16xi32>
      %swap3A_288 = arith.constant 80 : index
      %swap3A_289 = tpu.vector_load %arg14[%swap3A_288] {strides = array<i32>} : memref<128xi32, #tpu.memory_space<vmem>>, vector<16xi32>,
      tpu.vector_store %arg14[%swap3A_288], %add3A_287 {strides = array<i32>} : memref<128xi32, #tpu.memory_space<vmem>>, vector<16xi32>,
      %mul3A_290 = arith.constant 16 : i32
      %mul3A_291 = vector.broadcast %mul3A_290 : i32 to vector<16xi32>
      %mul3A_292 = arith.muli %get3A_139, %mul3A_291 : vector<16xi32>
      %add3A_293 = arith.constant 10 : i32
      %add3A_294 = vector.broadcast %add3A_293 : i32 to vector<16xi32>
      %add3A_295 = arith.addi %mul3A_292, %add3A_294 : vector<16xi32>
      %add3A_296 = arith.constant 1 : i32
      %add3A_297 = vector.broadcast %add3A_296 : i32 to vector<16xi32>
      %add3A_298 = arith.addi %add3A_295, %add3A_297 : vector<16xi32>
      %swap3A_299 = arith.constant 80 : index
      %swap3A_300 = tpu.vector_load %arg15[%swap3A_299] {strides = array<i32>} : memref<128xi32, #tpu.memory_space<vmem>>, vector<16xi32>,
      tpu.vector_store %arg15[%swap3A_299], %add3A_298 {strides = array<i32>} : memref<128xi32, #tpu.memory_space<vmem>>, vector<16xi32>,
      %mul3A_301 = arith.constant 8 : i32
      %mul3A_302 = vector.broadcast %mul3A_301 : i32 to vector<16xi32>
      %mul3A_303 = arith.muli %get3A_137, %mul3A_302 : vector<16xi32>
      %add3A_304 = arith.constant 6 : i32
      %add3A_305 = vector.broadcast %add3A_304 : i32 to vector<16xi32>
      %add3A_306 = arith.addi %mul3A_303, %add3A_305 : vector<16xi32>
      %swap3A_307 = arith.constant 96 : index
      %swap3A_308 = tpu.vector_load %arg13[%swap3A_307] {strides = array<i32>} : memref<128xi32, #tpu.memory_space<vmem>>, vector<16xi32>,
      tpu.vector_store %arg13[%swap3A_307], %add3A_306 {strides = array<i32>} : memref<128xi32, #tpu.memory_space<vmem>>, vector<16xi32>,
      %mul3A_309 = arith.constant 16 : i32
      %mul3A_310 = vector.broadcast %mul3A_309 : i32 to vector<16xi32>
      %mul3A_311 = arith.muli %get3A_139, %mul3A_310 : vector<16xi32>
      %add3A_312 = arith.constant 12 : i32
      %add3A_313 = vector.broadcast %add3A_312 : i32 to vector<16xi32>
      %add3A_314 = arith.addi %mul3A_311, %add3A_313 : vector<16xi32>
      %swap3A_315 = arith.constant 96 : index
      %swap3A_316 = tpu.vector_load %arg14[%swap3A_315] {strides = array<i32>} : memref<128xi32, #tpu.memory_space<vmem>>, vector<16xi32>,
      tpu.vector_store %arg14[%swap3A_315], %add3A_314 {strides = array<i32>} : memref<128xi32, #tpu.memory_space<vmem>>, vector<16xi32>,
      %mul3A_317 = arith.constant 16 : i32
      %mul3A_318 = vector.broadcast %mul3A_317 : i32 to vector<16xi32>
      %mul3A_319 = arith.muli %get3A_139, %mul3A_318 : vector<16xi32>
      %add3A_320 = arith.constant 12 : i32
      %add3A_321 = vector.broadcast %add3A_320 : i32 to vector<16xi32>
      %add3A_322 = arith.addi %mul3A_319, %add3A_321 : vector<16xi32>
      %add3A_323 = arith.constant 1 : i32
      %add3A_324 = vector.broadcast %add3A_323 : i32 to vector<16xi32>
      %add3A_325 = arith.addi %add3A_322, %add3A_324 : vector<16xi32>
      %swap3A_326 = arith.constant 96 : index
      %swap3A_327 = tpu.vector_load %arg15[%swap3A_326] {strides = array<i32>} : memref<128xi32, #tpu.memory_space<vmem>>, vector<16xi32>,
      tpu.vector_store %arg15[%swap3A_326], %add3A_325 {strides = array<i32>} : memref<128xi32, #tpu.memory_space<vmem>>, vector<16xi32>,
      %mul3A_328 = arith.constant 8 : i32
      %mul3A_329 = vector.broadcast %mul3A_328 : i32 to vector<16xi32>
      %mul3A_330 = arith.muli %get3A_137, %mul3A_329 : vector<16xi32>
      %add3A_331 = arith.constant 7 : i32
      %add3A_332 = vector.broadcast %add3A_331 : i32 to vector<16xi32>
      %add3A_333 = arith.addi %mul3A_330, %add3A_332 : vector<16xi32>
      %swap3A_334 = arith.constant 112 : index
      %swap3A_335 = tpu.vector_load %arg13[%swap3A_334] {strides = array<i32>} : memref<128xi32, #tpu.memory_space<vmem>>, vector<16xi32>,
      tpu.vector_store %arg13[%swap3A_334], %add3A_333 {strides = array<i32>} : memref<128xi32, #tpu.memory_space<vmem>>, vector<16xi32>,
      %mul3A_336 = arith.constant 16 : i32
      %mul3A_337 = vector.broadcast %mul3A_336 : i32 to vector<16xi32>
      %mul3A_338 = arith.muli %get3A_139, %mul3A_337 : vector<16xi32>
      %add3A_339 = arith.constant 14 : i32
      %add3A_340 = vector.broadcast %add3A_339 : i32 to vector<16xi32>
      %add3A_341 = arith.addi %mul3A_338, %add3A_340 : vector<16xi32>
      %swap3A_342 = arith.constant 112 : index
      %swap3A_343 = tpu.vector_load %arg14[%swap3A_342] {strides = array<i32>} : memref<128xi32, #tpu.memory_space<vmem>>, vector<16xi32>,
      tpu.vector_store %arg14[%swap3A_342], %add3A_341 {strides = array<i32>} : memref<128xi32, #tpu.memory_space<vmem>>, vector<16xi32>,
      %mul3A_344 = arith.constant 16 : i32
      %mul3A_345 = vector.broadcast %mul3A_344 : i32 to vector<16xi32>
      %mul3A_346 = arith.muli %get3A_139, %mul3A_345 : vector<16xi32>
      %add3A_347 = arith.constant 14 : i32
      %add3A_348 = vector.broadcast %add3A_347 : i32 to vector<16xi32>
      %add3A_349 = arith.addi %mul3A_346, %add3A_348 : vector<16xi32>
      %add3A_350 = arith.constant 1 : i32
      %add3A_351 = vector.broadcast %add3A_350 : i32 to vector<16xi32>
      %add3A_352 = arith.addi %add3A_349, %add3A_351 : vector<16xi32>
      %swap3A_353 = arith.constant 112 : index
      %swap3A_354 = tpu.vector_load %arg15[%swap3A_353] {strides = array<i32>} : memref<128xi32, #tpu.memory_space<vmem>>, vector<16xi32>,
      tpu.vector_store %arg15[%swap3A_353], %add3A_352 {strides = array<i32>} : memref<128xi32, #tpu.memory_space<vmem>>, vector<16xi32>,
      %dma_start3A_355 = arith.constant 0 : i32
      %dma_start3A_356 = arith.constant 0 : i32
      %dma_start3A_357 = tpu.memref_slice %arg5[%dma_start3A_355, %dma_start3A_356] : memref<16384x128xf32, #tpu.memory_space<hbm>> -> memref<16384x128xf32, #tpu.memory_space<hbm>>
      tpu.enqueue_indirect_dma source(%dma_start3A_357 : memref<16384x128xf32, #tpu.memory_space<hbm>>) target(%arg19 : memref<128x128xf32, #tpu.memory_space<vmem>>) offsets(%arg13 : memref<128xi32, #tpu.memory_space<vmem>>) semaphore(%arg24 : memref<!tpu.dma_semaphore, #tpu.memory_space<semaphore_mem>>)
      %dma_start3A_358 = arith.constant 0 : i32
      %dma_start3A_359 = arith.constant 0 : i32
      %dma_start3A_360 = tpu.memref_slice %arg6[%dma_start3A_358, %dma_start3A_359] : memref<16384x128xf32, #tpu.memory_space<hbm>> -> memref<16384x128xf32, #tpu.memory_space<hbm>>
      tpu.enqueue_indirect_dma source(%dma_start3A_360 : memref<16384x128xf32, #tpu.memory_space<hbm>>) target(%arg20 : memref<128x128xf32, #tpu.memory_space<vmem>>) offsets(%arg13 : memref<128xi32, #tpu.memory_space<vmem>>) semaphore(%arg25 : memref<!tpu.dma_semaphore, #tpu.memory_space<semaphore_mem>>)
      %mul3A_361 = arith.constant 32 : i32
      %mul3A_362 = arith.muli %while3A_128, %mul3A_361 : i32
      %add3A_363 = arith.constant 16 : i32
      %add3A_364 = arith.addi %mul3A_362, %add3A_363 : i32
      %get3A_365 = arith.index_cast %add3A_364 : i32 to index
      %get3A_366 = tpu.vector_load %arg11[%get3A_365] {strides = array<i32>} : memref<288xi32, #tpu.memory_space<vmem>>, vector<16xi32>,
      %get3A_367 = arith.index_cast %add3A_364 : i32 to index
      %get3A_368 = tpu.vector_load %arg12[%get3A_367] {strides = array<i32>} : memref<288xi32, #tpu.memory_space<vmem>>, vector<16xi32>,
      %mul3A_369 = arith.constant 8 : i32
      %mul3A_370 = vector.broadcast %mul3A_369 : i32 to vector<16xi32>
      %mul3A_371 = arith.muli %get3A_366, %mul3A_370 : vector<16xi32>
      %add3A_372 = arith.constant 0 : i32
      %add3A_373 = vector.broadcast %add3A_372 : i32 to vector<16xi32>
      %add3A_374 = arith.addi %mul3A_371, %add3A_373 : vector<16xi32>
      %swap3A_375 = arith.constant 0 : index
      %swap3A_376 = tpu.vector_load %arg16[%swap3A_375] {strides = array<i32>} : memref<128xi32, #tpu.memory_space<vmem>>, vector<16xi32>,
      tpu.vector_store %arg16[%swap3A_375], %add3A_374 {strides = array<i32>} : memref<128xi32, #tpu.memory_space<vmem>>, vector<16xi32>,
      %mul3A_377 = arith.constant 16 : i32
      %mul3A_378 = vector.broadcast %mul3A_377 : i32 to vector<16xi32>
      %mul3A_379 = arith.muli %get3A_368, %mul3A_378 : vector<16xi32>
      %add3A_380 = arith.constant 0 : i32
      %add3A_381 = vector.broadcast %add3A_380 : i32 to vector<16xi32>
      %add3A_382 = arith.addi %mul3A_379, %add3A_381 : vector<16xi32>
      %swap3A_383 = arith.constant 0 : index
      %swap3A_384 = tpu.vector_load %arg17[%swap3A_383] {strides = array<i32>} : memref<128xi32, #tpu.memory_space<vmem>>, vector<16xi32>,
      tpu.vector_store %arg17[%swap3A_383], %add3A_382 {strides = array<i32>} : memref<128xi32, #tpu.memory_space<vmem>>, vector<16xi32>,
      %mul3A_385 = arith.constant 16 : i32
      %mul3A_386 = vector.broadcast %mul3A_385 : i32 to vector<16xi32>
      %mul3A_387 = arith.muli %get3A_368, %mul3A_386 : vector<16xi32>
      %add3A_388 = arith.constant 0 : i32
      %add3A_389 = vector.broadcast %add3A_388 : i32 to vector<16xi32>
      %add3A_390 = arith.addi %mul3A_387, %add3A_389 : vector<16xi32>
      %add3A_391 = arith.constant 1 : i32
      %add3A_392 = vector.broadcast %add3A_391 : i32 to vector<16xi32>
      %add3A_393 = arith.addi %add3A_390, %add3A_392 : vector<16xi32>
      %swap3A_394 = arith.constant 0 : index
      %swap3A_395 = tpu.vector_load %arg18[%swap3A_394] {strides = array<i32>} : memref<128xi32, #tpu.memory_space<vmem>>, vector<16xi32>,
      tpu.vector_store %arg18[%swap3A_394], %add3A_393 {strides = array<i32>} : memref<128xi32, #tpu.memory_space<vmem>>, vector<16xi32>,
      %mul3A_396 = arith.constant 8 : i32
      %mul3A_397 = vector.broadcast %mul3A_396 : i32 to vector<16xi32>
      %mul3A_398 = arith.muli %get3A_366, %mul3A_397 : vector<16xi32>
      %add3A_399 = arith.constant 1 : i32
      %add3A_400 = vector.broadcast %add3A_399 : i32 to vector<16xi32>
      %add3A_401 = arith.addi %mul3A_398, %add3A_400 : vector<16xi32>
      %swap3A_402 = arith.constant 16 : index
      %swap3A_403 = tpu.vector_load %arg16[%swap3A_402] {strides = array<i32>} : memref<128xi32, #tpu.memory_space<vmem>>, vector<16xi32>,
      tpu.vector_store %arg16[%swap3A_402], %add3A_401 {strides = array<i32>} : memref<128xi32, #tpu.memory_space<vmem>>, vector<16xi32>,
      %mul3A_404 = arith.constant 16 : i32
      %mul3A_405 = vector.broadcast %mul3A_404 : i32 to vector<16xi32>
      %mul3A_406 = arith.muli %get3A_368, %mul3A_405 : vector<16xi32>
      %add3A_407 = arith.constant 2 : i32
      %add3A_408 = vector.broadcast %add3A_407 : i32 to vector<16xi32>
      %add3A_409 = arith.addi %mul3A_406, %add3A_408 : vector<16xi32>
      %swap3A_410 = arith.constant 16 : index
      %swap3A_411 = tpu.vector_load %arg17[%swap3A_410] {strides = array<i32>} : memref<128xi32, #tpu.memory_space<vmem>>, vector<16xi32>,
      tpu.vector_store %arg17[%swap3A_410], %add3A_409 {strides = array<i32>} : memref<128xi32, #tpu.memory_space<vmem>>, vector<16xi32>,
      %mul3A_412 = arith.constant 16 : i32
      %mul3A_413 = vector.broadcast %mul3A_412 : i32 to vector<16xi32>
      %mul3A_414 = arith.muli %get3A_368, %mul3A_413 : vector<16xi32>
      %add3A_415 = arith.constant 2 : i32
      %add3A_416 = vector.broadcast %add3A_415 : i32 to vector<16xi32>
      %add3A_417 = arith.addi %mul3A_414, %add3A_416 : vector<16xi32>
      %add3A_418 = arith.constant 1 : i32
      %add3A_419 = vector.broadcast %add3A_418 : i32 to vector<16xi32>
      %add3A_420 = arith.addi %add3A_417, %add3A_419 : vector<16xi32>
      %swap3A_421 = arith.constant 16 : index
      %swap3A_422 = tpu.vector_load %arg18[%swap3A_421] {strides = array<i32>} : memref<128xi32, #tpu.memory_space<vmem>>, vector<16xi32>,
      tpu.vector_store %arg18[%swap3A_421], %add3A_420 {strides = array<i32>} : memref<128xi32, #tpu.memory_space<vmem>>, vector<16xi32>,
      %mul3A_423 = arith.constant 8 : i32
      %mul3A_424 = vector.broadcast %mul3A_423 : i32 to vector<16xi32>
      %mul3A_425 = arith.muli %get3A_366, %mul3A_424 : vector<16xi32>
      %add3A_426 = arith.constant 2 : i32
      %add3A_427 = vector.broadcast %add3A_426 : i32 to vector<16xi32>
      %add3A_428 = arith.addi %mul3A_425, %add3A_427 : vector<16xi32>
      %swap3A_429 = arith.constant 32 : index
      %swap3A_430 = tpu.vector_load %arg16[%swap3A_429] {strides = array<i32>} : memref<128xi32, #tpu.memory_space<vmem>>, vector<16xi32>,
      tpu.vector_store %arg16[%swap3A_429], %add3A_428 {strides = array<i32>} : memref<128xi32, #tpu.memory_space<vmem>>, vector<16xi32>,
      %mul3A_431 = arith.constant 16 : i32
      %mul3A_432 = vector.broadcast %mul3A_431 : i32 to vector<16xi32>
      %mul3A_433 = arith.muli %get3A_368, %mul3A_432 : vector<16xi32>
      %add3A_434 = arith.constant 4 : i32
      %add3A_435 = vector.broadcast %add3A_434 : i32 to vector<16xi32>
      %add3A_436 = arith.addi %mul3A_433, %add3A_435 : vector<16xi32>
      %swap3A_437 = arith.constant 32 : index
      %swap3A_438 = tpu.vector_load %arg17[%swap3A_437] {strides = array<i32>} : memref<128xi32, #tpu.memory_space<vmem>>, vector<16xi32>,
      tpu.vector_store %arg17[%swap3A_437], %add3A_436 {strides = array<i32>} : memref<128xi32, #tpu.memory_space<vmem>>, vector<16xi32>,
      %mul3A_439 = arith.constant 16 : i32
      %mul3A_440 = vector.broadcast %mul3A_439 : i32 to vector<16xi32>
      %mul3A_441 = arith.muli %get3A_368, %mul3A_440 : vector<16xi32>
      %add3A_442 = arith.constant 4 : i32
      %add3A_443 = vector.broadcast %add3A_442 : i32 to vector<16xi32>
      %add3A_444 = arith.addi %mul3A_441, %add3A_443 : vector<16xi32>
      %add3A_445 = arith.constant 1 : i32
      %add3A_446 = vector.broadcast %add3A_445 : i32 to vector<16xi32>
      %add3A_447 = arith.addi %add3A_444, %add3A_446 : vector<16xi32>
      %swap3A_448 = arith.constant 32 : index
      %swap3A_449 = tpu.vector_load %arg18[%swap3A_448] {strides = array<i32>} : memref<128xi32, #tpu.memory_space<vmem>>, vector<16xi32>,
      tpu.vector_store %arg18[%swap3A_448], %add3A_447 {strides = array<i32>} : memref<128xi32, #tpu.memory_space<vmem>>, vector<16xi32>,
      %mul3A_450 = arith.constant 8 : i32
      %mul3A_451 = vector.broadcast %mul3A_450 : i32 to vector<16xi32>
      %mul3A_452 = arith.muli %get3A_366, %mul3A_451 : vector<16xi32>
      %add3A_453 = arith.constant 3 : i32
      %add3A_454 = vector.broadcast %add3A_453 : i32 to vector<16xi32>
      %add3A_455 = arith.addi %mul3A_452, %add3A_454 : vector<16xi32>
      %swap3A_456 = arith.constant 48 : index
      %swap3A_457 = tpu.vector_load %arg16[%swap3A_456] {strides = array<i32>} : memref<128xi32, #tpu.memory_space<vmem>>, vector<16xi32>,
      tpu.vector_store %arg16[%swap3A_456], %add3A_455 {strides = array<i32>} : memref<128xi32, #tpu.memory_space<vmem>>, vector<16xi32>,
      %mul3A_458 = arith.constant 16 : i32
      %mul3A_459 = vector.broadcast %mul3A_458 : i32 to vector<16xi32>
      %mul3A_460 = arith.muli %get3A_368, %mul3A_459 : vector<16xi32>
      %add3A_461 = arith.constant 6 : i32
      %add3A_462 = vector.broadcast %add3A_461 : i32 to vector<16xi32>
      %add3A_463 = arith.addi %mul3A_460, %add3A_462 : vector<16xi32>
      %swap3A_464 = arith.constant 48 : index
      %swap3A_465 = tpu.vector_load %arg17[%swap3A_464] {strides = array<i32>} : memref<128xi32, #tpu.memory_space<vmem>>, vector<16xi32>,
      tpu.vector_store %arg17[%swap3A_464], %add3A_463 {strides = array<i32>} : memref<128xi32, #tpu.memory_space<vmem>>, vector<16xi32>,
      %mul3A_466 = arith.constant 16 : i32
      %mul3A_467 = vector.broadcast %mul3A_466 : i32 to vector<16xi32>
      %mul3A_468 = arith.muli %get3A_368, %mul3A_467 : vector<16xi32>
      %add3A_469 = arith.constant 6 : i32
      %add3A_470 = vector.broadcast %add3A_469 : i32 to vector<16xi32>
      %add3A_471 = arith.addi %mul3A_468, %add3A_470 : vector<16xi32>
      %add3A_472 = arith.constant 1 : i32
      %add3A_473 = vector.broadcast %add3A_472 : i32 to vector<16xi32>
      %add3A_474 = arith.addi %add3A_471, %add3A_473 : vector<16xi32>
      %swap3A_475 = arith.constant 48 : index
      %swap3A_476 = tpu.vector_load %arg18[%swap3A_475] {strides = array<i32>} : memref<128xi32, #tpu.memory_space<vmem>>, vector<16xi32>,
      tpu.vector_store %arg18[%swap3A_475], %add3A_474 {strides = array<i32>} : memref<128xi32, #tpu.memory_space<vmem>>, vector<16xi32>,
      %mul3A_477 = arith.constant 8 : i32
      %mul3A_478 = vector.broadcast %mul3A_477 : i32 to vector<16xi32>
      %mul3A_479 = arith.muli %get3A_366, %mul3A_478 : vector<16xi32>
      %add3A_480 = arith.constant 4 : i32
      %add3A_481 = vector.broadcast %add3A_480 : i32 to vector<16xi32>
      %add3A_482 = arith.addi %mul3A_479, %add3A_481 : vector<16xi32>
      %swap3A_483 = arith.constant 64 : index
      %swap3A_484 = tpu.vector_load %arg16[%swap3A_483] {strides = array<i32>} : memref<128xi32, #tpu.memory_space<vmem>>, vector<16xi32>,
      tpu.vector_store %arg16[%swap3A_483], %add3A_482 {strides = array<i32>} : memref<128xi32, #tpu.memory_space<vmem>>, vector<16xi32>,
      %mul3A_485 = arith.constant 16 : i32
      %mul3A_486 = vector.broadcast %mul3A_485 : i32 to vector<16xi32>
      %mul3A_487 = arith.muli %get3A_368, %mul3A_486 : vector<16xi32>
      %add3A_488 = arith.constant 8 : i32
      %add3A_489 = vector.broadcast %add3A_488 : i32 to vector<16xi32>
      %add3A_490 = arith.addi %mul3A_487, %add3A_489 : vector<16xi32>
      %swap3A_491 = arith.constant 64 : index
      %swap3A_492 = tpu.vector_load %arg17[%swap3A_491] {strides = array<i32>} : memref<128xi32, #tpu.memory_space<vmem>>, vector<16xi32>,
      tpu.vector_store %arg17[%swap3A_491], %add3A_490 {strides = array<i32>} : memref<128xi32, #tpu.memory_space<vmem>>, vector<16xi32>,
      %mul3A_493 = arith.constant 16 : i32
      %mul3A_494 = vector.broadcast %mul3A_493 : i32 to vector<16xi32>
      %mul3A_495 = arith.muli %get3A_368, %mul3A_494 : vector<16xi32>
      %add3A_496 = arith.constant 8 : i32
      %add3A_497 = vector.broadcast %add3A_496 : i32 to vector<16xi32>
      %add3A_498 = arith.addi %mul3A_495, %add3A_497 : vector<16xi32>
      %add3A_499 = arith.constant 1 : i32
      %add3A_500 = vector.broadcast %add3A_499 : i32 to vector<16xi32>
      %add3A_501 = arith.addi %add3A_498, %add3A_500 : vector<16xi32>
      %swap3A_502 = arith.constant 64 : index
      %swap3A_503 = tpu.vector_load %arg18[%swap3A_502] {strides = array<i32>} : memref<128xi32, #tpu.memory_space<vmem>>, vector<16xi32>,
      tpu.vector_store %arg18[%swap3A_502], %add3A_501 {strides = array<i32>} : memref<128xi32, #tpu.memory_space<vmem>>, vector<16xi32>,
      %mul3A_504 = arith.constant 8 : i32
      %mul3A_505 = vector.broadcast %mul3A_504 : i32 to vector<16xi32>
      %mul3A_506 = arith.muli %get3A_366, %mul3A_505 : vector<16xi32>
      %add3A_507 = arith.constant 5 : i32
      %add3A_508 = vector.broadcast %add3A_507 : i32 to vector<16xi32>
      %add3A_509 = arith.addi %mul3A_506, %add3A_508 : vector<16xi32>
      %swap3A_510 = arith.constant 80 : index
      %swap3A_511 = tpu.vector_load %arg16[%swap3A_510] {strides = array<i32>} : memref<128xi32, #tpu.memory_space<vmem>>, vector<16xi32>,
      tpu.vector_store %arg16[%swap3A_510], %add3A_509 {strides = array<i32>} : memref<128xi32, #tpu.memory_space<vmem>>, vector<16xi32>,
      %mul3A_512 = arith.constant 16 : i32
      %mul3A_513 = vector.broadcast %mul3A_512 : i32 to vector<16xi32>
      %mul3A_514 = arith.muli %get3A_368, %mul3A_513 : vector<16xi32>
      %add3A_515 = arith.constant 10 : i32
      %add3A_516 = vector.broadcast %add3A_515 : i32 to vector<16xi32>
      %add3A_517 = arith.addi %mul3A_514, %add3A_516 : vector<16xi32>
      %swap3A_518 = arith.constant 80 : index
      %swap3A_519 = tpu.vector_load %arg17[%swap3A_518] {strides = array<i32>} : memref<128xi32, #tpu.memory_space<vmem>>, vector<16xi32>,
      tpu.vector_store %arg17[%swap3A_518], %add3A_517 {strides = array<i32>} : memref<128xi32, #tpu.memory_space<vmem>>, vector<16xi32>,
      %mul3A_520 = arith.constant 16 : i32
      %mul3A_521 = vector.broadcast %mul3A_520 : i32 to vector<16xi32>
      %mul3A_522 = arith.muli %get3A_368, %mul3A_521 : vector<16xi32>
      %add3A_523 = arith.constant 10 : i32
      %add3A_524 = vector.broadcast %add3A_523 : i32 to vector<16xi32>
      %add3A_525 = arith.addi %mul3A_522, %add3A_524 : vector<16xi32>
      %add3A_526 = arith.constant 1 : i32
      %add3A_527 = vector.broadcast %add3A_526 : i32 to vector<16xi32>
      %add3A_528 = arith.addi %add3A_525, %add3A_527 : vector<16xi32>
      %swap3A_529 = arith.constant 80 : index
      %swap3A_530 = tpu.vector_load %arg18[%swap3A_529] {strides = array<i32>} : memref<128xi32, #tpu.memory_space<vmem>>, vector<16xi32>,
      tpu.vector_store %arg18[%swap3A_529], %add3A_528 {strides = array<i32>} : memref<128xi32, #tpu.memory_space<vmem>>, vector<16xi32>,
      %mul3A_531 = arith.constant 8 : i32
      %mul3A_532 = vector.broadcast %mul3A_531 : i32 to vector<16xi32>
      %mul3A_533 = arith.muli %get3A_366, %mul3A_532 : vector<16xi32>
      %add3A_534 = arith.constant 6 : i32
      %add3A_535 = vector.broadcast %add3A_534 : i32 to vector<16xi32>
      %add3A_536 = arith.addi %mul3A_533, %add3A_535 : vector<16xi32>
      %swap3A_537 = arith.constant 96 : index
      %swap3A_538 = tpu.vector_load %arg16[%swap3A_537] {strides = array<i32>} : memref<128xi32, #tpu.memory_space<vmem>>, vector<16xi32>,
      tpu.vector_store %arg16[%swap3A_537], %add3A_536 {strides = array<i32>} : memref<128xi32, #tpu.memory_space<vmem>>, vector<16xi32>,
      %mul3A_539 = arith.constant 16 : i32
      %mul3A_540 = vector.broadcast %mul3A_539 : i32 to vector<16xi32>
      %mul3A_541 = arith.muli %get3A_368, %mul3A_540 : vector<16xi32>
      %add3A_542 = arith.constant 12 : i32
      %add3A_543 = vector.broadcast %add3A_542 : i32 to vector<16xi32>
      %add3A_544 = arith.addi %mul3A_541, %add3A_543 : vector<16xi32>
      %swap3A_545 = arith.constant 96 : index
      %swap3A_546 = tpu.vector_load %arg17[%swap3A_545] {strides = array<i32>} : memref<128xi32, #tpu.memory_space<vmem>>, vector<16xi32>,
      tpu.vector_store %arg17[%swap3A_545], %add3A_544 {strides = array<i32>} : memref<128xi32, #tpu.memory_space<vmem>>, vector<16xi32>,
      %mul3A_547 = arith.constant 16 : i32
      %mul3A_548 = vector.broadcast %mul3A_547 : i32 to vector<16xi32>
      %mul3A_549 = arith.muli %get3A_368, %mul3A_548 : vector<16xi32>
      %add3A_550 = arith.constant 12 : i32
      %add3A_551 = vector.broadcast %add3A_550 : i32 to vector<16xi32>
      %add3A_552 = arith.addi %mul3A_549, %add3A_551 : vector<16xi32>
      %add3A_553 = arith.constant 1 : i32
      %add3A_554 = vector.broadcast %add3A_553 : i32 to vector<16xi32>
      %add3A_555 = arith.addi %add3A_552, %add3A_554 : vector<16xi32>
      %swap3A_556 = arith.constant 96 : index
      %swap3A_557 = tpu.vector_load %arg18[%swap3A_556] {strides = array<i32>} : memref<128xi32, #tpu.memory_space<vmem>>, vector<16xi32>,
      tpu.vector_store %arg18[%swap3A_556], %add3A_555 {strides = array<i32>} : memref<128xi32, #tpu.memory_space<vmem>>, vector<16xi32>,
      %mul3A_558 = arith.constant 8 : i32
      %mul3A_559 = vector.broadcast %mul3A_558 : i32 to vector<16xi32>
      %mul3A_560 = arith.muli %get3A_366, %mul3A_559 : vector<16xi32>
      %add3A_561 = arith.constant 7 : i32
      %add3A_562 = vector.broadcast %add3A_561 : i32 to vector<16xi32>
      %add3A_563 = arith.addi %mul3A_560, %add3A_562 : vector<16xi32>
      %swap3A_564 = arith.constant 112 : index
      %swap3A_565 = tpu.vector_load %arg16[%swap3A_564] {strides = array<i32>} : memref<128xi32, #tpu.memory_space<vmem>>, vector<16xi32>,
      tpu.vector_store %arg16[%swap3A_564], %add3A_563 {strides = array<i32>} : memref<128xi32, #tpu.memory_space<vmem>>, vector<16xi32>,
      %mul3A_566 = arith.constant 16 : i32
      %mul3A_567 = vector.broadcast %mul3A_566 : i32 to vector<16xi32>
      %mul3A_568 = arith.muli %get3A_368, %mul3A_567 : vector<16xi32>
      %add3A_569 = arith.constant 14 : i32
      %add3A_570 = vector.broadcast %add3A_569 : i32 to vector<16xi32>
      %add3A_571 = arith.addi %mul3A_568, %add3A_570 : vector<16xi32>
      %swap3A_572 = arith.constant 112 : index
      %swap3A_573 = tpu.vector_load %arg17[%swap3A_572] {strides = array<i32>} : memref<128xi32, #tpu.memory_space<vmem>>, vector<16xi32>,
      tpu.vector_store %arg17[%swap3A_572], %add3A_571 {strides = array<i32>} : memref<128xi32, #tpu.memory_space<vmem>>, vector<16xi32>,
      %mul3A_574 = arith.constant 16 : i32
      %mul3A_575 = vector.broadcast %mul3A_574 : i32 to vector<16xi32>
      %mul3A_576 = arith.muli %get3A_368, %mul3A_575 : vector<16xi32>
      %add3A_577 = arith.constant 14 : i32
      %add3A_578 = vector.broadcast %add3A_577 : i32 to vector<16xi32>
      %add3A_579 = arith.addi %mul3A_576, %add3A_578 : vector<16xi32>
      %add3A_580 = arith.constant 1 : i32
      %add3A_581 = vector.broadcast %add3A_580 : i32 to vector<16xi32>
      %add3A_582 = arith.addi %add3A_579, %add3A_581 : vector<16xi32>
      %swap3A_583 = arith.constant 112 : index
      %swap3A_584 = tpu.vector_load %arg18[%swap3A_583] {strides = array<i32>} : memref<128xi32, #tpu.memory_space<vmem>>, vector<16xi32>,
      tpu.vector_store %arg18[%swap3A_583], %add3A_582 {strides = array<i32>} : memref<128xi32, #tpu.memory_space<vmem>>, vector<16xi32>,
      %dma_start3A_585 = arith.constant 0 : i32
      %dma_start3A_586 = arith.constant 0 : i32
      %dma_start3A_587 = tpu.memref_slice %arg5[%dma_start3A_585, %dma_start3A_586] : memref<16384x128xf32, #tpu.memory_space<hbm>> -> memref<16384x128xf32, #tpu.memory_space<hbm>>
      tpu.enqueue_indirect_dma source(%dma_start3A_587 : memref<16384x128xf32, #tpu.memory_space<hbm>>) target(%arg21 : memref<128x128xf32, #tpu.memory_space<vmem>>) offsets(%arg16 : memref<128xi32, #tpu.memory_space<vmem>>) semaphore(%arg26 : memref<!tpu.dma_semaphore, #tpu.memory_space<semaphore_mem>>)
      %dma_start3A_588 = arith.constant 0 : i32
      %dma_start3A_589 = arith.constant 0 : i32
      %dma_start3A_590 = tpu.memref_slice %arg6[%dma_start3A_588, %dma_start3A_589] : memref<16384x128xf32, #tpu.memory_space<hbm>> -> memref<16384x128xf32, #tpu.memory_space<hbm>>
      tpu.enqueue_indirect_dma source(%dma_start3A_590 : memref<16384x128xf32, #tpu.memory_space<hbm>>) target(%arg22 : memref<128x128xf32, #tpu.memory_space<vmem>>) offsets(%arg16 : memref<128xi32, #tpu.memory_space<vmem>>) semaphore(%arg27 : memref<!tpu.dma_semaphore, #tpu.memory_space<semaphore_mem>>)
      %dma_wait3A_591 = arith.constant 0 : i32
      %dma_wait3A_592 = arith.constant 0 : i32
      %dma_wait3A_593 = tpu.memref_slice %arg5[%dma_wait3A_591, %dma_wait3A_592] : memref<16384x128xf32, #tpu.memory_space<hbm>> -> memref<16384x128xf32, #tpu.memory_space<hbm>>
      tpu.wait_indirect_dma semaphore(%arg24 : memref<!tpu.dma_semaphore, #tpu.memory_space<semaphore_mem>>) src(%dma_wait3A_593 : memref<16384x128xf32, #tpu.memory_space<hbm>>) dst(%arg19 : memref<128x128xf32, #tpu.memory_space<vmem>>)
      %dma_wait3A_594 = arith.constant 0 : i32
      %dma_wait3A_595 = arith.constant 0 : i32
      %dma_wait3A_596 = tpu.memref_slice %arg6[%dma_wait3A_594, %dma_wait3A_595] : memref<16384x128xf32, #tpu.memory_space<hbm>> -> memref<16384x128xf32, #tpu.memory_space<hbm>>
      tpu.wait_indirect_dma semaphore(%arg25 : memref<!tpu.dma_semaphore, #tpu.memory_space<semaphore_mem>>) src(%dma_wait3A_596 : memref<16384x128xf32, #tpu.memory_space<hbm>>) dst(%arg20 : memref<128x128xf32, #tpu.memory_space<vmem>>)
      %dma_start3A_597 = arith.constant 0 : i32
      %dma_start3A_598 = arith.constant 0 : i32
      %dma_start3A_599 = tpu.memref_slice %arg7[%dma_start3A_597, %dma_start3A_598] : memref<131072x128xf32, #tpu.memory_space<hbm>> -> memref<131072x128xf32, #tpu.memory_space<hbm>>
      tpu.enqueue_indirect_dma source(%arg19 : memref<128x128xf32, #tpu.memory_space<vmem>>) target(%dma_start3A_599 : memref<131072x128xf32, #tpu.memory_space<hbm>>) offsets(%arg14 : memref<128xi32, #tpu.memory_space<vmem>>) semaphore(%arg28 : memref<!tpu.dma_semaphore, #tpu.memory_space<semaphore_mem>>)
      %dma_start3A_600 = arith.constant 0 : i32
      %dma_start3A_601 = arith.constant 0 : i32
      %dma_start3A_602 = tpu.memref_slice %arg7[%dma_start3A_600, %dma_start3A_601] : memref<131072x128xf32, #tpu.memory_space<hbm>> -> memref<131072x128xf32, #tpu.memory_space<hbm>>
      tpu.enqueue_indirect_dma source(%arg20 : memref<128x128xf32, #tpu.memory_space<vmem>>) target(%dma_start3A_602 : memref<131072x128xf32, #tpu.memory_space<hbm>>) offsets(%arg15 : memref<128xi32, #tpu.memory_space<vmem>>) semaphore(%arg29 : memref<!tpu.dma_semaphore, #tpu.memory_space<semaphore_mem>>)
      %dma_wait3A_603 = arith.constant 0 : i32
      %dma_wait3A_604 = arith.constant 0 : i32
      %dma_wait3A_605 = tpu.memref_slice %arg5[%dma_wait3A_603, %dma_wait3A_604] : memref<16384x128xf32, #tpu.memory_space<hbm>> -> memref<16384x128xf32, #tpu.memory_space<hbm>>
      tpu.wait_indirect_dma semaphore(%arg26 : memref<!tpu.dma_semaphore, #tpu.memory_space<semaphore_mem>>) src(%dma_wait3A_605 : memref<16384x128xf32, #tpu.memory_space<hbm>>) dst(%arg21 : memref<128x128xf32, #tpu.memory_space<vmem>>)
      %dma_wait3A_606 = arith.constant 0 : i32
      %dma_wait3A_607 = arith.constant 0 : i32
      %dma_wait3A_608 = tpu.memref_slice %arg6[%dma_wait3A_606, %dma_wait3A_607] : memref<16384x128xf32, #tpu.memory_space<hbm>> -> memref<16384x128xf32, #tpu.memory_space<hbm>>
      tpu.wait_indirect_dma semaphore(%arg27 : memref<!tpu.dma_semaphore, #tpu.memory_space<semaphore_mem>>) src(%dma_wait3A_608 : memref<16384x128xf32, #tpu.memory_space<hbm>>) dst(%arg22 : memref<128x128xf32, #tpu.memory_space<vmem>>)
      %dma_start3A_609 = arith.constant 0 : i32
      %dma_start3A_610 = arith.constant 0 : i32
      %dma_start3A_611 = tpu.memref_slice %arg7[%dma_start3A_609, %dma_start3A_610] : memref<131072x128xf32, #tpu.memory_space<hbm>> -> memref<131072x128xf32, #tpu.memory_space<hbm>>
      tpu.enqueue_indirect_dma source(%arg21 : memref<128x128xf32, #tpu.memory_space<vmem>>) target(%dma_start3A_611 : memref<131072x128xf32, #tpu.memory_space<hbm>>) offsets(%arg17 : memref<128xi32, #tpu.memory_space<vmem>>) semaphore(%arg30 : memref<!tpu.dma_semaphore, #tpu.memory_space<semaphore_mem>>)
      %dma_start3A_612 = arith.constant 0 : i32
      %dma_start3A_613 = arith.constant 0 : i32
      %dma_start3A_614 = tpu.memref_slice %arg7[%dma_start3A_612, %dma_start3A_613] : memref<131072x128xf32, #tpu.memory_space<hbm>> -> memref<131072x128xf32, #tpu.memory_space<hbm>>
      tpu.enqueue_indirect_dma source(%arg22 : memref<128x128xf32, #tpu.memory_space<vmem>>) target(%dma_start3A_614 : memref<131072x128xf32, #tpu.memory_space<hbm>>) offsets(%arg18 : memref<128xi32, #tpu.memory_space<vmem>>) semaphore(%arg31 : memref<!tpu.dma_semaphore, #tpu.memory_space<semaphore_mem>>)
      %while3A_615 = arith.constant 0 : i32
      scf.yield %while3A_615 : i32
    }
    %gt3A_123 = arith.constant 0 : i32
    %gt3A_124 = arith.cmpi sgt, %scan3A_63#0, %gt3A_123 : i32
    %convert_element_type3A_125 = arith.extui %gt3A_124 : i1 to i32
    %cond3A_126 = arith.constant 0 : i32
    %cond3A_127 = arith.cmpi ne, %convert_element_type3A_125, %cond3A_126 : i32
    scf.if %cond3A_127 {
      %dma_wait3A_128 = arith.constant 0 : i32
      %dma_wait3A_129 = tpu.memref_slice %arg7[%mul3A_2, %dma_wait3A_128] : memref<131072x128xf32, #tpu.memory_space<hbm>> -> memref<128x128xf32, #tpu.memory_space<hbm>>
      %dma_wait3A_130 = arith.constant 0 : i32
      %dma_wait3A_131 = tpu.memref_slice %arg7[%mul3A_2, %dma_wait3A_130] : memref<131072x128xf32, #tpu.memory_space<hbm>> -> memref<128x128xf32, #tpu.memory_space<hbm>>
      tpu.wait_dma2 semaphore(%arg28 : memref<!tpu.dma_semaphore, #tpu.memory_space<semaphore_mem>>) src(%arg19 : memref<128x128xf32, #tpu.memory_space<vmem>>) dst(%dma_wait3A_131 : memref<128x128xf32, #tpu.memory_space<hbm>>)
      %dma_wait3A_132 = arith.constant 0 : i32
      %dma_wait3A_133 = tpu.memref_slice %arg7[%mul3A_2, %dma_wait3A_132] : memref<131072x128xf32, #tpu.memory_space<hbm>> -> memref<128x128xf32, #tpu.memory_space<hbm>>
      %dma_wait3A_134 = arith.constant 0 : i32
      %dma_wait3A_135 = tpu.memref_slice %arg7[%mul3A_2, %dma_wait3A_134] : memref<131072x128xf32, #tpu.memory_space<hbm>> -> memref<128x128xf32, #tpu.memory_space<hbm>>
      tpu.wait_dma2 semaphore(%arg29 : memref<!tpu.dma_semaphore, #tpu.memory_space<semaphore_mem>>) src(%arg20 : memref<128x128xf32, #tpu.memory_space<vmem>>) dst(%dma_wait3A_135 : memref<128x128xf32, #tpu.memory_space<hbm>>)
      %dma_wait3A_136 = arith.constant 0 : i32
      %dma_wait3A_137 = tpu.memref_slice %arg7[%mul3A_2, %dma_wait3A_136] : memref<131072x128xf32, #tpu.memory_space<hbm>> -> memref<128x128xf32, #tpu.memory_space<hbm>>
      %dma_wait3A_138 = arith.constant 0 : i32
      %dma_wait3A_139 = tpu.memref_slice %arg7[%mul3A_2, %dma_wait3A_138] : memref<131072x128xf32, #tpu.memory_space<hbm>> -> memref<128x128xf32, #tpu.memory_space<hbm>>
      tpu.wait_dma2 semaphore(%arg30 : memref<!tpu.dma_semaphore, #tpu.memory_space<semaphore_mem>>) src(%arg21 : memref<128x128xf32, #tpu.memory_space<vmem>>) dst(%dma_wait3A_139 : memref<128x128xf32, #tpu.memory_space<hbm>>)
      %dma_wait3A_140 = arith.constant 0 : i32
      %dma_wait3A_141 = tpu.memref_slice %arg7[%mul3A_2, %dma_wait3A_140] : memref<131072x128xf32, #tpu.memory_space<hbm>> -> memref<128x128xf32, #tpu.memory_space<hbm>>
      %dma_wait3A_142 = arith.constant 0 : i32
      %dma_wait3A_143 = tpu.memref_slice %arg7[%mul3A_2, %dma_wait3A_142] : memref<131072x128xf32, #tpu.memory_space<hbm>> -> memref<128x128xf32, #tpu.memory_space<hbm>>
      tpu.wait_dma2 semaphore(%arg31 : memref<!tpu.dma_semaphore, #tpu.memory_space<semaphore_mem>>) src(%arg22 : memref<128x128xf32, #tpu.memory_space<vmem>>) dst(%dma_wait3A_143 : memref<128x128xf32, #tpu.memory_space<hbm>>)
    } else {
    }
    return
  }
}

</mosaic_0001>

<sc_bundles>
// kernel: _kv_scatter.3.cloned.1.call-start
scs
__scs_entry_jumppad:
0x0: {  	(pc) =	sbr.rel $0x88, $3  }
0x1: {  	(tag) =	ssettag $0x0;
	lr =	simm.s32 $0x1  }
0x2: {  	[smem:$0x3F9C] =	sst lr;
	_ =	strace $0xD0000000  }
0x3: {  	_ = 	snop  }
0x4: {  	_ = 	snop  }
0x5: {  	_ = 	snop  }
0x6: {  	_ = 	snop  }
0x7: {  	_ = 	snop  }
__scs_overlays_trampoline_lowered:
0x8: {  	[smem:$0x3FAB] =	sst s0  }
0x9: {  	[smem:$0x3FAC] =	sst s1  }
0xa: {  	[smem:$0x3FAD] =	sst s2  }
0xb: {  	[smem:$0x3FAE] =	sst s3  }
0xc: {  	[smem:$0x3FAF] =	sst s4  }
0xd: {  	[smem:$0x3FB0] =	sst s5  }
0xe: {  	[smem:$0x3FB1] =	sst s6  }
0xf: {  	[smem:$0x3FB2] =	sst s7  }
0x10: {  	[smem:$0x3FB3] =	sst s8  }
0x11: {  	[smem:$0x3FB4] =	sst s9;
	s0 =	simm.s32 @!p0 $0x0  }
0x12: {  	s1 =	sld [smem:$0x3F9A];
	s0 =	simm.s32 @p0 $0x1  }
0x13: {  	[smem:$0x3FB5] =	sst s0;
	s0 =	simm.s32 @!p1 $0x0  }
0x14: {  	s2 =	sld [smem:$0x3F99];
	s0 =	simm.s32 @p1 $0x1  }
0x15: {  	[smem:$0x3FB6] =	sst s0;
	s0 =	simm.s32 @!p2 $0x0  }
0x16: {  	s3 =	sld [smem:$0x3FDB];
	s0 =	simm.s32 @p2 $0x1  }
0x17: {  	s4 =	simm.s32 $0x1BF5;
	[smem:$0x3FB8] =	sst s0  }
0x18: {  	s0 =	sld [smem:$0x3F9B];
	_ =	swait.ge [sflag:s4], $0x0  }
0x19: {  	s7 =	sld [smem:$0x3F9C]  }
0x1a: {  	s8 =	sadd.s32 $0xFFFFE003, lr  }
0x1b: {  	s9 =	sadd.s32 $0xFFFFFEF7, lr;
	s5 =	simm.s32 $0xFFFFFFFF;
	p2 =	slt.u32 s8, $0xFFFFF086  }
0x1c: {  	p1 =	slt.u32 s9, $0xF7A;
	s5 =	simm.s32 @!p2 $0x0  }
0x1d: {  	s5 =	simm.s32 @p1 $0x1;
	p0 =	seq.s32 s7, s2  }
0x1e: {  	s7 =	smul.u32 @!p0 $0xF7A, s2;
	p2 =	seq.s32 @!p0 s5, $0x0  }
0x1f: {  	s9 =	smul.u32 $0xF7A, s1;
	s8 =	simm.s32 @!p0 $0x1BF5;
	p2 =	por !p2, p0  }
0x20: {  	[sflag:s8] =	ssyncset.s32 @!p0 $0xFFFFF086;
	s6 =	sadd.s32 @!p0 s3, s7;
	s7 =	simm.s32 @!p0 $0x108  }
0x21: {  	s3 =	sadd.s32 s3, s9;
	s6 =	sadd.s32 @!p0 $0x88, s6;
	s7 =	simm.s32 @p2 $0x1082  }
0x22: {  	[simem:s7], [sflag:s8] =	dma.local @!p0 [hbm:s6], $0xF7A  }
0x23: {  	s9 =	sor.u32 $0xD0000000, s2;
	s6 =	simm.s32 $0x108;
	_ =	swait.ge @!p0 [sflag:s8], $0x0  }
0x24: {  	s3 =	sadd.s32 $0x88, s3;
	s6 =	simm.s32 @!p1 $0x1082;
	[sflag:s4] =	ssyncset.s32 $0xFFFFF086  }
0x25: {  	[simem:s6], [sflag:s4] =	dma.local [hbm:s3], $0xF7A  }
0x26: {  	[smem:$0x3F9C] =	sst s1;
	(tag) =	ssettag s2;
	_ =	strace s9  }
0x27: {  	s1 =	sld [smem:$0x3FAC]  }
0x28: {  	s2 =	sld [smem:$0x3FAD]  }
0x29: {  	s4 =	sld [smem:$0x3FAF]  }
0x2a: {  	p0 =	seq.s32 s5, $0x0;
	s5 =	sld [smem:$0x3FB0]  }
0x2b: {  	s6 =	sld [smem:$0x3FB1]  }
0x2c: {  	s7 =	sld [smem:$0x3FB2]  }
0x2d: {  	s3 =	simm.s32 $0x108;
	s8 =	sld [smem:$0x3FB3]  }
0x2e: {  	s3 =	simm.s32 @!p0 $0x1082;
	s9 =	sld [smem:$0x3FB4]  }
0x2f: {  	lr =	sadd.s32 s0, s3;
	s0 =	sld [smem:$0x3FAB]  }
0x30: {  	s3 =	sld [smem:$0x3FAE]  }
0x31: {  	[smem:$0x3FB7] =	sst s10  }
0x32: {  	s10 =	sld [smem:$0x3FB5];
	_ =	sdelay $0x3  }
0x33: {  	p0 =	seq.s32 s10, $0x1;
	s10 =	sld [smem:$0x3FB7];
	_ =	sdelay $0x3  }
0x34: {  	[smem:$0x3FB7] =	sst s10  }
0x35: {  	s10 =	sld [smem:$0x3FB6];
	_ =	sdelay $0x3  }
0x36: {  	p1 =	seq.s32 s10, $0x1;
	s10 =	sld [smem:$0x3FB7];
	_ =	sdelay $0x3  }
0x37: {  	[smem:$0x3FB7] =	sst s10  }
0x38: {  	s10 =	sld [smem:$0x3FB8]  }
0x39: {  	_ = 	snop;
	(pc) =	sbr.ind lr, $3  }
0x3a: {  	_ = 	snop  }
0x3b: {  	_ = 	snop  }
0x3c: {  	p2 =	seq.s32 s10, $0x1;
	s10 =	sld [smem:$0x3FB7]  }
0x3d: {  	_ =	shalt  }
0x3e: {  	_ =	shalt  }
0x3f: {  	_ =	shalt  }
0x40: {  	_ =	shalt  }
0x41: {  	_ =	shalt  }
0x42: {  	_ =	shalt  }
0x43: {  	_ =	shalt  }
0x44: {  	_ =	shalt  }
0x45: {  	_ =	shalt  }
0x46: {  	_ =	shalt  }
0x47: {  	_ =	shalt  }
0x48: {  	_ =	shalt  }
0x49: {  	_ =	shalt  }
0x4a: {  	_ =	shalt  }
0x4b: {  	_ =	shalt  }
0x4c: {  	_ =	shalt  }
0x4d: {  	_ =	shalt  }
0x4e: {  	_ =	shalt  }
0x4f: {  	_ =	shalt  }
0x50: {  	_ =	shalt  }
0x51: {  	_ =	shalt  }
0x52: {  	_ =	shalt  }
0x53: {  	_ =	shalt  }
0x54: {  	_ =	shalt  }
0x55: {  	_ =	shalt  }
0x56: {  	_ =	shalt  }
0x57: {  	_ =	shalt  }
0x58: {  	_ =	shalt  }
0x59: {  	_ =	shalt  }
0x5a: {  	_ =	shalt  }
0x5b: {  	_ =	shalt  }
0x5c: {  	_ =	shalt  }
0x5d: {  	_ =	shalt  }
0x5e: {  	_ =	shalt  }
0x5f: {  	_ =	shalt  }
0x60: {  	_ =	shalt  }
0x61: {  	_ =	shalt  }
0x62: {  	_ =	shalt  }
0x63: {  	_ =	shalt  }
0x64: {  	_ =	shalt  }
0x65: {  	_ =	shalt  }
0x66: {  	_ =	shalt  }
0x67: {  	_ =	shalt  }
0x68: {  	_ =	shalt  }
0x69: {  	_ =	shalt  }
0x6a: {  	_ =	shalt  }
0x6b: {  	_ =	shalt  }
0x6c: {  	_ =	shalt  }
0x6d: {  	_ =	shalt  }
0x6e: {  	_ =	shalt  }
0x6f: {  	_ =	shalt  }
0x70: {  	_ =	shalt  }
0x71: {  	_ =	shalt  }
0x72: {  	_ =	shalt  }
0x73: {  	_ =	shalt  }
0x74: {  	_ =	shalt  }
0x75: {  	_ =	shalt  }
0x76: {  	_ =	shalt  }
0x77: {  	_ =	shalt  }
0x78: {  	_ =	shalt  }
0x79: {  	_ =	shalt  }
0x7a: {  	_ =	shalt  }
0x7b: {  	_ =	shalt  }
0x7c: {  	_ =	shalt  }
0x7d: {  	_ =	shalt  }
0x7e: {  	_ =	shalt  }
0x7f: {  	_ =	shalt  }
0x80: {  	_ =	shalt  }
0x81: {  	_ =	shalt  }
0x82: {  	_ =	shalt  }
0x83: {  	_ =	shalt  }
0x84: {  	_ =	shalt  }
0x85: {  	_ =	shalt  }
0x86: {  	_ =	shalt  }
0x87: {  	_ =	shalt  }
.Lfunc_end0:
.L_simem_size_0:
called_computation_lowered:
.L_overlay_start_0:
0x88: {  	s2 =	sld [smem:$0x3FD9]  }
0x89: {  	s3 =	sld [smem:$0x3FFE];
	_ =	sdelay $0x1  }
0x8a: {  	s1 =	srdreg.scid  }
0x8b: {  	s0 =	sand.u32 $0x1, s1  }
0x8c: {  	s18 =	sshll.u32 s0, $0xA;
	s2 =	sadd.s32 s3, s2  }
0x8d: {  	s2 =	sadd.s32 s2, s18  }
0x8e: {  	[smem:$0x3FC3] =	sst s2  }
0x8f: {  	_ = 	snop  }
0x90: {  	s2 =	sld [smem:$0x3FC9]  }
0x91: {  	s19 =	sld [smem:$0x3FC8]  }
0x92: {  	s4 =	sld [smem:$0x3FC7]  }
0x93: {  	s5 =	sld [smem:$0x3FC6]  }
0x94: {  	s6 =	sld [smem:$0x3FC5]  }
0x95: {  	s7 =	sld [smem:$0x3FD0];
	(tm) =	ssettm $0x1  }
0x96: {  	s8 =	sld [smem:$0x3FFB];
	_ =	sdelay $0x3  }
0x97: {  	_ =	strace s8  }
0x98: {  	s8 =	sld [smem:$0x3FFC];
	_ =	sdelay $0x3  }
0x99: {  	_ =	strace s8  }
0x9a: {  	s8 =	sld [smem:$0x3FFD];
	_ =	sdelay $0x3  }
0x9b: {  	_ =	strace s8  }
0x9c: {  	_ =	strace $0x8FFFFFFF  }
0x9d: {  	s20 =	sld [smem:$0x3FDB];
	_ =	sdelay $0x1  }
0x9e: {  	s9 =	simm.s32 $_scs_section_size  }
0x9f: {  	s10 =	simm.s32 $_size__tile_overlayer_lowered;
	s11 =	simm.s32 $_tile_overlayer_lowered  }
0xa0: {  	s23 =	simm.s32 $0x1BFF;
	s22 =	sshll.u32 s11, $0x1;
	s8 =	sadd.s32 s9, s20  }
0xa1: {  	s12 =	simm.s32 $0x0;
	s21 =	sshll.u32 s10, $0x1;
	s10 =	sadd.s32 s22, s8  }
0xa2: {  	[timem:s12], [sflag:s23] =	dma.local [hbm:s10], s21  }
0xa3: {  	_ =	swait.ge [sflag:s23], s21  }
0xa4: {  	s9 =	ssub.s32 $0x0, s21;
	[sflag:s23] =	ssyncset.done $0x0  }
0xa5: {  	[sflag:s23] =	ssyncadd.s32 s9;
	_ =	sdelay $0x1  }
0xa6: {  	s24 =	simm.s32 $0x1B8B  }
0xa7: {  	_ =	swait.ge [sflag:s24], $0x1  }
0xa8: {  	[sflag:s24] =	ssyncset.done $0x0  }
0xa9: {  	s25 =	simm.s32 $0x1B8E;
	[sflag:s24] =	ssyncadd.s32 $0xFFFFFFFF  }
0xaa: {  	s26 =	simm.s32 $execute0_lowered;
	[smem:$0x3FD2] =	sst s25  }
0xab: {  	s9 =	sshll.u32 s26, $0x1;
	_ =	strace $0x80000046;
	[dreg:$0x1] =	wrdreg $0xFFFFFFFF  }
0xac: {  	s28 =	simm.s32 $_size_execute0_lowered;
	s8 =	sadd.s32 s8, s9;
	[dreg:$0x0] =	wrdreg $0x0  }
0xad: {  	s9 =	sshll.u32 s28, $0x1;
	[dreg:$0x2] =	wrdreg s8  }
0xae: {  	[dreg:$0x3] =	wrdreg s9  }
0xaf: {  	[dreg:$0x4] =	wrdreg $0xC0  }
0xb0: {  	_ =	task [dreg:s12], $0x5FFFF  }
0xb1: {  	[dreg:$0x1] =	wrdreg $0xFFFFFFFF  }
0xb2: {  	[dreg:$0x0] =	wrdreg $0x60  }
0xb3: {  	[dreg:$0x2] =	wrdreg s2  }
0xb4: {  	[dreg:$0x3] =	wrdreg s19  }
0xb5: {  	[dreg:$0x4] =	wrdreg s4  }
0xb6: {  	[dreg:$0x5] =	wrdreg s5  }
0xb7: {  	[dreg:$0x6] =	wrdreg s6  }
0xb8: {  	[dreg:$0x7] =	wrdreg s7  }
0xb9: {  	[dreg:$0x8] =	wrdreg $0x136000  }
0xba: {  	[dreg:$0x9] =	wrdreg $0x9  }
0xbb: {  	_ =	task.clear_ibuf [dreg:s12], $0xAFFFF;
	_ =	strace $0x90000046  }
0xbc: {  	s29 =	simm.s32 $0x9;
	_ =	strace $0x80000048  }
0xbd: {  	_ =	swait.ge [sflag:s29], $0x1  }
0xbe: {  	[sflag:s29] =	ssyncadd.s32 $0xFFFFFFFF  }
0xbf: {  	_ =	strace $0x90000048  }
0xc0: {  	_ =	sfence  }
0xc1: {  	s30 =	sld [smem:$0x0];
	_ =	sdelay $0x2  }
0xc2: {  	s31 =	sshll.u32 s1, $0xD;
	s1 =	sshrl.u32 s1, $0x2  }
0xc3: {  	s3 =	sand.u32 $0x4000, s31;
	s1 =	sadd.s32 s1, s30  }
0xc4: {  	s0 =	sor.u32 s3, s0;
	s1 =	sshll.u32 s1, $0x11  }
0xc5: {  	s0 =	sor.u32 s1, s0  }
0xc6: {  	s0 =	sadd.s32 $0x8F2B, s0  }
0xc7: {  	[sflag:s0] =	ssyncadd.remote.s32 $0x1  }
0xc8: {  	_ =	sfence.sel $0xFFFF  }
0xc9: {  	[dreg:$0x0] =	wrdreg $0xFFFFFFFF;
	(pc) =	sbr.abs _section_cstart, $3  }
0xca: {  	[dreg:$0x1] =	wrdreg $0xFFFFFFFF  }
0xcb: {  	_ =	task.clear_ibuf [dreg:s12], $0x2FFFF;
	_ =	strace $0x9FFFFFFF  }
0xcc: {  	(tm) =	ssettm $0x7FFFFFFF  }
0xcd: {  	_ =	shalt  }
tec
execute0_lowered:
.L_overlay_start_1:
0x0: {  	(tag) =	ssettag $0x1  }
0x1: {  	v0 =	vimm.s32 $0x87654321  }
0x2: {  	v1 =	vimm.s32 $0xFFEDCBA9;
	v2 =	vimm.s32 $0x98765432;
	v3 =	vimm.s32 $0xFFFEDCBA  }
0x3: {  	vm3 =	vcmask $0x1F00;
	v5 =	vimm.s32 $0xF0E0D0C;
	v6 =	vimm.s32 $0xCBA98765  }
0x4: {  	v7 =	vimm.s32 $0xF0F0E0D;
	v8 =	vimm.s32 $0xFEDCBA98;
	v17 =	vimm.s32 $0x0  }
0x5: {  	v0 =	vunpack.c.l.s4.s8 v0;
	v1 =	vunpack.c.l.s4.s8 v1;
	v2 =	vunpack.c.l.s4.s8 v2  }
0x6: {  	v3 =	vunpack.c.l.s4.s8 v3;
	v12 =	vunpack.c.0.s8.s32 v5;
	v5 =	vunpack.c.l.s4.s8 v6  }
0x7: {  	v6 =	vimm.s32 $0xDCBA9876;
	v14 =	vunpack.c.0.s8.s32 v7;
	v7 =	vimm.s32 $0xEDCBA987  }
0x8: {  	s16 =	rddreg [dreg:$0x0];
	v8 =	vunpack.c.l.s4.s8 v8;
	v6 =	vunpack.c.l.s4.s8 v6;
	v7 =	vunpack.c.l.s4.s8 v7  }
0x9: {  	s3 =	rddreg [dreg:$0x3];
	v4 =	vunpack.c.0.s8.s32 v0;
	v9 =	vunpack.c.0.s8.s32 v1;
	v0 =	vimm.s32 $0xA9876543  }
0xa: {  	s4 =	rddreg [dreg:$0x4];
	v2 =	vunpack.c.0.s8.s32 v2;
	v10 =	vunpack.c.0.s8.s32 v3;
	v5 =	vunpack.c.0.s8.s32 v5  }
0xb: {  	s5 =	rddreg [dreg:$0x5];
	v8 =	vunpack.c.0.s8.s32 v8;
	v1 =	vcombine.low v4, v9;
	v4 =	vimm.s32 $0xE0D0C0B  }
0xc: {  	s0 =	rddreg [dreg:$0x6];
	s1 =	srdreg.scid;
	s2 =	simm.s32 $0x0;
	v3 =	vunpack.c.l.s4.s8 v0;
	v11 =	vunpack.c.0.s8.s32 v4;
	v4 =	vimm.s32 $0xBA987654  }
0xd: {  	s9 =	stileid.u32;
	s29 =	simm.s32 $0x1;
	s30 =	simm.s32 $0x2;
	v6 =	vunpack.c.0.s8.s32 v6;
	v7 =	vunpack.c.0.s8.s32 v7;
	v4 =	vunpack.c.l.s4.s8 v4  }
0xe: {  	s31 =	simm.s32 $0x1000;
	s15 =	simm.s32 $0x3300;
	s28 =	simm.s32 $0xB600;
	v2 =	vcombine.low v2, v10;
	v5 =	vnsel vm3, $0xF, v5;
	v8 =	vnsel vm3, $0xF, v8  }
0xf: {  	s1 =	sand.u32 $0x1, s1;
	[smem:$0x7FF] =	sst s2;
	s6 =	sshll.u32 s9, $0x1;
	v9 =	vnsel vm3, $0xF, v9;
	v3 =	vunpack.c.0.s8.s32 v3;
	v4 =	vunpack.c.0.s8.s32 v4  }
0x10: {  	s11 =	sshll.u32 s9, $0x6;
	s18 =	sadd.s32 $0x4000, s0;
	s19 =	sadd.s32 $0x8000, s0;
	v10 =	vnsel vm3, $0xF, v10;
	v6 =	vnsel vm3, $0xF, v6;
	v7 =	vnsel vm3, $0xF, v7  }
0x11: {  	s21 =	sadd.s32 $0xC000, s0;
	s25 =	sshll.u32 s9, $0x9;
	s17 =	ssub.s32 $0x2, s1;
	v3 =	vnsel vm3, $0xF, v3;
	v4 =	vnsel vm3, $0xF, v4;
	vm3 =	vmmov $0x7  }
0x12: {  	_ =	strace $0x80000047;
	s6 =	sor.u32 s1, s6;
	[dreg:$0xd] =	wrdreg s19;
	v17 =	vsel vm3, $0xFFFFFFFF, v17  }
0x13: {  	vm4 =	vcmask $0x2F20;
	vm15 =	vmmov $0xfff;
	s8 =	sor.u32 $0x1C01, s11;
	[dreg:$0xf] =	wrdreg s21;
	s1 =	sshll.u32 s1, $0x8;
	[tilespmem:$0x1FF80] =	vst v17;
	v17 =	vimm.s32 $0x0  }
0x14: {  	vm0 =	vmmov $0x3fff;
	vm5 =	vcmask $0x2320;
	[dreg:$0x9] =	wrdreg s11;
	s26 =	sor.u32 $0x1C02, s11;
	s9 =	sshrl.u32 s18, $0x3;
	v17 =	vsel vm15, $0xFFFFFFFF, v17  }
0x15: {  	vm9 =	vmmov $0x1ff;
	vm6 =	vmmov $0xff;
	s21 =	simm.s32 $0x7600;
	s11 =	simm.s32 $0x3480;
	[dreg:$0xb] =	wrdreg s8;
	[tilespmem:$0x1FF90] =	vst v17;
	v17 =	vimm.s32 $0x0  }
0x16: {  	vm8 =	vmmov $0x7f;
	vm11 =	vmmov $0x3f;
	s19 =	simm.s32 $0x3400;
	s7 =	sshrl.u32 s17, $0x1;
	[dreg:$0x16] =	wrdreg s26;
	v17 =	vsel vm9, $0xFFFFFFFF, v17  }
0x17: {  	vm12 =	vcmask $0xF00;
	v13 =	vimm.s32 $0xF;
	s10 =	sshll.u32 s6, $0xC;
	s6 =	sshll.u32 s6, $0x10;
	[dreg:$0x17] =	wrdreg s9;
	[tilespmem:$0x1FFA0] =	vst v17;
	v17 =	vimm.s32 $0x0  }
0x18: {  	s8 =	simm.s32 $0xF600;
	s12 =	sadd.s32 s16, s6;
	[dreg:$0x8] =	wrdreg s10;
	v5 =	vsel vm4, v14, v5;
	v6 =	vsel vm5, $0xE, v6;
	v17 =	vsel vm8, $0xFFFFFFFF, v17  }
0x19: {  	s2 =	ssub.s32 s17, s7;
	s6 =	sadd.s32 s5, s6;
	[dreg:$0xa] =	wrdreg s12;
	vm5 =	vmmov vm0;
	vm0 =	vcmask $0x300;
	[tilespmem:$0x1FFB0] =	vst v17;
	v17 =	vimm.s32 $0x0  }
0x1a: {  	s23 =	sor.u32 $0x200, s10;
	s24 =	sor.u32 $0x280, s10;
	[dreg:$0x11] =	wrdreg s6;
	v14 =	vnsel vm12, $0xF, v14;
	v15 =	vsel vm0, $0xE, v13;
	v17 =	vsel vm6, $0xFFFFFFFF, v17  }
0x1b: {  	s7 =	simm.s32 $0x4;
	s17 =	simm.s32 $0x3600;
	[dreg:$0x12] =	wrdreg s23;
	vm0 =	vmmov vm11;
	v3 =	vsel vm4, v11, v3;
	[tilespmem:$0x1FFC0] =	vst v17;
	v17 =	vimm.s32 $0x0  }
0x1c: {  	s10 =	simm.s32 $0x0;
	s13 =	sadd.s32 $0x800, s12;
	[dreg:$0x13] =	wrdreg s24;
	v11 =	vnsel vm12, $0xF, v11;
	v4 =	vsel vm4, v12, v4;
	v17 =	vsel vm0, $0xFFFFFFFF, v17  }
.Ltmp0:
0x1d: {  	s20 =	sadd.s32 $0x1000, s12;
	[dreg:$0xc] =	wrdreg s13;
	v12 =	vnsel vm12, $0xF, v12;
	vm12 =	vmmov $0x3;
	[tilespmem:$0x1FFD0] =	vst v17;
	v17 =	vimm.s32 $0x0;
	(pc) =	sbr.rel .LBB2_1-.Ltmp0, $4  }
0x1e: {  	vm1 =	vmmov $0x7fff;
	vm2 =	vmmov $0x1fff;
	s22 =	sadd.s32 $0x1800, s12;
	s2 =	smax.u32 s2, $0x1;
	[dreg:$0xe] =	wrdreg s20;
	v17 =	vsel vm12, $0xFFFFFFFF, v17  }
0x1f: {  	vm7 =	vmmov $0x3ff;
	vm10 =	vmmov $0x1f;
	s6 =	simm.s32 $0x3;
	s12 =	simm.s32 $0x3580;
	[dreg:$0x10] =	wrdreg s22;
	[tilespmem:$0x1FFE0] =	vst v17;
	v17 =	vimm.s32 $0x0  }
0x20: {  	vm14 =	vmmov $0xf;
	v16 =	vlaneseq.u32;
	[dreg:$0x14] =	wrdreg s2;
	s22 =	sor.u32 s1, s25;
	s2 =	sshrl.u32 s0, $0x3;
	v17 =	vsel vm10, $0xFFFFFFFF, v17  }
0x21: {  	v0 =	vimm.s32 $0xFFFFFFFF;
	s13 =	simm.s32 $0x80;
	s20 =	simm.s32 $0x3500;
	[dreg:$0x15] =	wrdreg s2;
	vm11 =	vmmov $0x1;
	vm4 =	vmmov $0x7ff;
	[tilespmem:$0x1FFF0] =	vst v17  }
.LBB2_12:
0x22: {  	v18 =	vshll.u32 v18, $0x4;
	[tilespmem:$0x3480] =	vst v17  }
0x23: {  	[tilespmem:$0x3500] =	vst v18;
	v19 =	vor.u32 $0x1, v18  }
0x24: {  	v20 =	vor.u32 $0x6, v18;
	[tilespmem:$0x3580] =	vst v19  }
0x25: {  	v59 =	vor.u32 $0x9, v18;
	[tilespmem:$0x3530] =	vst v20  }
0x26: {  	v60 =	vor.u32 $0xB, v18;
	[tilespmem:$0x35C0] =	vst v59  }
0x27: {  	v61 =	vor.u32 $0x3, v18;
	[tilespmem:$0x35D0] =	vst v60  }
0x28: {  	v62 =	vor.u32 $0x7, v18;
	[tilespmem:$0x3590] =	vst v61  }
0x29: {  	v63 =	vor.u32 $0x8, v18;
	[tilespmem:$0x35B0] =	vst v62  }
0x2a: {  	v19 =	vor.u32 $0x2, v18;
	[tilespmem:$0x3540] =	vst v63  }
0x2b: {  	[tilespmem:$0x3510] =	vst v19;
	v19 =	vor.u32 $0x4, v18  }
0x2c: {  	[tilespmem:$0x3520] =	vst v19;
	v19 =	vor.u32 $0xA, v18  }
0x2d: {  	[tilespmem:$0x3550] =	vst v19;
	v19 =	vor.u32 $0xE, v18  }
0x2e: {  	[tilespmem:$0x3570] =	vst v19;
	v19 =	vor.u32 $0xF, v18  }
0x2f: {  	[tilespmem:$0x35F0] =	vst v19;
	v19 =	vor.u32 $0x5, v18  }
0x30: {  	[tilespmem:$0x35A0] =	vst v19;
	v19 =	vor.u32 $0xC, v18  }
0x31: {  	v18 =	vor.u32 $0xD, v18;
	[tilespmem:$0x3560] =	vst v19  }
0x32: {  	[tilespmem:$0x35E0] =	vst v18;
	v18 =	vor.u32 $0x2, v17  }
0x33: {  	v19 =	vor.u32 $0x1, v17;
	[tilespmem:$0x34A0] =	vst v18  }
0x34: {  	v18 =	vor.u32 $0x4, v17;
	[tilespmem:$0x3490] =	vst v19  }
0x35: {  	v19 =	vor.u32 $0x3, v17;
	[tilespmem:$0x34C0] =	vst v18  }
0x36: {  	v18 =	vor.u32 $0x5, v17;
	[tilespmem:$0x34B0] =	vst v19  }
0x37: {  	[tilespmem:$0x34D0] =	vst v18;
	v18 =	vor.u32 $0x7, v17  }
0x38: {  	v17 =	vor.u32 $0x6, v17;
	[tilespmem:$0x34F0] =	vst v18  }
0x39: {  	[tilespmem:$0x34E0] =	vst v17  }
0x3a: {  	[tilespmem:s28], [sflag:$0x3] =	stream.indirect.gather [hbm4b:s3+s13], $0x80, s11, s13, $0xb8;
	[tilespmem:$0x14600] =	vst v63  }
0x3b: {  	_ = 	snop  }
0x3c: {  	[tilespmem:s8], [sflag:$0x4] =	stream.indirect.gather [hbm4b:s4+s13], $0x80, s11, s13, $0xb8;
	[tilespmem:$0x14600] =	vst v63  }
0x3d: {  	_ =	swait.ge [sflag:s29], $0x4000  }
0x3e: {  	[sflag:s29] =	ssyncset.done $0x0  }
0x3f: {  	[sflag:s29] =	ssyncadd.s32 $0xFFFFC000  }
0x40: {  	_ =	swait.ge [sflag:s30], $0x4000  }
0x41: {  	[sflag:s30] =	ssyncset.done $0x0  }
0x42: {  	[sflag:s30] =	ssyncadd.s32 $0xFFFFC000  }
0x43: {  	[hbm4b:s5+s13] =	stream.indirect.scatter [tilespmem:s17], [sflag:$0x5], $0x80, s14, s13, $0xb8;
	[tilespmem:$0x14600] =	vst v63  }
0x44: {  	_ = 	snop  }
0x45: {  	[hbm4b:s5+s13] =	stream.indirect.scatter [tilespmem:s21], [sflag:$0x6], $0x80, s19, s13, $0xb8;
	[tilespmem:$0x14600] =	vst v63  }
0x46: {  	_ =	swait.ge [sflag:s6], $0x4000  }
0x47: {  	[sflag:s6] =	ssyncset.done $0x0  }
0x48: {  	[sflag:s6] =	ssyncadd.s32 $0xFFFFC000  }
0x49: {  	_ =	swait.ge [sflag:s7], $0x4000  }
0x4a: {  	[sflag:s7] =	ssyncset.done $0x0  }
0x4b: {  	[sflag:s7] =	ssyncadd.s32 $0xFFFFC000  }
0x4c: {  	[hbm4b:s5+s13] =	stream.indirect.scatter [tilespmem:s28], [sflag:$0x7], $0x80, s20, s13, $0xb8;
	[tilespmem:$0x14600] =	vst v63  }
0x4d: {  	_ = 	snop  }
0x4e: {  	[hbm4b:s5+s13] =	stream.indirect.scatter [tilespmem:s8], [sflag:$0x8], $0x80, s12, s13, $0xb8;
	[tilespmem:$0x14600] =	vst v63  }
.LBB2_13:
0x4f: {  	s0 =	simm.s32 @!p0 $0x5  }
0x50: {  	_ =	swait.ge @!p0 [sflag:s0], $0x4000  }
0x51: {  	[sflag:s0] =	ssyncset.done @!p0 $0x0  }
0x52: {  	[sflag:s0] =	ssyncadd.s32 @!p0 $0xFFFFC000;
	s0 =	simm.s32 @!p0 $0x6  }
0x53: {  	_ =	swait.ge @!p0 [sflag:s0], $0x4000  }
0x54: {  	[sflag:s0] =	ssyncset.done @!p0 $0x0  }
0x55: {  	[sflag:s0] =	ssyncadd.s32 @!p0 $0xFFFFC000;
	s0 =	simm.s32 @!p0 $0x7  }
0x56: {  	_ =	swait.ge @!p0 [sflag:s0], $0x4000  }
0x57: {  	[sflag:s0] =	ssyncset.done @!p0 $0x0  }
0x58: {  	[sflag:s0] =	ssyncadd.s32 @!p0 $0xFFFFC000;
	s0 =	simm.s32 @!p0 $0x8  }
0x59: {  	_ =	swait.ge @!p0 [sflag:s0], $0x4000  }
0x5a: {  	s10 =	sadd.s32 $0x1, s10;
	s1 =	rddreg [dreg:$0x14]  }
0x5b: {  	p1 =	sne.s32 s10, s1  }
.Ltmp1:
0x5c: {  	_ = 	snop;
	(pc) =	sbr.rel @!p1 .LBB2_14-.Ltmp1, $3  }
0x5d: {  	_ =	sdelay $0x1  }
0x5e: {  	[sflag:s0] =	ssyncset.done @!p0 $0x0  }
0x5f: {  	s2 =	rddreg [dreg:$0x15];
	[sflag:s0] =	ssyncadd.s32 @!p0 $0xFFFFC000  }
.LBB2_1:
0x60: {  	[dreg:$0x18] =	wrdreg s10  }
0x61: {  	s0 =	rddreg [dreg:$0xa]  }
0x62: {  	s1 =	rddreg [dreg:$0xb]  }
0x63: {  	[spmem:s2], [sflag:s1] =	dma.local [hbm:s0], $0x800  }
0x64: {  	s0 =	rddreg [dreg:$0xc]  }
0x65: {  	s1 =	rddreg [dreg:$0x16]  }
0x66: {  	[spmem:s9], [sflag:s1] =	dma.local [hbm:s0], $0x800  }
0x67: {  	s0 =	rddreg [dreg:$0x9]  }
0x68: {  	s1 =	rddreg [dreg:$0xd]  }
0x69: {  	s26 =	rddreg [dreg:$0xe];
	s24 =	sor.u32 $0x1C03, s0  }
0x6a: {  	s25 =	sshrl.u32 s1, $0x3;
	[dreg:$0x19] =	wrdreg s24  }
0x6b: {  	s9 =	sor.u32 $0x1C04, s0;
	[dreg:$0x1a] =	wrdreg s25  }
0x6c: {  	[spmem:s25], [sflag:s24] =	dma.local [hbm:s26], $0x800  }
0x6d: {  	[dreg:$0x1b] =	wrdreg s9  }
0x6e: {  	s10 =	rddreg [dreg:$0xf]  }
0x6f: {  	s18 =	rddreg [dreg:$0x10];
	s14 =	sshrl.u32 s10, $0x3  }
0x70: {  	[dreg:$0x1c] =	wrdreg s14  }
0x71: {  	[spmem:s14], [sflag:s9] =	dma.local [hbm:s18], $0x800  }
0x72: {  	s23 =	simm.s32 $0x0;
	s24 =	simm.s32 $0x9;
	s0 =	rddreg [dreg:$0x1]  }
0x73: {  	[tilespmem:s23], [sflag:$0x9] =	stream.linear.gather [hbm4b:s0+s23], $0x800, $0x38;
	[tilespmem:$0x14600] =	vst v63  }
0x74: {  	_ =	swait.ge [sflag:s24], $0x800  }
0x75: {  	[sflag:s24] =	ssyncset.done $0x0  }
0x76: {  	[sflag:s24] =	ssyncadd.s32 $0xFFFFF800  }
0x77: {  	s26 =	simm.s32 $0x800;
	s25 =	rddreg [dreg:$0x2]  }
0x78: {  	[tilespmem:s26], [sflag:$0x9] =	stream.linear.gather [hbm4b:s25+s23], $0x800, $0x38;
	[tilespmem:$0x14600] =	vst v63  }
0x79: {  	_ =	swait.ge [sflag:s24], $0x800  }
0x7a: {  	[sflag:s24] =	ssyncset.done $0x0  }
0x7b: {  	vm13 =	vmmov vm14;
	s0 =	simm.s32 $0x0;
	[sflag:s24] =	ssyncadd.s32 $0xFFFFF800  }
.LBB2_2:
0x7c: {  	p0 =	sne.s32 s0, $0x7FC0  }
.Ltmp2:
0x7d: {  	_ = 	snop;
	(pc) =	sbr.rel @p0 .LBB2_2-.Ltmp2, $3  }
0x7e: {  	_ =	sdelay $0x1  }
0x7f: {  	s1 =	sshra.s32 s0, $0x2  }
0x80: {  	s0 =	sadd.s32 $0x40, s0;
	[tilespmem:s1+$0x1000] =	vst v0  }
0x81: {  	s14 =	simm.s32 $0x0;
	s10 =	simm.s32 $0x800;
	s1 =	rddreg [dreg:$0x15]  }
0x82: {  	s26 =	simm.s32 $0x0;
	s9 =	simm.s32 $0x0;
	s2 =	rddreg [dreg:$0x17];
	vm14 =	vmmov vm11  }
.LBB2_4:
0x83: {  	p0 =	seq.s32 s9, $0x0  }
0x84: {  	s23 =	sshll.u32 s9, $0x9;
	s25 =	rddreg [dreg:$0x8];
	s0 =	simm.s32 @!p0 $0x7  }
0x85: {  	s18 =	sadd.s32 @!p0 s23, s25;
	_ =	swait.ge @!p0 [sflag:s0], $0x800  }
0x86: {  	s18 =	sshll.u32 @!p0 s18, $0x4;
	[sflag:s0] =	ssyncset.done @!p0 $0x0  }
0x87: {  	s18 =	sadd.s32 @!p0 s16, s18;
	s16 =	rddreg [dreg:$0xd];
	[sflag:s0] =	ssyncadd.s32 @!p0 $0xFFFFF800  }
0x88: {  	s0 =	sadd.s32 @!p0 $0x1000, s18;
	s24 =	sshrl.u32 @!p0 s16, $0x3;
	s16 =	rddreg [dreg:$0x19]  }
0x89: {  	[spmem:s24], [sflag:s16] =	dma.local @!p0 [hbm:s0], $0x800  }
0x8a: {  	s0 =	simm.s32 @!p0 $0x8  }
0x8b: {  	_ =	swait.ge @!p0 [sflag:s0], $0x800  }
0x8c: {  	[sflag:s0] =	ssyncset.done @!p0 $0x0  }
0x8d: {  	s16 =	rddreg [dreg:$0xf];
	[sflag:s0] =	ssyncadd.s32 @!p0 $0xFFFFF800  }
0x8e: {  	s0 =	sadd.s32 @!p0 $0x1800, s18;
	s18 =	sshrl.u32 @!p0 s16, $0x3;
	s16 =	rddreg [dreg:$0x1b]  }
0x8f: {  	[spmem:s18], [sflag:s16] =	dma.local @!p0 [hbm:s0], $0x800  }
0x90: {  	_ =	swait.ge [sflag:s29], $0x800  }
0x91: {  	s16 =	sshll.u32 s9, $0xD;
	s18 =	rddreg [dreg:$0x11]  }
0x92: {  	[sflag:s29] =	ssyncset.done $0x0;
	s0 =	sadd.s32 s16, s18;
	s16 =	rddreg [dreg:$0x9]  }
0x93: {  	[sflag:s29] =	ssyncadd.s32 $0xFFFFF800;
	s18 =	sadd.s32 s23, s25;
	s24 =	sor.u32 $0x1C05, s16  }
0x94: {  	[hbm:s0], [sflag:s24] =	dma.local [spmem:s1], $0x800  }
0x95: {  	v17 =	vmov s26;
	s0 =	sshll.u32 s18, $0x4  }
0x96: {  	v18 =	vmov s10;
	s24 =	sor.u32 $0x1C06, s16;
	_ =	swait.ge [sflag:s30], $0x800;
	[dreg:$0x1e] =	wrdreg s26  }
0x97: {  	s25 =	sadd.s32 s5, s0;
	[dreg:$0x1d] =	wrdreg s10;
	[sflag:s30] =	ssyncset.done $0x0  }
0x98: {  	s26 =	simm.s32 $0x0;
	s0 =	sadd.s32 $0x800, s25;
	[sflag:s30] =	ssyncadd.s32 $0xFFFFF800  }
0x99: {  	[hbm:s0], [sflag:s24] =	dma.local [spmem:s2], $0x800  }
0x9a: {  	v19 =	vld.idx.msk [tilespmem:v17+s26+$0x0 ss:$0x1], $0xffff  }
0x9b: {  	v20 =	vld.idx.msk [tilespmem:v18+s26+$0x0 ss:$0x1], $0xffff;
	_ =	sdelay $0x3  }
0x9c: {  	v19 =	vshll.u32 v19, $0x4  }
0x9d: {  	v19 =	vadd.s32 v20, v19  }
0x9e: {  	v20 =	vperm.xlane v19, v1  }
0x9f: {  	vm10 =	vmmov vm8;
	vm8 =	vmmov vm6;
	vm6 =	vmmov vm9  }
0xa0: {  	vm9 =	vmmov vm15;
	vm15 =	veq.s32 v19, v20;
	v20 =	vimm.s32 $0x0  }
0xa1: {  	v20 =	vsel vm15, $0xFFFFFFFF, v20  }
0xa2: {  	[tilespmem:$0x1FF50] =	vst v20  }
0xa3: {  	v56 =	vld [tilespmem:$0x1FF50];
	_ =	sdelay $0x2  }
0xa4: {  	v22 =	vperm.xlane v19, v3  }
0xa5: {  	v54 =	vimm.s32 $0x0;
	vm11 =	vmmov vm12  }
0xa6: {  	v24 =	vperm.xlane v19, v2;
	vm3 =	veq.s32 v19, v22;
	vm12 =	vnez.u8 v56  }
0xa7: {  	v57 =	vimm.s32 $0x0;
	v22 =	vsel vm3, $0xFFFFFFFF, v54;
	vm3 =	vmand vm12, vm1  }
0xa8: {  	vm15 =	veq.s32 v19, v24;
	[tilespmem:$0x1FF60] =	vst v22;
	v24 =	vsel vm3, $0xFFFFFFFF, v57  }
0xa9: {  	v58 =	vld [tilespmem:$0x1FF60];
	[tilespmem:$0x1FF70] =	vst v24  }
0xaa: {  	v26 =	vld [tilespmem:$0x1FF70];
	_ =	sdelay $0x2  }
0xab: {  	v23 =	vperm.xlane v19, v8;
	v25 =	vperm.xlane v19, v7  }
0xac: {  	v55 =	vperm.xlane v19, v4;
	v20 =	vperm.xlane v19, v5;
	vm3 =	vnez.u8 v58  }
0xad: {  	vm15 =	vmand vm15, vm5;
	vm12 =	vmand vm3, vm2;
	vm3 =	vnez.u8 v26  }
0xae: {  	v59 =	vperm.xlane v19, v6;
	vm15 =	vmor vm3, vm15;
	vm3 =	veq.s32 v19, v55  }
0xaf: {  	vm12 =	vmor vm15, vm12;
	vm15 =	veq.s32 v19, v20;
	vm9 =	vmand vm3, vm9  }
0xb0: {  	v61 =	vld [tilespmem:$0x1FFF0];
	v20 =	vperm.xlane v19, v9;
	vm3 =	vmand vm15, vm4;
	vm15 =	veq.s32 v19, v59  }
0xb1: {  	vm12 =	vmor vm12, vm9;
	vm9 =	vmand vm15, vm7;
	vm15 =	veq.s32 v19, v25  }
0xb2: {  	v60 =	vperm.xlane v19, v10;
	vm12 =	vmor vm12, vm3;
	vm3 =	vmand vm15, vm6  }
0xb3: {  	vm15 =	vmor vm12, vm9;
	vm6 =	veq.s32 v19, v23;
	vm9 =	veq.s32 v19, v20  }
0xb4: {  	v20 =	vperm.xlane v19, v11;
	vm3 =	vmor vm15, vm3;
	vm15 =	vmand vm6, vm8  }
0xb5: {  	vm12 =	vnez.u8 v61;
	vm6 =	vmor vm3, vm15  }
0xb6: {  	vm3 =	veq.s32 v19, v60;
	vm15 =	vmand vm9, vm10;
	vm8 =	veq.s32 v19, v20  }
0xb7: {  	v20 =	vperm.xlane v19, v14;
	vm6 =	vmor vm6, vm15;
	vm15 =	vmand vm3, vm0  }
0xb8: {  	vm6 =	vmor vm6, vm15;
	vm15 =	vmand vm8, vm12  }
0xb9: {  	vm8 =	vmor vm6, vm15;
	vm15 =	veq.s32 v19, v20;
	v20 =	vld [tilespmem:$0x1FF80];
	_ =	sdelay $0x1  }
0xba: {  	v21 =	vperm.xlane v19, v12;
	_ =	sdelay $0x1  }
0xbb: {  	v62 =	vperm.xlane v19, v15;
	vm0 =	veq.s32 v19, v21  }
0xbc: {  	v63 =	vperm.xlane v19, v13;
	vm3 =	vmand vm0, vm13;
	vm0 =	vnez.u8 v20  }
0xbd: {  	vm3 =	vmor vm8, vm3;
	vm6 =	vmand vm15, vm0;
	vm15 =	veq.s32 v19, v62  }
0xbe: {  	vm8 =	vmand vm15, vm11;
	vm15 =	vmor vm3, vm6;
	vm3 =	veq.s32 v19, v63  }
0xbf: {  	vm6 =	vmor vm15, vm8;
	vm15 =	vmand vm3, vm14  }
0xc0: {  	vm15 =	vmor vm6, vm15  }
0xc1: {  	s18 =	simm.s32 $0x40;
	s0 =	smov.u32 s14;
	s24 =	smov.u32 s14;
	vm9 =	vmmov vm13;
	vm13 =	vmmov vm0;
	vm15 =	vmneg vm15  }
.LBB2_5:
0xc2: {  	_ =	sdelay $0x3  }
0xc3: {  	s16 =	smov.u32 s18;
	v20 =	vor.u32 s24, v16  }
0xc4: {  	s16 =	sshra.s32 s16, $0x2;
	[tilespmem:v19+s31+$0x0] =	vst.idx.msk vm15, v20  }
0xc5: {  	v19 =	vld.idx.msk [tilespmem:v17+s16+$0x0 ss:$0x1], $0xffff  }
0xc6: {  	v20 =	vld.idx.msk [tilespmem:v18+s16+$0x0 ss:$0x1], $0xffff;
	_ =	sdelay $0x3  }
0xc7: {  	v19 =	vshll.u32 v19, $0x4  }
0xc8: {  	v19 =	vadd.s32 v20, v19  }
0xc9: {  	vm6 =	vmmov vm1;
	vm8 =	vmmov vm2;
	v20 =	vperm.xlane v19, v1  }
0xca: {  	vm10 =	vmmov vm4;
	v57 =	vld [tilespmem:$0x1FF90];
	v22 =	vperm.xlane v19, v3;
	v25 =	vperm.xlane v19, v2  }
0xcb: {  	v56 =	vperm.xlane v19, v4;
	v26 =	vperm.xlane v19, v6;
	vm15 =	veq.s32 v19, v20  }
0xcc: {  	v20 =	vperm.xlane v19, v5;
	vm0 =	veq.s32 v19, v22;
	vm3 =	veq.s32 v19, v25  }
0xcd: {  	vm15 =	vmand vm15, vm1;
	vm0 =	vmand vm0, vm2;
	vm1 =	veq.s32 v19, v56  }
0xce: {  	v61 =	vld [tilespmem:$0x1FFB0];
	vm3 =	vmand vm3, vm5;
	vm2 =	veq.s32 v19, v20;
	v20 =	vperm.xlane v19, v9  }
0xcf: {  	vm3 =	vmor vm15, vm3;
	vm15 =	vnez.u8 v57;
	vm2 =	vmand vm2, vm4  }
0xd0: {  	vm4 =	veq.s32 v19, v26;
	vm1 =	vmand vm1, vm15;
	vm0 =	vmor vm3, vm0  }
0xd1: {  	v58 =	vld [tilespmem:$0x1FFA0];
	vm4 =	vmand vm4, vm7;
	vm0 =	vmor vm0, vm1  }
0xd2: {  	v60 =	vld [tilespmem:$0x1FFC0];
	vm1 =	veq.s32 v19, v20;
	v20 =	vperm.xlane v19, v11;
	vm0 =	vmor vm0, vm2  }
0xd3: {  	vm0 =	vmor vm0, vm4;
	vm4 =	vnez.u8 v61  }
0xd4: {  	v24 =	vperm.xlane v19, v7;
	vm1 =	vmand vm1, vm4;
	vm4 =	veq.s32 v19, v20;
	v20 =	vld [tilespmem:$0x1FFD0]  }
0xd5: {  	vm11 =	vmmov vm7;
	v23 =	vperm.xlane v19, v8;
	v59 =	vperm.xlane v19, v10  }
0xd6: {  	vm3 =	vnez.u8 v58;
	vm7 =	vmmov vm5;
	vm5 =	veq.s32 v19, v24  }
0xd7: {  	vm15 =	veq.s32 v19, v23;
	vm3 =	vmand vm5, vm3;
	vm2 =	vnez.u8 v60  }
0xd8: {  	vm5 =	veq.s32 v19, v59;
	vm2 =	vmand vm15, vm2;
	vm0 =	vmor vm0, vm3  }
0xd9: {  	vm0 =	vmor vm0, vm2;
	vm3 =	vnez.u8 v20;
	v20 =	vperm.xlane v19, v14  }
0xda: {  	vm0 =	vmor vm0, vm1;
	vm3 =	vmand vm5, vm3  }
0xdb: {  	vm0 =	vmor vm0, vm3;
	vm3 =	veq.s32 v19, v20;
	v20 =	vld [tilespmem:$0x1FFE0]  }
0xdc: {  	v21 =	vperm.xlane v19, v12  }
0xdd: {  	v62 =	vperm.xlane v19, v15  }
0xde: {  	v63 =	vperm.xlane v19, v13;
	vm2 =	vmand vm4, vm12;
	vm5 =	veq.s32 v19, v21  }
0xdf: {  	p0 =	sne.s32 s18, $0x3C0;
	vm1 =	vmand vm5, vm9;
	vm0 =	vmor vm0, vm2;
	vm2 =	vmand vm3, vm13  }
.Ltmp3:
0xe0: {  	vm3 =	veq.s32 v19, v62;
	vm0 =	vmor vm0, vm1;
	vm1 =	vnez.u8 v20;
	(pc) =	sbr.rel @p0 .LBB2_5-.Ltmp3, $4  }
0xe1: {  	vm0 =	vmor vm0, vm2;
	vm1 =	vmand vm3, vm1;
	vm3 =	veq.s32 v19, v63  }
0xe2: {  	vm4 =	vmmov vm10;
	vm2 =	vmand vm3, vm14;
	vm0 =	vmor vm0, vm1  }
0xe3: {  	s0 =	sadd.s32 $0x10, s0;
	vm5 =	vmmov vm7;
	vm7 =	vmmov vm11;
	vm0 =	vmor vm0, vm2  }
0xe4: {  	s18 =	sadd.s32 $0x40, s18;
	s24 =	smov.u32 s0;
	vm1 =	vmmov vm6;
	vm2 =	vmmov vm8;
	vm15 =	vmneg vm0  }
0xe5: {  	v17 =	vld [tilespmem:$0x1FFE0];
	_ =	sdelay $0x4  }
0xe6: {  	vm0 =	vnez.u8 v17;
	v17 =	vld [tilespmem:$0x1FFD0];
	_ =	sdelay $0x4  }
0xe7: {  	vm11 =	vnez.u8 v17;
	v17 =	vld [tilespmem:$0x1FFB0];
	_ =	sdelay $0x4  }
0xe8: {  	vm10 =	vnez.u8 v17;
	v17 =	vld [tilespmem:$0x1FFC0];
	_ =	sdelay $0x4  }
0xe9: {  	vm8 =	vnez.u8 v17;
	v17 =	vld [tilespmem:$0x1FFA0];
	_ =	sdelay $0x4  }
0xea: {  	vm6 =	vnez.u8 v17;
	v17 =	vld [tilespmem:$0x1FF90];
	_ =	sdelay $0x4  }
0xeb: {  	vm13 =	vmmov vm9;
	vm9 =	vnez.u8 v17;
	v17 =	vor.u32 s24, v16  }
0xec: {  	[tilespmem:v19+s31+$0x0] =	vst.idx.msk vm15, v17  }
0xed: {  	s0 =	sadd.s32 $0x1000, s25;
	_ =	swait.ge [sflag:s6], $0x800  }
0xee: {  	p0 =	seq.s32 s9, $0x7;
	[sflag:s6] =	ssyncset.done $0x0;
	s18 =	rddreg [dreg:$0x9]  }
0xef: {  	s1 =	rddreg [dreg:$0x1a];
	[sflag:s6] =	ssyncadd.s32 $0xFFFFF800;
	s16 =	sor.u32 $0x1C07, s18  }
0xf0: {  	[hbm:s0], [sflag:s16] =	dma.local [spmem:s1], $0x800  }
.Ltmp4:
0xf1: {  	_ = 	snop;
	(pc) =	sbr.rel @p0 .LBB2_7-.Ltmp4, $4  }
0xf2: {  	_ =	swait.ge [sflag:s7], $0x800  }
0xf3: {  	s24 =	sadd.s32 $0x1800, s25;
	[sflag:s7] =	ssyncset.done $0x0  }
0xf4: {  	s25 =	sor.u32 $0x1C08, s18;
	s26 =	rddreg [dreg:$0x1c];
	[sflag:s7] =	ssyncadd.s32 $0xFFFFF800  }
0xf5: {  	[hbm:s24], [sflag:s25] =	dma.local [spmem:s26], $0x800  }
0xf6: {  	s1 =	simm.s32 $0x5  }
0xf7: {  	_ =	swait.ge [sflag:s1], $0x800  }
0xf8: {  	s0 =	rddreg [dreg:$0x12];
	[sflag:s1] =	ssyncset.done $0x0  }
0xf9: {  	s10 =	rddreg [dreg:$0xb];
	s0 =	sadd.s32 s23, s0;
	[sflag:s1] =	ssyncadd.s32 $0xFFFFF800  }
0xfa: {  	s0 =	sshll.u32 s0, $0x4;
	s16 =	rddreg [dreg:$0x0]  }
0xfb: {  	s2 =	simm.s32 $0x6;
	s1 =	rddreg [dreg:$0x15];
	s0 =	sadd.s32 s16, s0  }
0xfc: {  	[spmem:s1], [sflag:s10] =	dma.local [hbm:s0], $0x800  }
0xfd: {  	_ =	swait.ge [sflag:s2], $0x800  }
0xfe: {  	s25 =	rddreg [dreg:$0x13]  }
0xff: {  	[sflag:s2] =	ssyncset.done $0x0;
	s0 =	sadd.s32 s23, s25  }
0x100: {  	s26 =	rddreg [dreg:$0x16];
	[sflag:s2] =	ssyncadd.s32 $0xFFFFF800;
	s0 =	sshll.u32 s0, $0x4  }
.Ltmp5:
0x101: {  	s2 =	rddreg [dreg:$0x17];
	s0 =	sadd.s32 s16, s0;
	(pc) =	sbr.rel .LBB2_4-.Ltmp5, $4  }
0x102: {  	[spmem:s2], [sflag:s26] =	dma.local [hbm:s0], $0x800  }
0x103: {  	s10 =	rddreg [dreg:$0x1d]  }
0x104: {  	s9 =	sadd.s32 $0x1, s9;
	vm15 =	vmmov vm9;
	vm9 =	vmmov vm6;
	vm6 =	vmmov vm8;
	s26 =	rddreg [dreg:$0x1e]  }
0x105: {  	s14 =	sadd.s32 $0x100, s14;
	vm8 =	vmmov vm10;
	vm12 =	vmmov vm0;
	vm0 =	vmmov vm11;
	s10 =	sadd.s32 $0x100, s10;
	s26 =	sadd.s32 $0x100, s26  }
.LBB2_7:
0x106: {  	s2 =	sadd.s32 $0x0, s22  }
0x107: {  	v18 =	vor.u32 s2, v16;
	_ =	sdelay $0x4  }
0x108: {  	v19 =	vld.idx.msk [tilespmem:v18+s31+$0x0], $0xffff;
	_ =	sdelay $0x3  }
0x109: {  	v17 =	vshll.u32 v18, $0xB  }
0x10a: {  	vm9 =	vgt.s32 v19, $0xFFFFFFFF;
	v17 =	vadd.s32 v17, v19  }
0x10b: {  	v20 =	vmpcnt.ones.xlane vm9;
	v17 =	vxor.u32 $0x80000000, v17  }
0x10c: {  	v17 =	vnsel vm9, $0x7FFFFFFF, v17  }
0x10d: {  	v20 =	vxor.u32 $0x80000000, v20;
	(xrf0) =	vmax.scan.msk.u32 $0xffff, v17  }
0x10e: {  	(xrf0) =	vmax.scan.msk.u32 $0xffff, v20;
	_ =	sdelay $0x4  }
0x10f: {  	s26 =	sadd.s32 $0x10, s22;
	v17, _, _ =	vpop (xrf0)  }
0x110: {  	v20, _, _ =	vpop (xrf0);
	(v2sf) =	vpush v17, $0xF;
	v17 =	vor.u32 s26, v16  }
0x111: {  	(v2sf) =	vpush v20, $0xF  }
0x112: {  	s1 =	simm.s32 $0x0  }
0x113: {  	[tilespmem:s1+$0x3000] =	vst.msk vm9, v19  }
0x114: {  	[tilespmem:s1+$0x3180] =	vst.msk vm9, v18  }
0x115: {  	v18 =	vld.idx.msk [tilespmem:v17+s31+$0x0], $0xffff;
	_ =	sdelay $0x3  }
0x116: {  	v19 =	vshll.u32 v17, $0xB  }
0x117: {  	vm15 =	vgt.s32 v18, $0xFFFFFFFF;
	v19 =	vadd.s32 v19, v18  }
0x118: {  	v20 =	vmpcnt.ones.xlane vm15;
	v19 =	vxor.u32 $0x80000000, v19  }
0x119: {  	v19 =	vnsel vm15, $0x7FFFFFFF, v19  }
0x11a: {  	v20 =	vxor.u32 $0x80000000, v20;
	(xrf0) =	vmax.scan.msk.u32 $0xffff, v19  }
0x11b: {  	(xrf0) =	vmax.scan.msk.u32 $0xffff, v20  }
0x11c: {  	s0 =	simm.s32 $0xFFFFFFFF;
	s14 =	sadd.s32 $0x20, s22;
	s9 =	spop (v2sf)  }
0x11d: {  	vm12 =	vmmov vm0;
	vm0 =	vmmov vm11;
	vm11 =	vmmov vm14;
	s2 =	simm.s32 $0x30;
	s9 =	sxor.u32 $0x80000000, s9;
	s16 =	spop (v2sf)  }
.LBB2_8:
0x11e: {  	s18 =	smov.u32 s0;
	p0 =	sne.s32 s2, $0xF0;
	s0 =	sadd.s32 s16, s1  }
0x11f: {  	v19 =	vor.u32 s14, v16;
	p1 =	sgt.s32 s18, s9;
	s1 =	sadd.s32 $0x80000000, s0;
	s0 =	smov.u32 s9  }
0x120: {  	v20, _, _ =	vpop (xrf0);
	s0 =	smov.u32 @p1 s18  }
0x121: {  	[tilespmem:s1+$0x3000] =	vst.msk vm15, v18;
	v18, _, _ =	vpop (xrf0);
	(v2sf) =	vpush v20, $0xF  }
0x122: {  	[tilespmem:s1+$0x3180] =	vst.msk vm15, v17;
	(v2sf) =	vpush v18, $0xF;
	v17 =	vmov v19;
	_ =	sdelay $0x1  }
0x123: {  	v18 =	vld.idx.msk [tilespmem:v19+s31+$0x0], $0xffff;
	_ =	sdelay $0x4  }
0x124: {  	v19 =	vshll.u32 v17, $0xB  }
0x125: {  	vm15 =	vgt.s32 v18, $0xFFFFFFFF;
	v19 =	vadd.s32 v19, v18  }
0x126: {  	v20 =	vmpcnt.ones.xlane vm15;
	v19 =	vxor.u32 $0x80000000, v19  }
0x127: {  	v19 =	vnsel vm15, $0x7FFFFFFF, v19  }
.Ltmp6:
0x128: {  	v20 =	vxor.u32 $0x80000000, v20;
	(xrf0) =	vmax.scan.msk.u32 $0xffff, v19;
	(pc) =	sbr.rel @p0 .LBB2_8-.Ltmp6, $3  }
0x129: {  	(xrf0) =	vmax.scan.msk.u32 $0xffff, v20;
	_ =	sdelay $0x1  }
0x12a: {  	s14 =	sadd.s32 s2, s22;
	s9 =	spop (v2sf)  }
0x12b: {  	s2 =	sadd.s32 $0x10, s2;
	s9 =	sxor.u32 $0x80000000, s9;
	s16 =	spop (v2sf)  }
0x12c: {  	v19 =	vor.u32 s14, v16  }
0x12d: {  	s1 =	sadd.s32 s16, s1  }
0x12e: {  	s1 =	sadd.s32 $0x80000000, s1  }
0x12f: {  	[tilespmem:s1+$0x3000] =	vst.msk vm15, v18  }
0x130: {  	[tilespmem:s1+$0x3180] =	vst.msk vm15, v17  }
0x131: {  	v17 =	vld.idx.msk [tilespmem:v19+s31+$0x0], $0xffff;
	_ =	sdelay $0x3  }
0x132: {  	v18 =	vshll.u32 v19, $0xB  }
0x133: {  	vm15 =	vgt.s32 v17, $0xFFFFFFFF;
	v18 =	vadd.s32 v18, v17  }
0x134: {  	v20 =	vmpcnt.ones.xlane vm15;
	v18 =	vxor.u32 $0x80000000, v18  }
0x135: {  	v18 =	vnsel vm15, $0x7FFFFFFF, v18  }
0x136: {  	v20 =	vxor.u32 $0x80000000, v20;
	(xrf0) =	vmax.scan.msk.u32 $0xffff, v18  }
0x137: {  	(xrf0) =	vmax.scan.msk.u32 $0xffff, v20;
	_ =	sdelay $0x2  }
0x138: {  	v18, _, _ =	vpop (xrf0)  }
0x139: {  	v62, _, _ =	vpop (xrf0);
	(v2sf) =	vpush v18, $0xF  }
0x13a: {  	(v2sf) =	vpush v62, $0xF;
	v18, _, _ =	vpop (xrf0)  }
0x13b: {  	v63, _, _ =	vpop (xrf0);
	(v2sf) =	vpush v18, $0xF  }
0x13c: {  	(v2sf) =	vpush v63, $0xF;
	_ =	sdelay $0xb  }
0x13d: {  	p0 =	sgt.s32 s0, s9;
	s2 =	spop (v2sf)  }
0x13e: {  	s9 =	smov.u32 @p0 s0;
	s23 =	spop (v2sf)  }
0x13f: {  	s0 =	sxor.u32 $0x80000000, s2;
	s1 =	sadd.s32 s23, s1;
	s24 =	spop (v2sf)  }
0x140: {  	p0 =	sgt.s32 s9, s0;
	s1 =	sadd.s32 $0x80000000, s1;
	s25 =	spop (v2sf)  }
0x141: {  	s0 =	smov.u32 @p0 s9;
	s2 =	sxor.u32 $0x80000000, s24;
	s26 =	sadd.s32 s25, s1  }
0x142: {  	p0 =	sgt.s32 s0, s2;
	s9 =	sadd.s32 $0x80000000, s26  }
0x143: {  	s2 =	smov.u32 @p0 s0;
	p0 =	slt.s32 s9, $0x1  }
0x144: {  	[tilespmem:s1+$0x3000] =	vst.msk vm15, v17;
	s0 =	sand.u32 @!p0 $0x7FF, s2  }
0x145: {  	[tilespmem:s1+$0x3180] =	vst.msk vm15, v19;
	v17 =	vmov @!p0 s0  }
0x146: {  	s0 =	sshra.s32 @!p0 s2, $0xB;
	[tilespmem:s9+$0x3000] =	vst @!p0 v17  }
0x147: {  	v18 =	vmov @!p0 s0;
	[tilespmem:s9+$0x3010] =	vst @!p0 v17  }
0x148: {  	[tilespmem:s9+$0x3180] =	vst @!p0 v18  }
0x149: {  	s10 =	simm.s32 $0x5;
	[tilespmem:s9+$0x3190] =	vst @!p0 v18  }
0x14a: {  	_ =	swait.ge [sflag:s10], $0x800  }
0x14b: {  	s14 =	simm.s32 $0x6;
	[sflag:s10] =	ssyncset.done $0x0  }
0x14c: {  	s18 =	simm.s32 $0x7;
	s1 =	simm.s32 $0x1;
	[sflag:s10] =	ssyncadd.s32 $0xFFFFF800  }
0x14d: {  	s26 =	simm.s32 $0x8;
	s16 =	sadd.s32 $0x1F, s9;
	_ =	swait.ge [sflag:s14], $0x800  }
0x14e: {  	s23 =	sand.u32 $0x1F, s16;
	s24 =	sshra.s32 s16, $0x1F;
	[sflag:s14] =	ssyncset.done $0x0  }
0x14f: {  	p1 =	slt.s32 s16, $0x1;
	p2 =	sne.s32 s23, $0x0;
	[sflag:s14] =	ssyncadd.s32 $0xFFFFF800  }
0x150: {  	s25 =	sshrl.u32 s24, $0x1B;
	p1 =	por !p1, !p2;
	_ =	swait.ge [sflag:s18], $0x800  }
0x151: {  	s0 =	sadd.s32 s25, s16;
	p1 =	por !p1, !p1;
	[sflag:s18] =	ssyncset.done $0x0  }
0x152: {  	s0 =	sshra.s32 s0, $0x5;
	s1 =	simm.s32 @!p1 $0x0;
	[sflag:s18] =	ssyncadd.s32 $0xFFFFF800  }
0x153: {  	s0 =	ssub.s32 s0, s1;
	_ =	swait.ge [sflag:s26], $0x800  }
0x154: {  	p1 =	slt.s32 s0, $0x1;
	v17 =	vld [tilespmem:$0x1FF90]  }
.Ltmp7:
0x155: {  	_ = 	snop;
	(pc) =	sbr.rel @p1 .LBB2_13-.Ltmp7, $4  }
0x156: {  	_ = 	snop  }
0x157: {  	[sflag:s26] =	ssyncset.done $0x0;
	s9 =	rddreg [dreg:$0x17]  }
0x158: {  	vm9 =	vmmov vm6;
	vm6 =	vmmov vm8;
	s10 =	rddreg [dreg:$0x18];
	[sflag:s26] =	ssyncadd.s32 $0xFFFFF800  }
0x159: {  	vm8 =	vmmov vm10;
	vm14 =	vmmov vm13;
	s14 =	simm.s32 $0x3380;
	s16 =	rddreg [dreg:$0x0];
	vm15 =	vnez.u8 v17  }
0x15a: {  	p1 =	por $0x1, $0x1  }
0x15b: {  	s1 =	simm.s32 @!p1 $0x5  }
0x15c: {  	_ =	swait.ge @!p1 [sflag:s1], $0x4000  }
0x15d: {  	[sflag:s1] =	ssyncset.done @!p1 $0x0  }
0x15e: {  	[sflag:s1] =	ssyncadd.s32 @!p1 $0xFFFFC000;
	s1 =	simm.s32 @!p1 $0x6  }
0x15f: {  	_ =	swait.ge @!p1 [sflag:s1], $0x4000  }
0x160: {  	[sflag:s1] =	ssyncset.done @!p1 $0x0  }
0x161: {  	[sflag:s1] =	ssyncadd.s32 @!p1 $0xFFFFC000;
	s1 =	simm.s32 @!p1 $0x7  }
0x162: {  	_ =	swait.ge @!p1 [sflag:s1], $0x4000  }
0x163: {  	[sflag:s1] =	ssyncset.done @!p1 $0x0  }
0x164: {  	[sflag:s1] =	ssyncadd.s32 @!p1 $0xFFFFC000;
	s1 =	simm.s32 @!p1 $0x8  }
0x165: {  	_ =	swait.ge @!p1 [sflag:s1], $0x4000  }
0x166: {  	[sflag:s1] =	ssyncset.done @!p1 $0x0  }
0x167: {  	s18 =	simm.s32 $0x3010;
	[sflag:s1] =	ssyncadd.s32 @!p1 $0xFFFFC000  }
0x168: {  	s24 =	simm.s32 $0x3190;
	v17 =	vld [tilespmem:s18+$0xFFFFFFF0]  }
0x169: {  	v18 =	vld [tilespmem:s24+$0xFFFFFFF0];
	_ =	sdelay $0x3  }
0x16a: {  	v17 =	vshll.u32 v17, $0x3  }
0x16b: {  	v18 =	vshll.u32 v18, $0x4;
	[tilespmem:$0x3300] =	vst v17  }
0x16c: {  	v19 =	vor.u32 $0x2, v17;
	[tilespmem:$0x3380] =	vst v18  }
0x16d: {  	v20 =	vor.u32 $0x1, v17;
	[tilespmem:$0x3320] =	vst v19  }
0x16e: {  	v19 =	vor.u32 $0xF, v18;
	[tilespmem:$0x3310] =	vst v20  }
0x16f: {  	v20 =	vor.u32 $0x1, v18;
	[tilespmem:$0x3470] =	vst v19  }
0x170: {  	v19 =	vor.u32 $0x2, v18;
	[tilespmem:$0x3400] =	vst v20  }
0x171: {  	v20 =	vor.u32 $0xC, v18;
	[tilespmem:$0x3390] =	vst v19  }
0x172: {  	v19 =	vor.u32 $0x3, v18;
	[tilespmem:$0x33E0] =	vst v20  }
0x173: {  	v20 =	vor.u32 $0x5, v17;
	[tilespmem:$0x3410] =	vst v19  }
0x174: {  	v19 =	vor.u32 $0x7, v18;
	[tilespmem:$0x3350] =	vst v20  }
0x175: {  	v20 =	vor.u32 $0x4, v17;
	[tilespmem:$0x3430] =	vst v19  }
0x176: {  	v19 =	vor.u32 $0xE, v18;
	[tilespmem:$0x3340] =	vst v20  }
0x177: {  	v20 =	vor.u32 $0xA, v18;
	[tilespmem:$0x33F0] =	vst v19  }
0x178: {  	v19 =	vor.u32 $0x4, v18;
	[tilespmem:$0x33D0] =	vst v20  }
0x179: {  	v20 =	vor.u32 $0x3, v17;
	[tilespmem:$0x33A0] =	vst v19  }
0x17a: {  	v19 =	vor.u32 $0x7, v17;
	[tilespmem:$0x3330] =	vst v20  }
0x17b: {  	v20 =	vor.u32 $0x6, v18;
	[tilespmem:$0x3370] =	vst v19  }
0x17c: {  	v17 =	vor.u32 $0x6, v17;
	[tilespmem:$0x33B0] =	vst v20  }
0x17d: {  	v19 =	vor.u32 $0xD, v18;
	[tilespmem:$0x3360] =	vst v17  }
0x17e: {  	v17 =	vor.u32 $0x5, v18;
	[tilespmem:$0x3460] =	vst v19  }
0x17f: {  	v19 =	vor.u32 $0xB, v18;
	[tilespmem:$0x3420] =	vst v17  }
0x180: {  	v17 =	vor.u32 $0x9, v18;
	[tilespmem:$0x3450] =	vst v19  }
0x181: {  	v18 =	vor.u32 $0x8, v18;
	[tilespmem:$0x3440] =	vst v17  }
0x182: {  	[tilespmem:$0x33C0] =	vst v18  }
0x183: {  	[tilespmem:s17], [sflag:$0x1] =	stream.indirect.gather [hbm4b:s3+s13], $0x80, s15, s13, $0xb8;
	[tilespmem:$0x14600] =	vst v63  }
0x184: {  	s0 =	ssub.s32 $0x0, s0  }
0x185: {  	[tilespmem:s21], [sflag:$0x2] =	stream.indirect.gather [hbm4b:s4+s13], $0x80, s15, s13, $0xb8;
	[tilespmem:$0x14600] =	vst v63  }
0x186: {  	p1 =	sne.s32 s0, $0xFFFFFFFF;
	v17 =	vld [tilespmem:s18+$0x0]  }
.Ltmp8:
0x187: {  	v18 =	vld [tilespmem:s24+$0x0];
	(pc) =	sbr.rel @!p1 .LBB2_12-.Ltmp8, $2  }
0x188: {  	_ =	sdelay $0x2  }
0x189: {  	s1 =	simm.s32 $0xFFFFFFFF;
	v17 =	vshll.u32 v17, $0x3  }
.LBB2_11:
0x18a: {  	s24 =	sadd.s32 $0x20, s24  }
0x18b: {  	v18 =	vshll.u32 v18, $0x4;
	s18 =	sadd.s32 $0x20, s18;
	s2 =	smov.u32 s1;
	s1 =	sadd.s32 $0xFFFFFFFF, s1  }
0x18c: {  	p1 =	sne.s32 s0, s1;
	[tilespmem:$0x3500] =	vst v18;
	v19 =	vor.u32 $0x1, v18;
	v20 =	vor.u32 $0x5, v18;
	v21 =	vor.u32 $0xC, v18  }
0x18d: {  	v22 =	vor.u32 $0x6, v18;
	v23 =	vor.u32 $0xD, v18;
	[tilespmem:$0x3580] =	vst v19;
	v19 =	vor.u32 $0x2, v18  }
0x18e: {  	v24 =	vor.u32 $0x4, v18;
	v25 =	vor.u32 $0x7, v18;
	[tilespmem:$0x3510] =	vst v19;
	v19 =	vor.u32 $0x3, v18  }
0x18f: {  	v26 =	vor.u32 $0x9, v18;
	v27 =	vor.u32 $0xA, v18;
	[tilespmem:$0x3530] =	vst v22;
	v22 =	vor.u32 $0x8, v18  }
0x190: {  	v28 =	vor.u32 $0xE, v18;
	[tilespmem:$0x3520] =	vst v24;
	v24 =	vor.u32 $0xB, v18;
	v18 =	vor.u32 $0xF, v18  }
0x191: {  	[tilespmem:$0x35C0] =	vst v26  }
0x192: {  	[tilespmem:$0x3550] =	vst v27  }
0x193: {  	[tilespmem:$0x35D0] =	vst v24  }
0x194: {  	[tilespmem:$0x3570] =	vst v28  }
0x195: {  	[tilespmem:$0x3590] =	vst v19  }
0x196: {  	[tilespmem:$0x35F0] =	vst v18  }
0x197: {  	[tilespmem:$0x35B0] =	vst v25  }
0x198: {  	[tilespmem:$0x35A0] =	vst v20  }
0x199: {  	[tilespmem:$0x3540] =	vst v22  }
0x19a: {  	[tilespmem:$0x3560] =	vst v21  }
0x19b: {  	[tilespmem:$0x35E0] =	vst v23  }
0x19c: {  	v19 =	vor.u32 $0x2, v17;
	v18 =	vor.u32 $0x1, v17;
	[tilespmem:$0x3480] =	vst v17  }
0x19d: {  	v20 =	vor.u32 $0x4, v17;
	[tilespmem:$0x34A0] =	vst v19;
	v19 =	vor.u32 $0x3, v17  }
0x19e: {  	[tilespmem:$0x34C0] =	vst v20  }
0x19f: {  	[tilespmem:$0x3490] =	vst v18;
	v18 =	vor.u32 $0x5, v17  }
0x1a0: {  	[tilespmem:$0x34D0] =	vst v18;
	v18 =	vor.u32 $0x6, v17;
	v17 =	vor.u32 $0x7, v17  }
0x1a1: {  	[tilespmem:$0x34F0] =	vst v17  }
0x1a2: {  	[tilespmem:$0x34B0] =	vst v19  }
0x1a3: {  	[tilespmem:$0x34E0] =	vst v18  }
0x1a4: {  	[tilespmem:s28], [sflag:$0x3] =	stream.indirect.gather [hbm4b:s3+s13], $0x80, s11, s13, $0xb8;
	[tilespmem:$0x14600] =	vst v63  }
0x1a5: {  	_ = 	snop  }
0x1a6: {  	[tilespmem:s8], [sflag:$0x4] =	stream.indirect.gather [hbm4b:s4+s13], $0x80, s11, s13, $0xb8;
	[tilespmem:$0x14600] =	vst v63  }
0x1a7: {  	_ =	swait.ge [sflag:s29], $0x4000  }
0x1a8: {  	[sflag:s29] =	ssyncset.done $0x0  }
0x1a9: {  	[sflag:s29] =	ssyncadd.s32 $0xFFFFC000  }
0x1aa: {  	_ =	swait.ge [sflag:s30], $0x4000  }
0x1ab: {  	[sflag:s30] =	ssyncset.done $0x0  }
0x1ac: {  	[sflag:s30] =	ssyncadd.s32 $0xFFFFC000  }
0x1ad: {  	[hbm4b:s5+s13] =	stream.indirect.scatter [tilespmem:s17], [sflag:$0x5], $0x80, s14, s13, $0xb8;
	[tilespmem:$0x14600] =	vst v63  }
0x1ae: {  	_ = 	snop  }
0x1af: {  	[hbm4b:s5+s13] =	stream.indirect.scatter [tilespmem:s21], [sflag:$0x6], $0x80, s19, s13, $0xb8;
	[tilespmem:$0x14600] =	vst v63  }
0x1b0: {  	_ =	swait.ge [sflag:s6], $0x4000  }
0x1b1: {  	[sflag:s6] =	ssyncset.done $0x0  }
0x1b2: {  	[sflag:s6] =	ssyncadd.s32 $0xFFFFC000  }
0x1b3: {  	_ =	swait.ge [sflag:s7], $0x4000  }
0x1b4: {  	[sflag:s7] =	ssyncset.done $0x0  }
0x1b5: {  	[sflag:s7] =	ssyncadd.s32 $0xFFFFC000  }
0x1b6: {  	[hbm4b:s5+s13] =	stream.indirect.scatter [tilespmem:s28], [sflag:$0x7], $0x80, s20, s13, $0xb8;
	[tilespmem:$0x14600] =	vst v63  }
0x1b7: {  	p2 =	seq.s32 s2, $0x0  }
0x1b8: {  	[hbm4b:s5+s13] =	stream.indirect.scatter [tilespmem:s8], [sflag:$0x8], $0x80, s12, s13, $0xb8;
	[tilespmem:$0x14600] =	vst v63  }
0x1b9: {  	s2 =	simm.s32 @!p2 $0x5  }
0x1ba: {  	_ =	swait.ge @!p2 [sflag:s2], $0x4000  }
0x1bb: {  	[sflag:s2] =	ssyncset.done @!p2 $0x0  }
0x1bc: {  	[sflag:s2] =	ssyncadd.s32 @!p2 $0xFFFFC000;
	s2 =	simm.s32 @!p2 $0x6  }
0x1bd: {  	_ =	swait.ge @!p2 [sflag:s2], $0x4000  }
0x1be: {  	[sflag:s2] =	ssyncset.done @!p2 $0x0  }
0x1bf: {  	[sflag:s2] =	ssyncadd.s32 @!p2 $0xFFFFC000;
	s2 =	simm.s32 @!p2 $0x7  }
0x1c0: {  	_ =	swait.ge @!p2 [sflag:s2], $0x4000  }
0x1c1: {  	[sflag:s2] =	ssyncset.done @!p2 $0x0  }
0x1c2: {  	[sflag:s2] =	ssyncadd.s32 @!p2 $0xFFFFC000;
	s2 =	simm.s32 @!p2 $0x8  }
0x1c3: {  	_ =	swait.ge @!p2 [sflag:s2], $0x4000  }
0x1c4: {  	[sflag:s2] =	ssyncset.done @!p2 $0x0  }
0x1c5: {  	[sflag:s2] =	ssyncadd.s32 @!p2 $0xFFFFC000  }
0x1c6: {  	v17 =	vld [tilespmem:s18+$0xFFFFFFF0]  }
0x1c7: {  	v18 =	vld [tilespmem:s24+$0xFFFFFFF0];
	_ =	sdelay $0x3  }
0x1c8: {  	v17 =	vshll.u32 v17, $0x3  }
0x1c9: {  	[tilespmem:$0x3300] =	vst v17;
	v18 =	vshll.u32 v18, $0x4;
	v19 =	vor.u32 $0x1, v17;
	v20 =	vor.u32 $0x2, v17  }
0x1ca: {  	[tilespmem:$0x3380] =	vst v18;
	v21 =	vor.u32 $0x1, v18;
	v22 =	vor.u32 $0x2, v18;
	v23 =	vor.u32 $0xF, v18  }
0x1cb: {  	v24 =	vor.u32 $0x3, v18;
	v25 =	vor.u32 $0x7, v18;
	[tilespmem:$0x3320] =	vst v20;
	v20 =	vor.u32 $0x4, v18  }
0x1cc: {  	v26 =	vor.u32 $0x6, v18;
	v27 =	vor.u32 $0xC, v18;
	[tilespmem:$0x3310] =	vst v19;
	v19 =	vor.u32 $0x5, v18  }
0x1cd: {  	v28 =	vor.u32 $0x8, v18;
	v29 =	vor.u32 $0x9, v18;
	v30 =	vor.u32 $0xA, v18;
	[tilespmem:$0x3470] =	vst v23  }
0x1ce: {  	v23 =	vor.u32 $0xD, v18;
	[tilespmem:$0x3400] =	vst v21;
	v21 =	vor.u32 $0xB, v18;
	v18 =	vor.u32 $0xE, v18  }
0x1cf: {  	v31 =	vor.u32 $0x4, v17;
	v32 =	vor.u32 $0x5, v17;
	[tilespmem:$0x3390] =	vst v22;
	v22 =	vor.u32 $0x3, v17  }
0x1d0: {  	v33 =	vor.u32 $0x6, v17;
	v17 =	vor.u32 $0x7, v17;
	[tilespmem:$0x33E0] =	vst v27  }
0x1d1: {  	[tilespmem:$0x3410] =	vst v24  }
0x1d2: {  	[tilespmem:$0x3350] =	vst v32  }
0x1d3: {  	[tilespmem:$0x3430] =	vst v25  }
0x1d4: {  	[tilespmem:$0x3340] =	vst v31  }
0x1d5: {  	[tilespmem:$0x33F0] =	vst v18  }
0x1d6: {  	[tilespmem:$0x33D0] =	vst v30  }
0x1d7: {  	[tilespmem:$0x33A0] =	vst v20  }
0x1d8: {  	[tilespmem:$0x3330] =	vst v22  }
0x1d9: {  	[tilespmem:$0x3370] =	vst v17  }
0x1da: {  	[tilespmem:$0x33B0] =	vst v26  }
0x1db: {  	[tilespmem:$0x3360] =	vst v33  }
0x1dc: {  	[tilespmem:$0x3460] =	vst v23  }
0x1dd: {  	[tilespmem:$0x3420] =	vst v19  }
0x1de: {  	[tilespmem:$0x3450] =	vst v21  }
0x1df: {  	[tilespmem:$0x3440] =	vst v29  }
0x1e0: {  	[tilespmem:$0x33C0] =	vst v28  }
0x1e1: {  	[tilespmem:s17], [sflag:$0x1] =	stream.indirect.gather [hbm4b:s3+s13], $0x80, s15, s13, $0xb8;
	[tilespmem:$0x14600] =	vst v63  }
0x1e2: {  	_ = 	snop  }
0x1e3: {  	[tilespmem:s21], [sflag:$0x2] =	stream.indirect.gather [hbm4b:s4+s13], $0x80, s15, s13, $0xb8;
	[tilespmem:$0x14600] =	vst v63  }
0x1e4: {  	v17 =	vld [tilespmem:s18+$0x0]  }
.Ltmp9:
0x1e5: {  	v18 =	vld [tilespmem:s24+$0x0];
	(pc) =	sbr.rel @p1 .LBB2_11-.Ltmp9, $2  }
0x1e6: {  	_ =	sdelay $0x2  }
0x1e7: {  	v17 =	vshll.u32 v17, $0x3  }
.Ltmp10:
0x1e8: {  	_ = 	snop;
	(pc) =	sbr.rel .LBB2_12-.Ltmp10, $1  }
0x1e9: {  	_ =	sdelay $0x3  }
.LBB2_14:
0x1ea: {  	_ =	sfence.sel $0x180000  }
0x1eb: {  	[bflag:$0x0] =	sbarrier.arrive $0xFFFF  }
0x1ec: {  	_ =	strace $0x90000047  }
0x1ed: {  	s0 =	stileid.u32;
	[bflag:$0x2] =	sbarrier.arrive $0xFFFF  }
0x1ee: {  	p0 =	sne.s32 s0, $0x0;
	s0 =	rddreg [dreg:$0x7]  }
0x1ef: {  	s0 =	sadd.s32 @!p0 $0x100000, s0  }
0x1f0: {  	[sflag:s0] =	ssyncadd.tile.s32 @!p0 $0x1;
	_ =	shalt  }
.Lfunc_end2:
_tile_overlayer_lowered:
.L_overlay_start_2:
0x1f1: {  	(tag) =	ssettag $0x2  }
0x1f2: {  	s0 =	rddreg [dreg:$0x0];
	s2 =	stileid.u32  }
0x1f3: {  	s1 =	rddreg [dreg:$0x1];
	p0 =	sne.s32 s2, $0x0  }
0x1f4: {  	s3 =	rddreg [dreg:$0x2];
	[bflag:$0x3] =	sbarrier.arrive $0xFFFF;
	s2 =	simm.s32 @!p0 $0x1C09  }
0x1f5: {  	[timem:s3], [sflag:s2] =	dma.local @!p0 [hbm:s0], s1  }
0x1f6: {  	s0 =	simm.s32 @!p0 $0x9  }
0x1f7: {  	_ =	swait.ge @!p0 [sflag:s0], s1  }
0x1f8: {  	s1 =	ssub.s32 @!p0 $0x0, s1;
	[sflag:s0] =	ssyncset.done @!p0 $0x0  }
0x1f9: {  	[sflag:s0] =	ssyncadd.s32 @!p0 s1  }
0x1fa: {  	[bflag:$0x3] =	sbarrier.arrive $0xFFFF  }
0x1fb: {  	_ =	shalt  }

</sc_bundles>
